<compile_context>
chip_gen: v7x
topology: tpu7x:2x2x1
jax: 0.10.2.dev20260603
libtpu: 0.0.44.dev20260713+nightly
codegen_flags: <defaults>
</compile_context>

<pallas_src>
import functools

import jax
import jax.numpy as jnp
from jax import lax
from jax.experimental import pallas as pl
from jax.experimental.pallas import tpu as pltpu
from jax.experimental.pallas import tpu_sc as plsc

N_NODES = 10000
N_EDGES = 320000
HIDDEN = 128

NC = 2
NS = 16
NW = NC * NS

CHUNK = 64
CHUNKS_PER_TILE = 160
HALF = CHUNKS_PER_TILE // 4
NBUF = 4
E_TILE = CHUNKS_PER_TILE * CHUNK
E_PAD = E_TILE * NW

ROWS_PER_TILE = 640
N_PAD = ROWS_PER_TILE * NS
JUNK_ROW = N_NODES


def _sc_body(src_hbm, dst_hbm, x_hbm, out_hbm, src_v, dst_v, rows_v, agg_sh,
             sem0, sem1, sem2, sem3):
    sems = (sem0, sem1, sem2, sem3)
    c = lax.axis_index("c")
    s = lax.axis_index("s")
    wid = c * NS + s

    def zrow(r, carry):
        for k in range(HIDDEN // 16):
            rows_v[0, r, pl.ds(k * 16, 16)] = jnp.zeros((16,), jnp.float32)
        return carry

    lax.fori_loop(0, CHUNK, zrow, 0)

    def zcpy(i, carry):
        pltpu.sync_copy(
            rows_v.at[0], agg_sh.at[pl.ds(s * ROWS_PER_TILE + i * CHUNK, CHUNK)]
        )
        return carry

    lax.fori_loop(0, ROWS_PER_TILE // CHUNK, zcpy, 0)

    pltpu.sync_copy(src_hbm.at[wid, pl.ds(0, HALF)], src_v)
    pltpu.sync_copy(dst_hbm.at[wid, pl.ds(0, HALF)], dst_v)

    plsc.subcore_barrier()

    for h in range(CHUNKS_PER_TILE // HALF):
        if h > 0:
            pltpu.sync_copy(src_hbm.at[wid, pl.ds(h * HALF, HALF)], src_v)
            pltpu.sync_copy(dst_hbm.at[wid, pl.ds(h * HALF, HALF)], dst_v)

        pltpu.async_copy(x_hbm.at[src_v.at[0]], rows_v.at[0], sems[0])
        pltpu.async_copy(x_hbm.at[src_v.at[1]], rows_v.at[1], sems[1])
        pltpu.async_copy(x_hbm.at[src_v.at[2]], rows_v.at[2], sems[2])

        def step(t, carry):
            for p in range(NBUF):
                j = NBUF * t + p
                nxt = j + 3
                nb = (p + 3) % NBUF
                pltpu.make_async_copy(
                    x_hbm.at[src_v.at[j]], rows_v.at[p], sems[p]
                ).wait()
                if p < 1:
                    pltpu.async_copy(
                        x_hbm.at[src_v.at[nxt]], rows_v.at[nb], sems[nb]
                    )
                else:
                    @pl.when(nxt < HALF)
                    def _():
                        pltpu.async_copy(
                            x_hbm.at[src_v.at[nxt]], rows_v.at[nb], sems[nb]
                        )
                pltpu.sync_copy(rows_v.at[p], agg_sh.at[dst_v.at[j]], add=True)
            return carry

        lax.fori_loop(0, HALF // NBUF, step, 0)

    plsc.subcore_barrier()

    pltpu.sync_copy(
        agg_sh.at[pl.ds(s * ROWS_PER_TILE, ROWS_PER_TILE)],
        out_hbm.at[c, pl.ds(s * ROWS_PER_TILE, ROWS_PER_TILE)],
    )


def _sc_aggregate(src3, dst3, x):
    mesh = plsc.VectorSubcoreMesh(
        core_axis_name="c", subcore_axis_name="s", num_cores=NC, num_subcores=NS
    )
    return pl.kernel(
        _sc_body,
        out_type=jax.ShapeDtypeStruct((NC, N_PAD, HIDDEN), jnp.float32),
        mesh=mesh,
        scratch_types=[
            pltpu.VMEM((HALF, CHUNK), jnp.int32),
            pltpu.VMEM((HALF, CHUNK), jnp.int32),
            pltpu.VMEM((NBUF, CHUNK, HIDDEN), jnp.float32),
            pltpu.VMEM_SHARED((N_PAD, HIDDEN), jnp.float32),
            pltpu.SemaphoreType.DMA,
            pltpu.SemaphoreType.DMA,
            pltpu.SemaphoreType.DMA,
            pltpu.SemaphoreType.DMA,
        ],
    )(src3, dst3, x)


BLK = 1000
GRID = N_NODES // BLK


def _fused_body(x_ref, agg_ref, w1_ref, b1_ref, w2_ref, b2_ref,
                gamma_ref, beta_ref, res_ref, out_ref, h2_s, stat_s):
    i = pl.program_id(0)

    @pl.when(i < GRID)
    def _():
        h = x_ref[...] + agg_ref[0] + agg_ref[1]
        h1 = jnp.dot(h, w1_ref[...], preferred_element_type=jnp.float32)
        h1 = jnp.maximum(h1 + b1_ref[...], 0.0)
        h2 = jnp.dot(h1, w2_ref[...], preferred_element_type=jnp.float32)
        h2 = h2 + b2_ref[...]
        h2_s[pl.ds(i * BLK, BLK), :] = h2

        @pl.when(i == 0)
        def _():
            stat_s[...] = jnp.zeros_like(stat_s)

        stat_s[0:1, :] += jnp.sum(h2, axis=0, keepdims=True)
        stat_s[1:2, :] += jnp.sum(h2 * h2, axis=0, keepdims=True)

    @pl.when(i >= GRID)
    def _():
        k = i - GRID
        n = jnp.float32(N_NODES)
        mean = stat_s[0:1, :] / n
        var = stat_s[1:2, :] / n - mean * mean
        rstd = lax.rsqrt(var + 1e-5)
        h2 = h2_s[pl.ds(k * BLK, BLK), :]
        normed = (h2 - mean) * rstd * gamma_ref[...] + beta_ref[...]
        out_ref[...] = jnp.maximum(normed, 0.0) + res_ref[...]


def _mlp_bn_residual(x, agg2, W1, b1, W2, b2, gamma, beta, residual):
    phase1 = lambda i: (jnp.minimum(i, GRID - 1), 0)
    phase2 = lambda i: (jnp.maximum(i - GRID, 0), 0)
    fixed = lambda i: (0, 0)
    return pl.pallas_call(
        _fused_body,
        grid=(2 * GRID,),
        in_specs=[
            pl.BlockSpec((BLK, HIDDEN), phase1),
            pl.BlockSpec((NC, BLK, HIDDEN),
                         lambda i: (0, jnp.minimum(i, GRID - 1), 0)),
            pl.BlockSpec((HIDDEN, HIDDEN), fixed),
            pl.BlockSpec((1, HIDDEN), fixed),
            pl.BlockSpec((HIDDEN, HIDDEN), fixed),
            pl.BlockSpec((1, HIDDEN), fixed),
            pl.BlockSpec((1, HIDDEN), fixed),
            pl.BlockSpec((1, HIDDEN), fixed),
            pl.BlockSpec((BLK, HIDDEN), phase2),
        ],
        out_specs=pl.BlockSpec((BLK, HIDDEN), phase2),
        out_shape=jax.ShapeDtypeStruct((N_NODES, HIDDEN), jnp.float32),
        scratch_shapes=[
            pltpu.VMEM((N_NODES, HIDDEN), jnp.float32),
            pltpu.VMEM((2, HIDDEN), jnp.float32),
        ],
    )(x, agg2, W1, b1.reshape(1, HIDDEN), W2, b2.reshape(1, HIDDEN),
      gamma.reshape(1, HIDDEN), beta.reshape(1, HIDDEN), residual)


def kernel(x, edge_index, residual, W1, b1, W2, b2, gamma, beta):
    ei = edge_index.astype(jnp.int32)
    pad = E_PAD - N_EDGES
    pad_i = jnp.arange(pad, dtype=jnp.int32)
    src = jnp.concatenate([ei[0], pad_i % N_NODES])
    dst = jnp.concatenate([ei[1], JUNK_ROW + pad_i % (N_PAD - N_NODES)])
    src3 = src.reshape(NW, CHUNKS_PER_TILE, CHUNK)
    dst3 = dst.reshape(NW, CHUNKS_PER_TILE, CHUNK)

    agg2 = _sc_aggregate(src3, dst3, x)
    return _mlp_bn_residual(x, agg2, W1, b1, W2, b2, gamma, beta, residual)

# --- scband reference (transcript-rebuilt; emitter-appended) ---
"""Pipeline reference for scband-ginconv-block-63780264345859 (READ-ONLY COPY).

The authoritative reference and input builder live on the scoring server;
editing this copy changes nothing except your own understanding.
"""

import jax, jax.numpy as jnp
import numpy as np

N_NODES = 10000
N_EDGES = 320000
HIDDEN = 128


def setup_inputs(seed: int = 0) -> dict:
    key = jax.random.key(seed)
    ks = jax.random.split(key, 10)
    x = jax.random.normal(ks[0], (N_NODES, HIDDEN), dtype=jnp.float32)
    edge_index = jax.random.randint(ks[1], (2, N_EDGES), 0, N_NODES, dtype=jnp.int64)
    residual = jax.random.normal(ks[2], (N_NODES, HIDDEN), dtype=jnp.float32)
    # GIN MLP: Linear(128,128) -> ReLU -> Linear(128,128) (num_hidden_layers=1)
    s1 = 1.0 / np.sqrt(HIDDEN)
    W1 = jax.random.uniform(ks[3], (HIDDEN, HIDDEN), jnp.float32, -s1, s1)
    b1 = jax.random.uniform(ks[4], (HIDDEN,), jnp.float32, -s1, s1)
    W2 = jax.random.uniform(ks[5], (HIDDEN, HIDDEN), jnp.float32, -s1, s1)
    b2 = jax.random.uniform(ks[6], (HIDDEN,), jnp.float32, -s1, s1)
    # BatchNorm1d affine params
    gamma = jnp.ones((HIDDEN,), dtype=jnp.float32)
    beta = jnp.zeros((HIDDEN,), dtype=jnp.float32)
    return {"x": x, "edge_index": edge_index, "residual": residual,
            "W1": W1, "b1": b1, "W2": W2, "b2": b2,
            "gamma": gamma, "beta": beta}


def reference(x, edge_index, residual, W1, b1, W2, b2, gamma, beta):
    src = edge_index[0]
    dst = edge_index[1]
    # GINConv aggregation: sum of neighbor messages (scatter-add by dst)
    msgs = jnp.take(x, src, axis=0)
    agg = jax.ops.segment_sum(msgs, dst, num_segments=x.shape[0])
    # (1 + eps) * x + agg, default eps = 0
    h = x + agg
    # MLP
    h = h @ W1 + b1
    h = jax.nn.relu(h)
    h = h @ W2 + b2
    # BatchNorm1d (training mode: batch statistics, biased variance)
    mean = jnp.mean(h, axis=0)
    var = jnp.var(h, axis=0)
    h = (h - mean) / jnp.sqrt(var + 1e-5) * gamma + beta
    # activation
    h = jax.nn.relu(h)
    # dropout: identity in eval mode
    # residual connection
    out = h + residual
    return out

if __name__ == "__main__":
    import jax
    _d = setup_inputs()
    print(jax.jit(kernel)(*tuple(_d.values())))

</pallas_src>

<mosaic_0001>
#map = affine_map<(d0, d1) -> (0, 0, 0)>
#map1 = affine_map<(d0, d1) -> (0, 0)>
module attributes {stable_mosaic.version = 14 : i64} {
  func.func @_sc_body(%arg0: i32, %arg1: i32, %arg2: memref<32x160x64xi32, #tpu.memory_space<hbm>>, %arg3: memref<32x160x64xi32, #tpu.memory_space<hbm>>, %arg4: memref<10000x128xf32, #tpu.memory_space<hbm>>, %arg5: memref<2x10240x128xf32, #tpu.memory_space<hbm>>, %arg6: memref<40x64xi32, #tpu.memory_space<vmem>>, %arg7: memref<40x64xi32, #tpu.memory_space<vmem>>, %arg8: memref<4x64x128xf32, #tpu.memory_space<vmem>>, %arg9: memref<10240x128xf32, #tpu.memory_space<vmem_shared>>, %arg10: memref<!tpu.dma_semaphore, #tpu.memory_space<semaphore_mem>>, %arg11: memref<!tpu.dma_semaphore, #tpu.memory_space<semaphore_mem>>, %arg12: memref<!tpu.dma_semaphore, #tpu.memory_space<semaphore_mem>>, %arg13: memref<!tpu.dma_semaphore, #tpu.memory_space<semaphore_mem>>) attributes {dimension_semantics = [#tpu.dimension_semantics<core_parallel>, #tpu.dimension_semantics<subcore_parallel>], iteration_bounds = array<i64: 2, 16>, scalar_prefetch = 0 : i64, scratch_operands = 8 : i64, tpu.core_type = #tpu.core_type<sc_vector_subcore>, window_params = [{transform_indices = #map}, {transform_indices = #map}, {transform_indices = #map1}, {transform_indices = #map}]} {
    %mul3A = arith.constant 16 : i32
    %mul3A_0 = arith.muli %arg0, %mul3A : i32
    %add3A = arith.addi %mul3A_0, %arg1 : i32
    %scan3A = arith.constant 0 : i32
    %scan3A_1 = arith.constant 0 : i32
    %scan3A_2 = arith.constant 64 : i32
    %scan3A_3 = arith.addi %scan3A_1, %scan3A_2 : i32
    %scan3A_4 = arith.constant 1 : i32
    scf.for %scan3A_184 = %scan3A_1 to %scan3A_3 step %scan3A_4  : i32 {
      %broadcast_in_dim3A = arith.constant 0.000000e+00 : f32
      %broadcast_in_dim3A_185 = vector.broadcast %broadcast_in_dim3A : f32 to vector<16xf32>
      %swap3A = arith.constant 0 : i32
      %swap3A_186 = arith.index_cast %swap3A : i32 to index
      %swap3A_187 = arith.index_cast %scan3A_184 : i32 to index
      %swap3A_188 = arith.constant 0 : index
      %swap3A_189 = tpu.vector_load %arg8[%swap3A_186, %swap3A_187, %swap3A_188] {strides = array<i32>} : memref<4x64x128xf32, #tpu.memory_space<vmem>>, vector<1x1x16xf32>,
      %swap3A_190 = vector.shape_cast %swap3A_189 : vector<1x1x16xf32> to vector<16xf32>
      %swap3A_191 = vector.shape_cast %broadcast_in_dim3A_185 : vector<16xf32> to vector<1x1x16xf32>
      tpu.vector_store %arg8[%swap3A_186, %swap3A_187, %swap3A_188], %swap3A_191 {strides = array<i32>} : memref<4x64x128xf32, #tpu.memory_space<vmem>>, vector<1x1x16xf32>,
      %broadcast_in_dim3A_192 = arith.constant 0.000000e+00 : f32
      %broadcast_in_dim3A_193 = vector.broadcast %broadcast_in_dim3A_192 : f32 to vector<16xf32>
      %swap3A_194 = arith.constant 0 : i32
      %swap3A_195 = arith.index_cast %swap3A_194 : i32 to index
      %swap3A_196 = arith.index_cast %scan3A_184 : i32 to index
      %swap3A_197 = arith.constant 16 : index
      %swap3A_198 = tpu.vector_load %arg8[%swap3A_195, %swap3A_196, %swap3A_197] {strides = array<i32>} : memref<4x64x128xf32, #tpu.memory_space<vmem>>, vector<1x1x16xf32>,
      %swap3A_199 = vector.shape_cast %swap3A_198 : vector<1x1x16xf32> to vector<16xf32>
      %swap3A_200 = vector.shape_cast %broadcast_in_dim3A_193 : vector<16xf32> to vector<1x1x16xf32>
      tpu.vector_store %arg8[%swap3A_195, %swap3A_196, %swap3A_197], %swap3A_200 {strides = array<i32>} : memref<4x64x128xf32, #tpu.memory_space<vmem>>, vector<1x1x16xf32>,
      %broadcast_in_dim3A_201 = arith.constant 0.000000e+00 : f32
      %broadcast_in_dim3A_202 = vector.broadcast %broadcast_in_dim3A_201 : f32 to vector<16xf32>
      %swap3A_203 = arith.constant 0 : i32
      %swap3A_204 = arith.index_cast %swap3A_203 : i32 to index
      %swap3A_205 = arith.index_cast %scan3A_184 : i32 to index
      %swap3A_206 = arith.constant 32 : index
      %swap3A_207 = tpu.vector_load %arg8[%swap3A_204, %swap3A_205, %swap3A_206] {strides = array<i32>} : memref<4x64x128xf32, #tpu.memory_space<vmem>>, vector<1x1x16xf32>,
      %swap3A_208 = vector.shape_cast %swap3A_207 : vector<1x1x16xf32> to vector<16xf32>
      %swap3A_209 = vector.shape_cast %broadcast_in_dim3A_202 : vector<16xf32> to vector<1x1x16xf32>
      tpu.vector_store %arg8[%swap3A_204, %swap3A_205, %swap3A_206], %swap3A_209 {strides = array<i32>} : memref<4x64x128xf32, #tpu.memory_space<vmem>>, vector<1x1x16xf32>,
      %broadcast_in_dim3A_210 = arith.constant 0.000000e+00 : f32
      %broadcast_in_dim3A_211 = vector.broadcast %broadcast_in_dim3A_210 : f32 to vector<16xf32>
      %swap3A_212 = arith.constant 0 : i32
      %swap3A_213 = arith.index_cast %swap3A_212 : i32 to index
      %swap3A_214 = arith.index_cast %scan3A_184 : i32 to index
      %swap3A_215 = arith.constant 48 : index
      %swap3A_216 = tpu.vector_load %arg8[%swap3A_213, %swap3A_214, %swap3A_215] {strides = array<i32>} : memref<4x64x128xf32, #tpu.memory_space<vmem>>, vector<1x1x16xf32>,
      %swap3A_217 = vector.shape_cast %swap3A_216 : vector<1x1x16xf32> to vector<16xf32>
      %swap3A_218 = vector.shape_cast %broadcast_in_dim3A_211 : vector<16xf32> to vector<1x1x16xf32>
      tpu.vector_store %arg8[%swap3A_213, %swap3A_214, %swap3A_215], %swap3A_218 {strides = array<i32>} : memref<4x64x128xf32, #tpu.memory_space<vmem>>, vector<1x1x16xf32>,
      %broadcast_in_dim3A_219 = arith.constant 0.000000e+00 : f32
      %broadcast_in_dim3A_220 = vector.broadcast %broadcast_in_dim3A_219 : f32 to vector<16xf32>
      %swap3A_221 = arith.constant 0 : i32
      %swap3A_222 = arith.index_cast %swap3A_221 : i32 to index
      %swap3A_223 = arith.index_cast %scan3A_184 : i32 to index
      %swap3A_224 = arith.constant 64 : index
      %swap3A_225 = tpu.vector_load %arg8[%swap3A_222, %swap3A_223, %swap3A_224] {strides = array<i32>} : memref<4x64x128xf32, #tpu.memory_space<vmem>>, vector<1x1x16xf32>,
      %swap3A_226 = vector.shape_cast %swap3A_225 : vector<1x1x16xf32> to vector<16xf32>
      %swap3A_227 = vector.shape_cast %broadcast_in_dim3A_220 : vector<16xf32> to vector<1x1x16xf32>
      tpu.vector_store %arg8[%swap3A_222, %swap3A_223, %swap3A_224], %swap3A_227 {strides = array<i32>} : memref<4x64x128xf32, #tpu.memory_space<vmem>>, vector<1x1x16xf32>,
      %broadcast_in_dim3A_228 = arith.constant 0.000000e+00 : f32
      %broadcast_in_dim3A_229 = vector.broadcast %broadcast_in_dim3A_228 : f32 to vector<16xf32>
      %swap3A_230 = arith.constant 0 : i32
      %swap3A_231 = arith.index_cast %swap3A_230 : i32 to index
      %swap3A_232 = arith.index_cast %scan3A_184 : i32 to index
      %swap3A_233 = arith.constant 80 : index
      %swap3A_234 = tpu.vector_load %arg8[%swap3A_231, %swap3A_232, %swap3A_233] {strides = array<i32>} : memref<4x64x128xf32, #tpu.memory_space<vmem>>, vector<1x1x16xf32>,
      %swap3A_235 = vector.shape_cast %swap3A_234 : vector<1x1x16xf32> to vector<16xf32>
      %swap3A_236 = vector.shape_cast %broadcast_in_dim3A_229 : vector<16xf32> to vector<1x1x16xf32>
      tpu.vector_store %arg8[%swap3A_231, %swap3A_232, %swap3A_233], %swap3A_236 {strides = array<i32>} : memref<4x64x128xf32, #tpu.memory_space<vmem>>, vector<1x1x16xf32>,
      %broadcast_in_dim3A_237 = arith.constant 0.000000e+00 : f32
      %broadcast_in_dim3A_238 = vector.broadcast %broadcast_in_dim3A_237 : f32 to vector<16xf32>
      %swap3A_239 = arith.constant 0 : i32
      %swap3A_240 = arith.index_cast %swap3A_239 : i32 to index
      %swap3A_241 = arith.index_cast %scan3A_184 : i32 to index
      %swap3A_242 = arith.constant 96 : index
      %swap3A_243 = tpu.vector_load %arg8[%swap3A_240, %swap3A_241, %swap3A_242] {strides = array<i32>} : memref<4x64x128xf32, #tpu.memory_space<vmem>>, vector<1x1x16xf32>,
      %swap3A_244 = vector.shape_cast %swap3A_243 : vector<1x1x16xf32> to vector<16xf32>
      %swap3A_245 = vector.shape_cast %broadcast_in_dim3A_238 : vector<16xf32> to vector<1x1x16xf32>
      tpu.vector_store %arg8[%swap3A_240, %swap3A_241, %swap3A_242], %swap3A_245 {strides = array<i32>} : memref<4x64x128xf32, #tpu.memory_space<vmem>>, vector<1x1x16xf32>,
      %broadcast_in_dim3A_246 = arith.constant 0.000000e+00 : f32
      %broadcast_in_dim3A_247 = vector.broadcast %broadcast_in_dim3A_246 : f32 to vector<16xf32>
      %swap3A_248 = arith.constant 0 : i32
      %swap3A_249 = arith.index_cast %swap3A_248 : i32 to index
      %swap3A_250 = arith.index_cast %scan3A_184 : i32 to index
      %swap3A_251 = arith.constant 112 : index
      %swap3A_252 = tpu.vector_load %arg8[%swap3A_249, %swap3A_250, %swap3A_251] {strides = array<i32>} : memref<4x64x128xf32, #tpu.memory_space<vmem>>, vector<1x1x16xf32>,
      %swap3A_253 = vector.shape_cast %swap3A_252 : vector<1x1x16xf32> to vector<16xf32>
      %swap3A_254 = vector.shape_cast %broadcast_in_dim3A_247 : vector<16xf32> to vector<1x1x16xf32>
      tpu.vector_store %arg8[%swap3A_249, %swap3A_250, %swap3A_251], %swap3A_254 {strides = array<i32>} : memref<4x64x128xf32, #tpu.memory_space<vmem>>, vector<1x1x16xf32>,
    }
    %scan3A_5 = arith.constant 64 : i32
    %scan3A_6 = arith.constant 0 : i32
    %scan3A_7 = arith.constant 0 : i32
    %scan3A_8 = arith.constant 10 : i32
    %scan3A_9 = arith.addi %scan3A_7, %scan3A_8 : i32
    %scan3A_10 = arith.constant 1 : i32
    scf.for %scan3A_184 = %scan3A_7 to %scan3A_9 step %scan3A_10  : i32 {
      %mul3A_185 = arith.constant 640 : i32
      %mul3A_186 = arith.muli %arg1, %mul3A_185 : i32
      %mul3A_187 = arith.constant 64 : i32
      %mul3A_188 = arith.muli %scan3A_184, %mul3A_187 : i32
      %add3A_189 = arith.addi %mul3A_186, %mul3A_188 : i32
      %run_scoped3A = arith.constant 0 : i32
      "tpu.region"() ({
        %run_scoped3A_190 = tpu.sem_alloc : memref<!tpu.dma_semaphore, #tpu.memory_space<semaphore_mem>>
        %dma_start3A_191 = arith.constant 0 : i32
        %dma_start3A_192 = arith.constant 0 : i32
        %dma_start3A_193 = tpu.memref_slice %arg8[%run_scoped3A, %dma_start3A_191, %dma_start3A_192] : memref<4x64x128xf32, #tpu.memory_space<vmem>> -> memref<1x64x128xf32, #tpu.memory_space<vmem>>
        %dma_start3A_194 = tpu.memref_squeeze %dma_start3A_193 : memref<1x64x128xf32, #tpu.memory_space<vmem>> -> memref<64x128xf32, #tpu.memory_space<vmem>>
        %dma_start3A_195 = arith.constant 0 : i32
        %dma_start3A_196 = tpu.memref_slice %arg9[%add3A_189, %dma_start3A_195] : memref<10240x128xf32, #tpu.memory_space<vmem_shared>> -> memref<64x128xf32, #tpu.memory_space<vmem_shared>>
        %dma_start3A_197 = arith.constant 0 : i32
        %dma_start3A_198 = tpu.memref_slice %arg9[%add3A_189, %dma_start3A_197] : memref<10240x128xf32, #tpu.memory_space<vmem_shared>> -> memref<64x128xf32, #tpu.memory_space<vmem_shared>>
        %dma_start3A_199 = arith.constant 0 : i32
        %dma_start3A_200 = arith.constant 0 : i32
        %dma_start3A_201 = tpu.memref_slice %arg8[%run_scoped3A, %dma_start3A_199, %dma_start3A_200] : memref<4x64x128xf32, #tpu.memory_space<vmem>> -> memref<1x64x128xf32, #tpu.memory_space<vmem>>
        %dma_start3A_202 = tpu.memref_squeeze %dma_start3A_201 : memref<1x64x128xf32, #tpu.memory_space<vmem>> -> memref<64x128xf32, #tpu.memory_space<vmem>>
        tpu.enqueue_dma source(%dma_start3A_202 : memref<64x128xf32, #tpu.memory_space<vmem>>) target(%dma_start3A_198 : memref<64x128xf32, #tpu.memory_space<vmem_shared>>) target_semaphore(%run_scoped3A_190 : memref<!tpu.dma_semaphore, #tpu.memory_space<semaphore_mem>>)
        %dma_wait3A = arith.constant 0 : i32
        %dma_wait3A_203 = arith.constant 0 : i32
        %dma_wait3A_204 = tpu.memref_slice %arg8[%run_scoped3A, %dma_wait3A, %dma_wait3A_203] : memref<4x64x128xf32, #tpu.memory_space<vmem>> -> memref<1x64x128xf32, #tpu.memory_space<vmem>>
        %dma_wait3A_205 = tpu.memref_squeeze %dma_wait3A_204 : memref<1x64x128xf32, #tpu.memory_space<vmem>> -> memref<64x128xf32, #tpu.memory_space<vmem>>
        %dma_wait3A_206 = arith.constant 0 : i32
        %dma_wait3A_207 = tpu.memref_slice %arg9[%add3A_189, %dma_wait3A_206] : memref<10240x128xf32, #tpu.memory_space<vmem_shared>> -> memref<64x128xf32, #tpu.memory_space<vmem_shared>>
        %dma_wait3A_208 = arith.constant 0 : i32
        %dma_wait3A_209 = tpu.memref_slice %arg9[%add3A_189, %dma_wait3A_208] : memref<10240x128xf32, #tpu.memory_space<vmem_shared>> -> memref<64x128xf32, #tpu.memory_space<vmem_shared>>
        %dma_wait3A_210 = arith.constant 0 : i32
        %dma_wait3A_211 = arith.constant 0 : i32
        %dma_wait3A_212 = tpu.memref_slice %arg8[%run_scoped3A, %dma_wait3A_210, %dma_wait3A_211] : memref<4x64x128xf32, #tpu.memory_space<vmem>> -> memref<1x64x128xf32, #tpu.memory_space<vmem>>
        %dma_wait3A_213 = tpu.memref_squeeze %dma_wait3A_212 : memref<1x64x128xf32, #tpu.memory_space<vmem>> -> memref<64x128xf32, #tpu.memory_space<vmem>>
        tpu.wait_dma2 semaphore(%run_scoped3A_190 : memref<!tpu.dma_semaphore, #tpu.memory_space<semaphore_mem>>) src(%dma_wait3A_213 : memref<64x128xf32, #tpu.memory_space<vmem>>) dst(%dma_wait3A_209 : memref<64x128xf32, #tpu.memory_space<vmem_shared>>)
        tpu.yield
      }) : () -> ()
    }
    %scan3A_11 = arith.constant 10 : i32
    "tpu.region"() ({
      %run_scoped3A = tpu.sem_alloc : memref<!tpu.dma_semaphore, #tpu.memory_space<semaphore_mem>>
      %dma_start3A_184 = arith.constant 0 : i32
      %dma_start3A_185 = arith.constant 0 : i32
      %dma_start3A_186 = tpu.memref_slice %arg2[%add3A, %dma_start3A_184, %dma_start3A_185] : memref<32x160x64xi32, #tpu.memory_space<hbm>> -> memref<1x40x64xi32, #tpu.memory_space<hbm>>
      %dma_start3A_187 = tpu.memref_squeeze %dma_start3A_186 : memref<1x40x64xi32, #tpu.memory_space<hbm>> -> memref<40x64xi32, #tpu.memory_space<hbm>>
      %dma_start3A_188 = arith.constant 0 : i32
      %dma_start3A_189 = arith.constant 0 : i32
      %dma_start3A_190 = tpu.memref_slice %arg2[%add3A, %dma_start3A_188, %dma_start3A_189] : memref<32x160x64xi32, #tpu.memory_space<hbm>> -> memref<1x40x64xi32, #tpu.memory_space<hbm>>
      %dma_start3A_191 = tpu.memref_squeeze %dma_start3A_190 : memref<1x40x64xi32, #tpu.memory_space<hbm>> -> memref<40x64xi32, #tpu.memory_space<hbm>>
      tpu.enqueue_dma source(%dma_start3A_191 : memref<40x64xi32, #tpu.memory_space<hbm>>) target(%arg6 : memref<40x64xi32, #tpu.memory_space<vmem>>) target_semaphore(%run_scoped3A : memref<!tpu.dma_semaphore, #tpu.memory_space<semaphore_mem>>)
      %dma_wait3A = arith.constant 0 : i32
      %dma_wait3A_192 = arith.constant 0 : i32
      %dma_wait3A_193 = tpu.memref_slice %arg2[%add3A, %dma_wait3A, %dma_wait3A_192] : memref<32x160x64xi32, #tpu.memory_space<hbm>> -> memref<1x40x64xi32, #tpu.memory_space<hbm>>
      %dma_wait3A_194 = tpu.memref_squeeze %dma_wait3A_193 : memref<1x40x64xi32, #tpu.memory_space<hbm>> -> memref<40x64xi32, #tpu.memory_space<hbm>>
      %dma_wait3A_195 = arith.constant 0 : i32
      %dma_wait3A_196 = arith.constant 0 : i32
      %dma_wait3A_197 = tpu.memref_slice %arg2[%add3A, %dma_wait3A_195, %dma_wait3A_196] : memref<32x160x64xi32, #tpu.memory_space<hbm>> -> memref<1x40x64xi32, #tpu.memory_space<hbm>>
      %dma_wait3A_198 = tpu.memref_squeeze %dma_wait3A_197 : memref<1x40x64xi32, #tpu.memory_space<hbm>> -> memref<40x64xi32, #tpu.memory_space<hbm>>
      tpu.wait_dma2 semaphore(%run_scoped3A : memref<!tpu.dma_semaphore, #tpu.memory_space<semaphore_mem>>) src(%dma_wait3A_198 : memref<40x64xi32, #tpu.memory_space<hbm>>) dst(%arg6 : memref<40x64xi32, #tpu.memory_space<vmem>>)
      tpu.yield
    }) : () -> ()
    "tpu.region"() ({
      %run_scoped3A = tpu.sem_alloc : memref<!tpu.dma_semaphore, #tpu.memory_space<semaphore_mem>>
      %dma_start3A_184 = arith.constant 0 : i32
      %dma_start3A_185 = arith.constant 0 : i32
      %dma_start3A_186 = tpu.memref_slice %arg3[%add3A, %dma_start3A_184, %dma_start3A_185] : memref<32x160x64xi32, #tpu.memory_space<hbm>> -> memref<1x40x64xi32, #tpu.memory_space<hbm>>
      %dma_start3A_187 = tpu.memref_squeeze %dma_start3A_186 : memref<1x40x64xi32, #tpu.memory_space<hbm>> -> memref<40x64xi32, #tpu.memory_space<hbm>>
      %dma_start3A_188 = arith.constant 0 : i32
      %dma_start3A_189 = arith.constant 0 : i32
      %dma_start3A_190 = tpu.memref_slice %arg3[%add3A, %dma_start3A_188, %dma_start3A_189] : memref<32x160x64xi32, #tpu.memory_space<hbm>> -> memref<1x40x64xi32, #tpu.memory_space<hbm>>
      %dma_start3A_191 = tpu.memref_squeeze %dma_start3A_190 : memref<1x40x64xi32, #tpu.memory_space<hbm>> -> memref<40x64xi32, #tpu.memory_space<hbm>>
      tpu.enqueue_dma source(%dma_start3A_191 : memref<40x64xi32, #tpu.memory_space<hbm>>) target(%arg7 : memref<40x64xi32, #tpu.memory_space<vmem>>) target_semaphore(%run_scoped3A : memref<!tpu.dma_semaphore, #tpu.memory_space<semaphore_mem>>)
      %dma_wait3A = arith.constant 0 : i32
      %dma_wait3A_192 = arith.constant 0 : i32
      %dma_wait3A_193 = tpu.memref_slice %arg3[%add3A, %dma_wait3A, %dma_wait3A_192] : memref<32x160x64xi32, #tpu.memory_space<hbm>> -> memref<1x40x64xi32, #tpu.memory_space<hbm>>
      %dma_wait3A_194 = tpu.memref_squeeze %dma_wait3A_193 : memref<1x40x64xi32, #tpu.memory_space<hbm>> -> memref<40x64xi32, #tpu.memory_space<hbm>>
      %dma_wait3A_195 = arith.constant 0 : i32
      %dma_wait3A_196 = arith.constant 0 : i32
      %dma_wait3A_197 = tpu.memref_slice %arg3[%add3A, %dma_wait3A_195, %dma_wait3A_196] : memref<32x160x64xi32, #tpu.memory_space<hbm>> -> memref<1x40x64xi32, #tpu.memory_space<hbm>>
      %dma_wait3A_198 = tpu.memref_squeeze %dma_wait3A_197 : memref<1x40x64xi32, #tpu.memory_space<hbm>> -> memref<40x64xi32, #tpu.memory_space<hbm>>
      tpu.wait_dma2 semaphore(%run_scoped3A : memref<!tpu.dma_semaphore, #tpu.memory_space<semaphore_mem>>) src(%dma_wait3A_198 : memref<40x64xi32, #tpu.memory_space<hbm>>) dst(%arg7 : memref<40x64xi32, #tpu.memory_space<vmem>>)
      tpu.yield
    }) : () -> ()
    %barrier3A = arith.constant 0 : index
    tpu.barrier barrier_id(%barrier3A)
    %dma_start3A = arith.constant 0 : i32
    %dma_start3A_12 = arith.constant 0 : i32
    %dma_start3A_13 = arith.constant 0 : i32
    %dma_start3A_14 = arith.constant 0 : i32
    %dma_start3A_15 = tpu.memref_slice %arg8[%dma_start3A_12, %dma_start3A_13, %dma_start3A_14] : memref<4x64x128xf32, #tpu.memory_space<vmem>> -> memref<1x64x128xf32, #tpu.memory_space<vmem>>
    %dma_start3A_16 = tpu.memref_squeeze %dma_start3A_15 : memref<1x64x128xf32, #tpu.memory_space<vmem>> -> memref<64x128xf32, #tpu.memory_space<vmem>>
    %dma_start3A_17 = arith.constant 0 : i32
    %dma_start3A_18 = tpu.memref_slice %arg6[%dma_start3A, %dma_start3A_17] : memref<40x64xi32, #tpu.memory_space<vmem>> -> memref<1x64xi32, #tpu.memory_space<vmem>>
    %dma_start3A_19 = tpu.memref_squeeze %dma_start3A_18 : memref<1x64xi32, #tpu.memory_space<vmem>> -> memref<64xi32, #tpu.memory_space<vmem>>
    %dma_start3A_20 = arith.constant 0 : i32
    %dma_start3A_21 = arith.constant 0 : i32
    %dma_start3A_22 = tpu.memref_slice %arg4[%dma_start3A_20, %dma_start3A_21] : memref<10000x128xf32, #tpu.memory_space<hbm>> -> memref<10000x128xf32, #tpu.memory_space<hbm>>
    tpu.enqueue_indirect_dma source(%dma_start3A_22 : memref<10000x128xf32, #tpu.memory_space<hbm>>) target(%dma_start3A_16 : memref<64x128xf32, #tpu.memory_space<vmem>>) offsets(%dma_start3A_19 : memref<64xi32, #tpu.memory_space<vmem>>) semaphore(%arg10 : memref<!tpu.dma_semaphore, #tpu.memory_space<semaphore_mem>>)
    %dma_start3A_23 = arith.constant 1 : i32
    %dma_start3A_24 = arith.constant 1 : i32
    %dma_start3A_25 = arith.constant 0 : i32
    %dma_start3A_26 = arith.constant 0 : i32
    %dma_start3A_27 = tpu.memref_slice %arg8[%dma_start3A_24, %dma_start3A_25, %dma_start3A_26] : memref<4x64x128xf32, #tpu.memory_space<vmem>> -> memref<1x64x128xf32, #tpu.memory_space<vmem>>
    %dma_start3A_28 = tpu.memref_squeeze %dma_start3A_27 : memref<1x64x128xf32, #tpu.memory_space<vmem>> -> memref<64x128xf32, #tpu.memory_space<vmem>>
    %dma_start3A_29 = arith.constant 0 : i32
    %dma_start3A_30 = tpu.memref_slice %arg6[%dma_start3A_23, %dma_start3A_29] : memref<40x64xi32, #tpu.memory_space<vmem>> -> memref<1x64xi32, #tpu.memory_space<vmem>>
    %dma_start3A_31 = tpu.memref_squeeze %dma_start3A_30 : memref<1x64xi32, #tpu.memory_space<vmem>> -> memref<64xi32, #tpu.memory_space<vmem>>
    %dma_start3A_32 = arith.constant 0 : i32
    %dma_start3A_33 = arith.constant 0 : i32
    %dma_start3A_34 = tpu.memref_slice %arg4[%dma_start3A_32, %dma_start3A_33] : memref<10000x128xf32, #tpu.memory_space<hbm>> -> memref<10000x128xf32, #tpu.memory_space<hbm>>
    tpu.enqueue_indirect_dma source(%dma_start3A_34 : memref<10000x128xf32, #tpu.memory_space<hbm>>) target(%dma_start3A_28 : memref<64x128xf32, #tpu.memory_space<vmem>>) offsets(%dma_start3A_31 : memref<64xi32, #tpu.memory_space<vmem>>) semaphore(%arg11 : memref<!tpu.dma_semaphore, #tpu.memory_space<semaphore_mem>>)
    %dma_start3A_35 = arith.constant 2 : i32
    %dma_start3A_36 = arith.constant 2 : i32
    %dma_start3A_37 = arith.constant 0 : i32
    %dma_start3A_38 = arith.constant 0 : i32
    %dma_start3A_39 = tpu.memref_slice %arg8[%dma_start3A_36, %dma_start3A_37, %dma_start3A_38] : memref<4x64x128xf32, #tpu.memory_space<vmem>> -> memref<1x64x128xf32, #tpu.memory_space<vmem>>
    %dma_start3A_40 = tpu.memref_squeeze %dma_start3A_39 : memref<1x64x128xf32, #tpu.memory_space<vmem>> -> memref<64x128xf32, #tpu.memory_space<vmem>>
    %dma_start3A_41 = arith.constant 0 : i32
    %dma_start3A_42 = tpu.memref_slice %arg6[%dma_start3A_35, %dma_start3A_41] : memref<40x64xi32, #tpu.memory_space<vmem>> -> memref<1x64xi32, #tpu.memory_space<vmem>>
    %dma_start3A_43 = tpu.memref_squeeze %dma_start3A_42 : memref<1x64xi32, #tpu.memory_space<vmem>> -> memref<64xi32, #tpu.memory_space<vmem>>
    %dma_start3A_44 = arith.constant 0 : i32
    %dma_start3A_45 = arith.constant 0 : i32
    %dma_start3A_46 = tpu.memref_slice %arg4[%dma_start3A_44, %dma_start3A_45] : memref<10000x128xf32, #tpu.memory_space<hbm>> -> memref<10000x128xf32, #tpu.memory_space<hbm>>
    tpu.enqueue_indirect_dma source(%dma_start3A_46 : memref<10000x128xf32, #tpu.memory_space<hbm>>) target(%dma_start3A_40 : memref<64x128xf32, #tpu.memory_space<vmem>>) offsets(%dma_start3A_43 : memref<64xi32, #tpu.memory_space<vmem>>) semaphore(%arg12 : memref<!tpu.dma_semaphore, #tpu.memory_space<semaphore_mem>>)
    %scan3A_47 = arith.constant 0 : i32
    %scan3A_48 = arith.constant 0 : i32
    %scan3A_49 = arith.constant 10 : i32
    %scan3A_50 = arith.addi %scan3A_48, %scan3A_49 : i32
    %scan3A_51 = arith.constant 1 : i32
    scf.for %scan3A_184 = %scan3A_48 to %scan3A_50 step %scan3A_51  : i32 {
      %mul3A_185 = arith.constant 4 : i32
      %mul3A_186 = arith.muli %mul3A_185, %scan3A_184 : i32
      %add3A_187 = arith.constant 0 : i32
      %add3A_188 = arith.addi %mul3A_186, %add3A_187 : i32
      %add3A_189 = arith.constant 3 : i32
      %add3A_190 = arith.addi %add3A_188, %add3A_189 : i32
      %dma_wait3A = arith.constant 0 : i32
      %dma_wait3A_191 = arith.constant 0 : i32
      %dma_wait3A_192 = arith.constant 0 : i32
      %dma_wait3A_193 = tpu.memref_slice %arg8[%dma_wait3A, %dma_wait3A_191, %dma_wait3A_192] : memref<4x64x128xf32, #tpu.memory_space<vmem>> -> memref<1x64x128xf32, #tpu.memory_space<vmem>>
      %dma_wait3A_194 = tpu.memref_squeeze %dma_wait3A_193 : memref<1x64x128xf32, #tpu.memory_space<vmem>> -> memref<64x128xf32, #tpu.memory_space<vmem>>
      %dma_wait3A_195 = arith.constant 0 : i32
      %dma_wait3A_196 = tpu.memref_slice %arg6[%add3A_188, %dma_wait3A_195] : memref<40x64xi32, #tpu.memory_space<vmem>> -> memref<1x64xi32, #tpu.memory_space<vmem>>
      %dma_wait3A_197 = tpu.memref_squeeze %dma_wait3A_196 : memref<1x64xi32, #tpu.memory_space<vmem>> -> memref<64xi32, #tpu.memory_space<vmem>>
      %dma_wait3A_198 = arith.constant 0 : i32
      %dma_wait3A_199 = arith.constant 0 : i32
      %dma_wait3A_200 = tpu.memref_slice %arg4[%dma_wait3A_198, %dma_wait3A_199] : memref<10000x128xf32, #tpu.memory_space<hbm>> -> memref<10000x128xf32, #tpu.memory_space<hbm>>
      tpu.wait_indirect_dma semaphore(%arg10 : memref<!tpu.dma_semaphore, #tpu.memory_space<semaphore_mem>>) src(%dma_wait3A_200 : memref<10000x128xf32, #tpu.memory_space<hbm>>) dst(%dma_wait3A_194 : memref<64x128xf32, #tpu.memory_space<vmem>>)
      %dma_start3A_201 = arith.constant 3 : i32
      %dma_start3A_202 = arith.constant 0 : i32
      %dma_start3A_203 = arith.constant 0 : i32
      %dma_start3A_204 = tpu.memref_slice %arg8[%dma_start3A_201, %dma_start3A_202, %dma_start3A_203] : memref<4x64x128xf32, #tpu.memory_space<vmem>> -> memref<1x64x128xf32, #tpu.memory_space<vmem>>
      %dma_start3A_205 = tpu.memref_squeeze %dma_start3A_204 : memref<1x64x128xf32, #tpu.memory_space<vmem>> -> memref<64x128xf32, #tpu.memory_space<vmem>>
      %dma_start3A_206 = arith.constant 0 : i32
      %dma_start3A_207 = tpu.memref_slice %arg6[%add3A_190, %dma_start3A_206] : memref<40x64xi32, #tpu.memory_space<vmem>> -> memref<1x64xi32, #tpu.memory_space<vmem>>
      %dma_start3A_208 = tpu.memref_squeeze %dma_start3A_207 : memref<1x64xi32, #tpu.memory_space<vmem>> -> memref<64xi32, #tpu.memory_space<vmem>>
      %dma_start3A_209 = arith.constant 0 : i32
      %dma_start3A_210 = arith.constant 0 : i32
      %dma_start3A_211 = tpu.memref_slice %arg4[%dma_start3A_209, %dma_start3A_210] : memref<10000x128xf32, #tpu.memory_space<hbm>> -> memref<10000x128xf32, #tpu.memory_space<hbm>>
      tpu.enqueue_indirect_dma source(%dma_start3A_211 : memref<10000x128xf32, #tpu.memory_space<hbm>>) target(%dma_start3A_205 : memref<64x128xf32, #tpu.memory_space<vmem>>) offsets(%dma_start3A_208 : memref<64xi32, #tpu.memory_space<vmem>>) semaphore(%arg13 : memref<!tpu.dma_semaphore, #tpu.memory_space<semaphore_mem>>)
      %run_scoped3A = arith.constant 0 : i32
      "tpu.region"() ({
        %run_scoped3A_278 = tpu.sem_alloc : memref<!tpu.dma_semaphore, #tpu.memory_space<semaphore_mem>>
        %dma_start3A_279 = arith.constant 0 : i32
        %dma_start3A_280 = arith.constant 0 : i32
        %dma_start3A_281 = tpu.memref_slice %arg8[%run_scoped3A, %dma_start3A_279, %dma_start3A_280] : memref<4x64x128xf32, #tpu.memory_space<vmem>> -> memref<1x64x128xf32, #tpu.memory_space<vmem>>
        %dma_start3A_282 = tpu.memref_squeeze %dma_start3A_281 : memref<1x64x128xf32, #tpu.memory_space<vmem>> -> memref<64x128xf32, #tpu.memory_space<vmem>>
        %dma_start3A_283 = arith.constant 0 : i32
        %dma_start3A_284 = tpu.memref_slice %arg7[%add3A_188, %dma_start3A_283] : memref<40x64xi32, #tpu.memory_space<vmem>> -> memref<1x64xi32, #tpu.memory_space<vmem>>
        %dma_start3A_285 = tpu.memref_squeeze %dma_start3A_284 : memref<1x64xi32, #tpu.memory_space<vmem>> -> memref<64xi32, #tpu.memory_space<vmem>>
        %dma_start3A_286 = arith.constant 0 : i32
        %dma_start3A_287 = arith.constant 0 : i32
        %dma_start3A_288 = tpu.memref_slice %arg9[%dma_start3A_286, %dma_start3A_287] : memref<10240x128xf32, #tpu.memory_space<vmem_shared>> -> memref<10240x128xf32, #tpu.memory_space<vmem_shared>>
        tpu.enqueue_indirect_dma source(%dma_start3A_282 : memref<64x128xf32, #tpu.memory_space<vmem>>) target(%dma_start3A_288 : memref<10240x128xf32, #tpu.memory_space<vmem_shared>>) offsets(%dma_start3A_285 : memref<64xi32, #tpu.memory_space<vmem>>) semaphore(%run_scoped3A_278 : memref<!tpu.dma_semaphore, #tpu.memory_space<semaphore_mem>>) {add = true}
        %dma_wait3A_289 = arith.constant 0 : i32
        %dma_wait3A_290 = arith.constant 0 : i32
        %dma_wait3A_291 = tpu.memref_slice %arg8[%run_scoped3A, %dma_wait3A_289, %dma_wait3A_290] : memref<4x64x128xf32, #tpu.memory_space<vmem>> -> memref<1x64x128xf32, #tpu.memory_space<vmem>>
        %dma_wait3A_292 = tpu.memref_squeeze %dma_wait3A_291 : memref<1x64x128xf32, #tpu.memory_space<vmem>> -> memref<64x128xf32, #tpu.memory_space<vmem>>
        %dma_wait3A_293 = arith.constant 0 : i32
        %dma_wait3A_294 = tpu.memref_slice %arg7[%add3A_188, %dma_wait3A_293] : memref<40x64xi32, #tpu.memory_space<vmem>> -> memref<1x64xi32, #tpu.memory_space<vmem>>
        %dma_wait3A_295 = tpu.memref_squeeze %dma_wait3A_294 : memref<1x64xi32, #tpu.memory_space<vmem>> -> memref<64xi32, #tpu.memory_space<vmem>>
        %dma_wait3A_296 = arith.constant 0 : i32
        %dma_wait3A_297 = arith.constant 0 : i32
        %dma_wait3A_298 = tpu.memref_slice %arg9[%dma_wait3A_296, %dma_wait3A_297] : memref<10240x128xf32, #tpu.memory_space<vmem_shared>> -> memref<10240x128xf32, #tpu.memory_space<vmem_shared>>
        tpu.wait_indirect_dma semaphore(%run_scoped3A_278 : memref<!tpu.dma_semaphore, #tpu.memory_space<semaphore_mem>>) src(%dma_wait3A_292 : memref<64x128xf32, #tpu.memory_space<vmem>>) dst(%dma_wait3A_298 : memref<10240x128xf32, #tpu.memory_space<vmem_shared>>)
        tpu.yield
      }) : () -> ()
      %mul3A_212 = arith.constant 4 : i32
      %mul3A_213 = arith.muli %mul3A_212, %scan3A_184 : i32
      %add3A_214 = arith.constant 1 : i32
      %add3A_215 = arith.addi %mul3A_213, %add3A_214 : i32
      %add3A_216 = arith.constant 3 : i32
      %add3A_217 = arith.addi %add3A_215, %add3A_216 : i32
      %dma_wait3A_218 = arith.constant 1 : i32
      %dma_wait3A_219 = arith.constant 0 : i32
      %dma_wait3A_220 = arith.constant 0 : i32
      %dma_wait3A_221 = tpu.memref_slice %arg8[%dma_wait3A_218, %dma_wait3A_219, %dma_wait3A_220] : memref<4x64x128xf32, #tpu.memory_space<vmem>> -> memref<1x64x128xf32, #tpu.memory_space<vmem>>
      %dma_wait3A_222 = tpu.memref_squeeze %dma_wait3A_221 : memref<1x64x128xf32, #tpu.memory_space<vmem>> -> memref<64x128xf32, #tpu.memory_space<vmem>>
      %dma_wait3A_223 = arith.constant 0 : i32
      %dma_wait3A_224 = tpu.memref_slice %arg6[%add3A_215, %dma_wait3A_223] : memref<40x64xi32, #tpu.memory_space<vmem>> -> memref<1x64xi32, #tpu.memory_space<vmem>>
      %dma_wait3A_225 = tpu.memref_squeeze %dma_wait3A_224 : memref<1x64xi32, #tpu.memory_space<vmem>> -> memref<64xi32, #tpu.memory_space<vmem>>
      %dma_wait3A_226 = arith.constant 0 : i32
      %dma_wait3A_227 = arith.constant 0 : i32
      %dma_wait3A_228 = tpu.memref_slice %arg4[%dma_wait3A_226, %dma_wait3A_227] : memref<10000x128xf32, #tpu.memory_space<hbm>> -> memref<10000x128xf32, #tpu.memory_space<hbm>>
      tpu.wait_indirect_dma semaphore(%arg11 : memref<!tpu.dma_semaphore, #tpu.memory_space<semaphore_mem>>) src(%dma_wait3A_228 : memref<10000x128xf32, #tpu.memory_space<hbm>>) dst(%dma_wait3A_222 : memref<64x128xf32, #tpu.memory_space<vmem>>)
      %lt3A = arith.constant 40 : i32
      %lt3A_229 = arith.cmpi slt, %add3A_217, %lt3A : i32
      %convert_element_type3A = arith.extui %lt3A_229 : i1 to i32
      %cond3A = arith.constant 0 : i32
      %cond3A_230 = arith.cmpi ne, %convert_element_type3A, %cond3A : i32
      scf.if %cond3A_230 {
        %dma_start3A_278 = arith.constant 0 : i32
        %dma_start3A_279 = arith.constant 0 : i32
        %dma_start3A_280 = arith.constant 0 : i32
        %dma_start3A_281 = tpu.memref_slice %arg8[%dma_start3A_278, %dma_start3A_279, %dma_start3A_280] : memref<4x64x128xf32, #tpu.memory_space<vmem>> -> memref<1x64x128xf32, #tpu.memory_space<vmem>>
        %dma_start3A_282 = tpu.memref_squeeze %dma_start3A_281 : memref<1x64x128xf32, #tpu.memory_space<vmem>> -> memref<64x128xf32, #tpu.memory_space<vmem>>
        %dma_start3A_283 = arith.constant 0 : i32
        %dma_start3A_284 = tpu.memref_slice %arg6[%add3A_217, %dma_start3A_283] : memref<40x64xi32, #tpu.memory_space<vmem>> -> memref<1x64xi32, #tpu.memory_space<vmem>>
        %dma_start3A_285 = tpu.memref_squeeze %dma_start3A_284 : memref<1x64xi32, #tpu.memory_space<vmem>> -> memref<64xi32, #tpu.memory_space<vmem>>
        %dma_start3A_286 = arith.constant 0 : i32
        %dma_start3A_287 = arith.constant 0 : i32
        %dma_start3A_288 = tpu.memref_slice %arg4[%dma_start3A_286, %dma_start3A_287] : memref<10000x128xf32, #tpu.memory_space<hbm>> -> memref<10000x128xf32, #tpu.memory_space<hbm>>
        tpu.enqueue_indirect_dma source(%dma_start3A_288 : memref<10000x128xf32, #tpu.memory_space<hbm>>) target(%dma_start3A_282 : memref<64x128xf32, #tpu.memory_space<vmem>>) offsets(%dma_start3A_285 : memref<64xi32, #tpu.memory_space<vmem>>) semaphore(%arg10 : memref<!tpu.dma_semaphore, #tpu.memory_space<semaphore_mem>>)
      } else {
      }
      %run_scoped3A_231 = arith.constant 1 : i32
      "tpu.region"() ({
        %run_scoped3A_278 = tpu.sem_alloc : memref<!tpu.dma_semaphore, #tpu.memory_space<semaphore_mem>>
        %dma_start3A_279 = arith.constant 0 : i32
        %dma_start3A_280 = arith.constant 0 : i32
        %dma_start3A_281 = tpu.memref_slice %arg8[%run_scoped3A_231, %dma_start3A_279, %dma_start3A_280] : memref<4x64x128xf32, #tpu.memory_space<vmem>> -> memref<1x64x128xf32, #tpu.memory_space<vmem>>
        %dma_start3A_282 = tpu.memref_squeeze %dma_start3A_281 : memref<1x64x128xf32, #tpu.memory_space<vmem>> -> memref<64x128xf32, #tpu.memory_space<vmem>>
        %dma_start3A_283 = arith.constant 0 : i32
        %dma_start3A_284 = tpu.memref_slice %arg7[%add3A_215, %dma_start3A_283] : memref<40x64xi32, #tpu.memory_space<vmem>> -> memref<1x64xi32, #tpu.memory_space<vmem>>
        %dma_start3A_285 = tpu.memref_squeeze %dma_start3A_284 : memref<1x64xi32, #tpu.memory_space<vmem>> -> memref<64xi32, #tpu.memory_space<vmem>>
        %dma_start3A_286 = arith.constant 0 : i32
        %dma_start3A_287 = arith.constant 0 : i32
        %dma_start3A_288 = tpu.memref_slice %arg9[%dma_start3A_286, %dma_start3A_287] : memref<10240x128xf32, #tpu.memory_space<vmem_shared>> -> memref<10240x128xf32, #tpu.memory_space<vmem_shared>>
        tpu.enqueue_indirect_dma source(%dma_start3A_282 : memref<64x128xf32, #tpu.memory_space<vmem>>) target(%dma_start3A_288 : memref<10240x128xf32, #tpu.memory_space<vmem_shared>>) offsets(%dma_start3A_285 : memref<64xi32, #tpu.memory_space<vmem>>) semaphore(%run_scoped3A_278 : memref<!tpu.dma_semaphore, #tpu.memory_space<semaphore_mem>>) {add = true}
        %dma_wait3A_289 = arith.constant 0 : i32
        %dma_wait3A_290 = arith.constant 0 : i32
        %dma_wait3A_291 = tpu.memref_slice %arg8[%run_scoped3A_231, %dma_wait3A_289, %dma_wait3A_290] : memref<4x64x128xf32, #tpu.memory_space<vmem>> -> memref<1x64x128xf32, #tpu.memory_space<vmem>>
        %dma_wait3A_292 = tpu.memref_squeeze %dma_wait3A_291 : memref<1x64x128xf32, #tpu.memory_space<vmem>> -> memref<64x128xf32, #tpu.memory_space<vmem>>
        %dma_wait3A_293 = arith.constant 0 : i32
        %dma_wait3A_294 = tpu.memref_slice %arg7[%add3A_215, %dma_wait3A_293] : memref<40x64xi32, #tpu.memory_space<vmem>> -> memref<1x64xi32, #tpu.memory_space<vmem>>
        %dma_wait3A_295 = tpu.memref_squeeze %dma_wait3A_294 : memref<1x64xi32, #tpu.memory_space<vmem>> -> memref<64xi32, #tpu.memory_space<vmem>>
        %dma_wait3A_296 = arith.constant 0 : i32
        %dma_wait3A_297 = arith.constant 0 : i32
        %dma_wait3A_298 = tpu.memref_slice %arg9[%dma_wait3A_296, %dma_wait3A_297] : memref<10240x128xf32, #tpu.memory_space<vmem_shared>> -> memref<10240x128xf32, #tpu.memory_space<vmem_shared>>
        tpu.wait_indirect_dma semaphore(%run_scoped3A_278 : memref<!tpu.dma_semaphore, #tpu.memory_space<semaphore_mem>>) src(%dma_wait3A_292 : memref<64x128xf32, #tpu.memory_space<vmem>>) dst(%dma_wait3A_298 : memref<10240x128xf32, #tpu.memory_space<vmem_shared>>)
        tpu.yield
      }) : () -> ()
      %mul3A_232 = arith.constant 4 : i32
      %mul3A_233 = arith.muli %mul3A_232, %scan3A_184 : i32
      %add3A_234 = arith.constant 2 : i32
      %add3A_235 = arith.addi %mul3A_233, %add3A_234 : i32
      %add3A_236 = arith.constant 3 : i32
      %add3A_237 = arith.addi %add3A_235, %add3A_236 : i32
      %dma_wait3A_238 = arith.constant 2 : i32
      %dma_wait3A_239 = arith.constant 0 : i32
      %dma_wait3A_240 = arith.constant 0 : i32
      %dma_wait3A_241 = tpu.memref_slice %arg8[%dma_wait3A_238, %dma_wait3A_239, %dma_wait3A_240] : memref<4x64x128xf32, #tpu.memory_space<vmem>> -> memref<1x64x128xf32, #tpu.memory_space<vmem>>
      %dma_wait3A_242 = tpu.memref_squeeze %dma_wait3A_241 : memref<1x64x128xf32, #tpu.memory_space<vmem>> -> memref<64x128xf32, #tpu.memory_space<vmem>>
      %dma_wait3A_243 = arith.constant 0 : i32
      %dma_wait3A_244 = tpu.memref_slice %arg6[%add3A_235, %dma_wait3A_243] : memref<40x64xi32, #tpu.memory_space<vmem>> -> memref<1x64xi32, #tpu.memory_space<vmem>>
      %dma_wait3A_245 = tpu.memref_squeeze %dma_wait3A_244 : memref<1x64xi32, #tpu.memory_space<vmem>> -> memref<64xi32, #tpu.memory_space<vmem>>
      %dma_wait3A_246 = arith.constant 0 : i32
      %dma_wait3A_247 = arith.constant 0 : i32
      %dma_wait3A_248 = tpu.memref_slice %arg4[%dma_wait3A_246, %dma_wait3A_247] : memref<10000x128xf32, #tpu.memory_space<hbm>> -> memref<10000x128xf32, #tpu.memory_space<hbm>>
      tpu.wait_indirect_dma semaphore(%arg12 : memref<!tpu.dma_semaphore, #tpu.memory_space<semaphore_mem>>) src(%dma_wait3A_248 : memref<10000x128xf32, #tpu.memory_space<hbm>>) dst(%dma_wait3A_242 : memref<64x128xf32, #tpu.memory_space<vmem>>)
      %lt3A_249 = arith.constant 40 : i32
      %lt3A_250 = arith.cmpi slt, %add3A_237, %lt3A_249 : i32
      %convert_element_type3A_251 = arith.extui %lt3A_250 : i1 to i32
      %cond3A_252 = arith.constant 0 : i32
      %cond3A_253 = arith.cmpi ne, %convert_element_type3A_251, %cond3A_252 : i32
      scf.if %cond3A_253 {
        %dma_start3A_278 = arith.constant 1 : i32
        %dma_start3A_279 = arith.constant 0 : i32
        %dma_start3A_280 = arith.constant 0 : i32
        %dma_start3A_281 = tpu.memref_slice %arg8[%dma_start3A_278, %dma_start3A_279, %dma_start3A_280] : memref<4x64x128xf32, #tpu.memory_space<vmem>> -> memref<1x64x128xf32, #tpu.memory_space<vmem>>
        %dma_start3A_282 = tpu.memref_squeeze %dma_start3A_281 : memref<1x64x128xf32, #tpu.memory_space<vmem>> -> memref<64x128xf32, #tpu.memory_space<vmem>>
        %dma_start3A_283 = arith.constant 0 : i32
        %dma_start3A_284 = tpu.memref_slice %arg6[%add3A_237, %dma_start3A_283] : memref<40x64xi32, #tpu.memory_space<vmem>> -> memref<1x64xi32, #tpu.memory_space<vmem>>
        %dma_start3A_285 = tpu.memref_squeeze %dma_start3A_284 : memref<1x64xi32, #tpu.memory_space<vmem>> -> memref<64xi32, #tpu.memory_space<vmem>>
        %dma_start3A_286 = arith.constant 0 : i32
        %dma_start3A_287 = arith.constant 0 : i32
        %dma_start3A_288 = tpu.memref_slice %arg4[%dma_start3A_286, %dma_start3A_287] : memref<10000x128xf32, #tpu.memory_space<hbm>> -> memref<10000x128xf32, #tpu.memory_space<hbm>>
        tpu.enqueue_indirect_dma source(%dma_start3A_288 : memref<10000x128xf32, #tpu.memory_space<hbm>>) target(%dma_start3A_282 : memref<64x128xf32, #tpu.memory_space<vmem>>) offsets(%dma_start3A_285 : memref<64xi32, #tpu.memory_space<vmem>>) semaphore(%arg11 : memref<!tpu.dma_semaphore, #tpu.memory_space<semaphore_mem>>)
      } else {
      }
      %run_scoped3A_254 = arith.constant 2 : i32
      "tpu.region"() ({
        %run_scoped3A_278 = tpu.sem_alloc : memref<!tpu.dma_semaphore, #tpu.memory_space<semaphore_mem>>
        %dma_start3A_279 = arith.constant 0 : i32
        %dma_start3A_280 = arith.constant 0 : i32
        %dma_start3A_281 = tpu.memref_slice %arg8[%run_scoped3A_254, %dma_start3A_279, %dma_start3A_280] : memref<4x64x128xf32, #tpu.memory_space<vmem>> -> memref<1x64x128xf32, #tpu.memory_space<vmem>>
        %dma_start3A_282 = tpu.memref_squeeze %dma_start3A_281 : memref<1x64x128xf32, #tpu.memory_space<vmem>> -> memref<64x128xf32, #tpu.memory_space<vmem>>
        %dma_start3A_283 = arith.constant 0 : i32
        %dma_start3A_284 = tpu.memref_slice %arg7[%add3A_235, %dma_start3A_283] : memref<40x64xi32, #tpu.memory_space<vmem>> -> memref<1x64xi32, #tpu.memory_space<vmem>>
        %dma_start3A_285 = tpu.memref_squeeze %dma_start3A_284 : memref<1x64xi32, #tpu.memory_space<vmem>> -> memref<64xi32, #tpu.memory_space<vmem>>
        %dma_start3A_286 = arith.constant 0 : i32
        %dma_start3A_287 = arith.constant 0 : i32
        %dma_start3A_288 = tpu.memref_slice %arg9[%dma_start3A_286, %dma_start3A_287] : memref<10240x128xf32, #tpu.memory_space<vmem_shared>> -> memref<10240x128xf32, #tpu.memory_space<vmem_shared>>
        tpu.enqueue_indirect_dma source(%dma_start3A_282 : memref<64x128xf32, #tpu.memory_space<vmem>>) target(%dma_start3A_288 : memref<10240x128xf32, #tpu.memory_space<vmem_shared>>) offsets(%dma_start3A_285 : memref<64xi32, #tpu.memory_space<vmem>>) semaphore(%run_scoped3A_278 : memref<!tpu.dma_semaphore, #tpu.memory_space<semaphore_mem>>) {add = true}
        %dma_wait3A_289 = arith.constant 0 : i32
        %dma_wait3A_290 = arith.constant 0 : i32
        %dma_wait3A_291 = tpu.memref_slice %arg8[%run_scoped3A_254, %dma_wait3A_289, %dma_wait3A_290] : memref<4x64x128xf32, #tpu.memory_space<vmem>> -> memref<1x64x128xf32, #tpu.memory_space<vmem>>
        %dma_wait3A_292 = tpu.memref_squeeze %dma_wait3A_291 : memref<1x64x128xf32, #tpu.memory_space<vmem>> -> memref<64x128xf32, #tpu.memory_space<vmem>>
        %dma_wait3A_293 = arith.constant 0 : i32
        %dma_wait3A_294 = tpu.memref_slice %arg7[%add3A_235, %dma_wait3A_293] : memref<40x64xi32, #tpu.memory_space<vmem>> -> memref<1x64xi32, #tpu.memory_space<vmem>>
        %dma_wait3A_295 = tpu.memref_squeeze %dma_wait3A_294 : memref<1x64xi32, #tpu.memory_space<vmem>> -> memref<64xi32, #tpu.memory_space<vmem>>
        %dma_wait3A_296 = arith.constant 0 : i32
        %dma_wait3A_297 = arith.constant 0 : i32
        %dma_wait3A_298 = tpu.memref_slice %arg9[%dma_wait3A_296, %dma_wait3A_297] : memref<10240x128xf32, #tpu.memory_space<vmem_shared>> -> memref<10240x128xf32, #tpu.memory_space<vmem_shared>>
        tpu.wait_indirect_dma semaphore(%run_scoped3A_278 : memref<!tpu.dma_semaphore, #tpu.memory_space<semaphore_mem>>) src(%dma_wait3A_292 : memref<64x128xf32, #tpu.memory_space<vmem>>) dst(%dma_wait3A_298 : memref<10240x128xf32, #tpu.memory_space<vmem_shared>>)
        tpu.yield
      }) : () -> ()
      %mul3A_255 = arith.constant 4 : i32
      %mul3A_256 = arith.muli %mul3A_255, %scan3A_184 : i32
      %add3A_257 = arith.constant 3 : i32
      %add3A_258 = arith.addi %mul3A_256, %add3A_257 : i32
      %add3A_259 = arith.constant 3 : i32
      %add3A_260 = arith.addi %add3A_258, %add3A_259 : i32
      %dma_wait3A_261 = arith.constant 3 : i32
      %dma_wait3A_262 = arith.constant 0 : i32
      %dma_wait3A_263 = arith.constant 0 : i32
      %dma_wait3A_264 = tpu.memref_slice %arg8[%dma_wait3A_261, %dma_wait3A_262, %dma_wait3A_263] : memref<4x64x128xf32, #tpu.memory_space<vmem>> -> memref<1x64x128xf32, #tpu.memory_space<vmem>>
      %dma_wait3A_265 = tpu.memref_squeeze %dma_wait3A_264 : memref<1x64x128xf32, #tpu.memory_space<vmem>> -> memref<64x128xf32, #tpu.memory_space<vmem>>
      %dma_wait3A_266 = arith.constant 0 : i32
      %dma_wait3A_267 = tpu.memref_slice %arg6[%add3A_258, %dma_wait3A_266] : memref<40x64xi32, #tpu.memory_space<vmem>> -> memref<1x64xi32, #tpu.memory_space<vmem>>
      %dma_wait3A_268 = tpu.memref_squeeze %dma_wait3A_267 : memref<1x64xi32, #tpu.memory_space<vmem>> -> memref<64xi32, #tpu.memory_space<vmem>>
      %dma_wait3A_269 = arith.constant 0 : i32
      %dma_wait3A_270 = arith.constant 0 : i32
      %dma_wait3A_271 = tpu.memref_slice %arg4[%dma_wait3A_269, %dma_wait3A_270] : memref<10000x128xf32, #tpu.memory_space<hbm>> -> memref<10000x128xf32, #tpu.memory_space<hbm>>
      tpu.wait_indirect_dma semaphore(%arg13 : memref<!tpu.dma_semaphore, #tpu.memory_space<semaphore_mem>>) src(%dma_wait3A_271 : memref<10000x128xf32, #tpu.memory_space<hbm>>) dst(%dma_wait3A_265 : memref<64x128xf32, #tpu.memory_space<vmem>>)
      %lt3A_272 = arith.constant 40 : i32
      %lt3A_273 = arith.cmpi slt, %add3A_260, %lt3A_272 : i32
      %convert_element_type3A_274 = arith.extui %lt3A_273 : i1 to i32
      %cond3A_275 = arith.constant 0 : i32
      %cond3A_276 = arith.cmpi ne, %convert_element_type3A_274, %cond3A_275 : i32
      scf.if %cond3A_276 {
        %dma_start3A_278 = arith.constant 2 : i32
        %dma_start3A_279 = arith.constant 0 : i32
        %dma_start3A_280 = arith.constant 0 : i32
        %dma_start3A_281 = tpu.memref_slice %arg8[%dma_start3A_278, %dma_start3A_279, %dma_start3A_280] : memref<4x64x128xf32, #tpu.memory_space<vmem>> -> memref<1x64x128xf32, #tpu.memory_space<vmem>>
        %dma_start3A_282 = tpu.memref_squeeze %dma_start3A_281 : memref<1x64x128xf32, #tpu.memory_space<vmem>> -> memref<64x128xf32, #tpu.memory_space<vmem>>
        %dma_start3A_283 = arith.constant 0 : i32
        %dma_start3A_284 = tpu.memref_slice %arg6[%add3A_260, %dma_start3A_283] : memref<40x64xi32, #tpu.memory_space<vmem>> -> memref<1x64xi32, #tpu.memory_space<vmem>>
        %dma_start3A_285 = tpu.memref_squeeze %dma_start3A_284 : memref<1x64xi32, #tpu.memory_space<vmem>> -> memref<64xi32, #tpu.memory_space<vmem>>
        %dma_start3A_286 = arith.constant 0 : i32
        %dma_start3A_287 = arith.constant 0 : i32
        %dma_start3A_288 = tpu.memref_slice %arg4[%dma_start3A_286, %dma_start3A_287] : memref<10000x128xf32, #tpu.memory_space<hbm>> -> memref<10000x128xf32, #tpu.memory_space<hbm>>
        tpu.enqueue_indirect_dma source(%dma_start3A_288 : memref<10000x128xf32, #tpu.memory_space<hbm>>) target(%dma_start3A_282 : memref<64x128xf32, #tpu.memory_space<vmem>>) offsets(%dma_start3A_285 : memref<64xi32, #tpu.memory_space<vmem>>) semaphore(%arg12 : memref<!tpu.dma_semaphore, #tpu.memory_space<semaphore_mem>>)
      } else {
      }
      %run_scoped3A_277 = arith.constant 3 : i32
      "tpu.region"() ({
        %run_scoped3A_278 = tpu.sem_alloc : memref<!tpu.dma_semaphore, #tpu.memory_space<semaphore_mem>>
        %dma_start3A_279 = arith.constant 0 : i32
        %dma_start3A_280 = arith.constant 0 : i32
        %dma_start3A_281 = tpu.memref_slice %arg8[%run_scoped3A_277, %dma_start3A_279, %dma_start3A_280] : memref<4x64x128xf32, #tpu.memory_space<vmem>> -> memref<1x64x128xf32, #tpu.memory_space<vmem>>
        %dma_start3A_282 = tpu.memref_squeeze %dma_start3A_281 : memref<1x64x128xf32, #tpu.memory_space<vmem>> -> memref<64x128xf32, #tpu.memory_space<vmem>>
        %dma_start3A_283 = arith.constant 0 : i32
        %dma_start3A_284 = tpu.memref_slice %arg7[%add3A_258, %dma_start3A_283] : memref<40x64xi32, #tpu.memory_space<vmem>> -> memref<1x64xi32, #tpu.memory_space<vmem>>
        %dma_start3A_285 = tpu.memref_squeeze %dma_start3A_284 : memref<1x64xi32, #tpu.memory_space<vmem>> -> memref<64xi32, #tpu.memory_space<vmem>>
        %dma_start3A_286 = arith.constant 0 : i32
        %dma_start3A_287 = arith.constant 0 : i32
        %dma_start3A_288 = tpu.memref_slice %arg9[%dma_start3A_286, %dma_start3A_287] : memref<10240x128xf32, #tpu.memory_space<vmem_shared>> -> memref<10240x128xf32, #tpu.memory_space<vmem_shared>>
        tpu.enqueue_indirect_dma source(%dma_start3A_282 : memref<64x128xf32, #tpu.memory_space<vmem>>) target(%dma_start3A_288 : memref<10240x128xf32, #tpu.memory_space<vmem_shared>>) offsets(%dma_start3A_285 : memref<64xi32, #tpu.memory_space<vmem>>) semaphore(%run_scoped3A_278 : memref<!tpu.dma_semaphore, #tpu.memory_space<semaphore_mem>>) {add = true}
        %dma_wait3A_289 = arith.constant 0 : i32
        %dma_wait3A_290 = arith.constant 0 : i32
        %dma_wait3A_291 = tpu.memref_slice %arg8[%run_scoped3A_277, %dma_wait3A_289, %dma_wait3A_290] : memref<4x64x128xf32, #tpu.memory_space<vmem>> -> memref<1x64x128xf32, #tpu.memory_space<vmem>>
        %dma_wait3A_292 = tpu.memref_squeeze %dma_wait3A_291 : memref<1x64x128xf32, #tpu.memory_space<vmem>> -> memref<64x128xf32, #tpu.memory_space<vmem>>
        %dma_wait3A_293 = arith.constant 0 : i32
        %dma_wait3A_294 = tpu.memref_slice %arg7[%add3A_258, %dma_wait3A_293] : memref<40x64xi32, #tpu.memory_space<vmem>> -> memref<1x64xi32, #tpu.memory_space<vmem>>
        %dma_wait3A_295 = tpu.memref_squeeze %dma_wait3A_294 : memref<1x64xi32, #tpu.memory_space<vmem>> -> memref<64xi32, #tpu.memory_space<vmem>>
        %dma_wait3A_296 = arith.constant 0 : i32
        %dma_wait3A_297 = arith.constant 0 : i32
        %dma_wait3A_298 = tpu.memref_slice %arg9[%dma_wait3A_296, %dma_wait3A_297] : memref<10240x128xf32, #tpu.memory_space<vmem_shared>> -> memref<10240x128xf32, #tpu.memory_space<vmem_shared>>
        tpu.wait_indirect_dma semaphore(%run_scoped3A_278 : memref<!tpu.dma_semaphore, #tpu.memory_space<semaphore_mem>>) src(%dma_wait3A_292 : memref<64x128xf32, #tpu.memory_space<vmem>>) dst(%dma_wait3A_298 : memref<10240x128xf32, #tpu.memory_space<vmem_shared>>)
        tpu.yield
      }) : () -> ()
    }
    %scan3A_52 = arith.constant 10 : i32
    "tpu.region"() ({
      %run_scoped3A = tpu.sem_alloc : memref<!tpu.dma_semaphore, #tpu.memory_space<semaphore_mem>>
      %dma_start3A_184 = arith.constant 40 : i32
      %dma_start3A_185 = arith.constant 0 : i32
      %dma_start3A_186 = tpu.memref_slice %arg2[%add3A, %dma_start3A_184, %dma_start3A_185] : memref<32x160x64xi32, #tpu.memory_space<hbm>> -> memref<1x40x64xi32, #tpu.memory_space<hbm>>
      %dma_start3A_187 = tpu.memref_squeeze %dma_start3A_186 : memref<1x40x64xi32, #tpu.memory_space<hbm>> -> memref<40x64xi32, #tpu.memory_space<hbm>>
      %dma_start3A_188 = arith.constant 40 : i32
      %dma_start3A_189 = arith.constant 0 : i32
      %dma_start3A_190 = tpu.memref_slice %arg2[%add3A, %dma_start3A_188, %dma_start3A_189] : memref<32x160x64xi32, #tpu.memory_space<hbm>> -> memref<1x40x64xi32, #tpu.memory_space<hbm>>
      %dma_start3A_191 = tpu.memref_squeeze %dma_start3A_190 : memref<1x40x64xi32, #tpu.memory_space<hbm>> -> memref<40x64xi32, #tpu.memory_space<hbm>>
      tpu.enqueue_dma source(%dma_start3A_191 : memref<40x64xi32, #tpu.memory_space<hbm>>) target(%arg6 : memref<40x64xi32, #tpu.memory_space<vmem>>) target_semaphore(%run_scoped3A : memref<!tpu.dma_semaphore, #tpu.memory_space<semaphore_mem>>)
      %dma_wait3A = arith.constant 40 : i32
      %dma_wait3A_192 = arith.constant 0 : i32
      %dma_wait3A_193 = tpu.memref_slice %arg2[%add3A, %dma_wait3A, %dma_wait3A_192] : memref<32x160x64xi32, #tpu.memory_space<hbm>> -> memref<1x40x64xi32, #tpu.memory_space<hbm>>
      %dma_wait3A_194 = tpu.memref_squeeze %dma_wait3A_193 : memref<1x40x64xi32, #tpu.memory_space<hbm>> -> memref<40x64xi32, #tpu.memory_space<hbm>>
      %dma_wait3A_195 = arith.constant 40 : i32
      %dma_wait3A_196 = arith.constant 0 : i32
      %dma_wait3A_197 = tpu.memref_slice %arg2[%add3A, %dma_wait3A_195, %dma_wait3A_196] : memref<32x160x64xi32, #tpu.memory_space<hbm>> -> memref<1x40x64xi32, #tpu.memory_space<hbm>>
      %dma_wait3A_198 = tpu.memref_squeeze %dma_wait3A_197 : memref<1x40x64xi32, #tpu.memory_space<hbm>> -> memref<40x64xi32, #tpu.memory_space<hbm>>
      tpu.wait_dma2 semaphore(%run_scoped3A : memref<!tpu.dma_semaphore, #tpu.memory_space<semaphore_mem>>) src(%dma_wait3A_198 : memref<40x64xi32, #tpu.memory_space<hbm>>) dst(%arg6 : memref<40x64xi32, #tpu.memory_space<vmem>>)
      tpu.yield
    }) : () -> ()
    "tpu.region"() ({
      %run_scoped3A = tpu.sem_alloc : memref<!tpu.dma_semaphore, #tpu.memory_space<semaphore_mem>>
      %dma_start3A_184 = arith.constant 40 : i32
      %dma_start3A_185 = arith.constant 0 : i32
      %dma_start3A_186 = tpu.memref_slice %arg3[%add3A, %dma_start3A_184, %dma_start3A_185] : memref<32x160x64xi32, #tpu.memory_space<hbm>> -> memref<1x40x64xi32, #tpu.memory_space<hbm>>
      %dma_start3A_187 = tpu.memref_squeeze %dma_start3A_186 : memref<1x40x64xi32, #tpu.memory_space<hbm>> -> memref<40x64xi32, #tpu.memory_space<hbm>>
      %dma_start3A_188 = arith.constant 40 : i32
      %dma_start3A_189 = arith.constant 0 : i32
      %dma_start3A_190 = tpu.memref_slice %arg3[%add3A, %dma_start3A_188, %dma_start3A_189] : memref<32x160x64xi32, #tpu.memory_space<hbm>> -> memref<1x40x64xi32, #tpu.memory_space<hbm>>
      %dma_start3A_191 = tpu.memref_squeeze %dma_start3A_190 : memref<1x40x64xi32, #tpu.memory_space<hbm>> -> memref<40x64xi32, #tpu.memory_space<hbm>>
      tpu.enqueue_dma source(%dma_start3A_191 : memref<40x64xi32, #tpu.memory_space<hbm>>) target(%arg7 : memref<40x64xi32, #tpu.memory_space<vmem>>) target_semaphore(%run_scoped3A : memref<!tpu.dma_semaphore, #tpu.memory_space<semaphore_mem>>)
      %dma_wait3A = arith.constant 40 : i32
      %dma_wait3A_192 = arith.constant 0 : i32
      %dma_wait3A_193 = tpu.memref_slice %arg3[%add3A, %dma_wait3A, %dma_wait3A_192] : memref<32x160x64xi32, #tpu.memory_space<hbm>> -> memref<1x40x64xi32, #tpu.memory_space<hbm>>
      %dma_wait3A_194 = tpu.memref_squeeze %dma_wait3A_193 : memref<1x40x64xi32, #tpu.memory_space<hbm>> -> memref<40x64xi32, #tpu.memory_space<hbm>>
      %dma_wait3A_195 = arith.constant 40 : i32
      %dma_wait3A_196 = arith.constant 0 : i32
      %dma_wait3A_197 = tpu.memref_slice %arg3[%add3A, %dma_wait3A_195, %dma_wait3A_196] : memref<32x160x64xi32, #tpu.memory_space<hbm>> -> memref<1x40x64xi32, #tpu.memory_space<hbm>>
      %dma_wait3A_198 = tpu.memref_squeeze %dma_wait3A_197 : memref<1x40x64xi32, #tpu.memory_space<hbm>> -> memref<40x64xi32, #tpu.memory_space<hbm>>
      tpu.wait_dma2 semaphore(%run_scoped3A : memref<!tpu.dma_semaphore, #tpu.memory_space<semaphore_mem>>) src(%dma_wait3A_198 : memref<40x64xi32, #tpu.memory_space<hbm>>) dst(%arg7 : memref<40x64xi32, #tpu.memory_space<vmem>>)
      tpu.yield
    }) : () -> ()
    %dma_start3A_53 = arith.constant 0 : i32
    %dma_start3A_54 = arith.constant 0 : i32
    %dma_start3A_55 = arith.constant 0 : i32
    %dma_start3A_56 = arith.constant 0 : i32
    %dma_start3A_57 = tpu.memref_slice %arg8[%dma_start3A_54, %dma_start3A_55, %dma_start3A_56] : memref<4x64x128xf32, #tpu.memory_space<vmem>> -> memref<1x64x128xf32, #tpu.memory_space<vmem>>
    %dma_start3A_58 = tpu.memref_squeeze %dma_start3A_57 : memref<1x64x128xf32, #tpu.memory_space<vmem>> -> memref<64x128xf32, #tpu.memory_space<vmem>>
    %dma_start3A_59 = arith.constant 0 : i32
    %dma_start3A_60 = tpu.memref_slice %arg6[%dma_start3A_53, %dma_start3A_59] : memref<40x64xi32, #tpu.memory_space<vmem>> -> memref<1x64xi32, #tpu.memory_space<vmem>>
    %dma_start3A_61 = tpu.memref_squeeze %dma_start3A_60 : memref<1x64xi32, #tpu.memory_space<vmem>> -> memref<64xi32, #tpu.memory_space<vmem>>
    %dma_start3A_62 = arith.constant 0 : i32
    %dma_start3A_63 = arith.constant 0 : i32
    %dma_start3A_64 = tpu.memref_slice %arg4[%dma_start3A_62, %dma_start3A_63] : memref<10000x128xf32, #tpu.memory_space<hbm>> -> memref<10000x128xf32, #tpu.memory_space<hbm>>
    tpu.enqueue_indirect_dma source(%dma_start3A_64 : memref<10000x128xf32, #tpu.memory_space<hbm>>) target(%dma_start3A_58 : memref<64x128xf32, #tpu.memory_space<vmem>>) offsets(%dma_start3A_61 : memref<64xi32, #tpu.memory_space<vmem>>) semaphore(%arg10 : memref<!tpu.dma_semaphore, #tpu.memory_space<semaphore_mem>>)
    %dma_start3A_65 = arith.constant 1 : i32
    %dma_start3A_66 = arith.constant 1 : i32
    %dma_start3A_67 = arith.constant 0 : i32
    %dma_start3A_68 = arith.constant 0 : i32
    %dma_start3A_69 = tpu.memref_slice %arg8[%dma_start3A_66, %dma_start3A_67, %dma_start3A_68] : memref<4x64x128xf32, #tpu.memory_space<vmem>> -> memref<1x64x128xf32, #tpu.memory_space<vmem>>
    %dma_start3A_70 = tpu.memref_squeeze %dma_start3A_69 : memref<1x64x128xf32, #tpu.memory_space<vmem>> -> memref<64x128xf32, #tpu.memory_space<vmem>>
    %dma_start3A_71 = arith.constant 0 : i32
    %dma_start3A_72 = tpu.memref_slice %arg6[%dma_start3A_65, %dma_start3A_71] : memref<40x64xi32, #tpu.memory_space<vmem>> -> memref<1x64xi32, #tpu.memory_space<vmem>>
    %dma_start3A_73 = tpu.memref_squeeze %dma_start3A_72 : memref<1x64xi32, #tpu.memory_space<vmem>> -> memref<64xi32, #tpu.memory_space<vmem>>
    %dma_start3A_74 = arith.constant 0 : i32
    %dma_start3A_75 = arith.constant 0 : i32
    %dma_start3A_76 = tpu.memref_slice %arg4[%dma_start3A_74, %dma_start3A_75] : memref<10000x128xf32, #tpu.memory_space<hbm>> -> memref<10000x128xf32, #tpu.memory_space<hbm>>
    tpu.enqueue_indirect_dma source(%dma_start3A_76 : memref<10000x128xf32, #tpu.memory_space<hbm>>) target(%dma_start3A_70 : memref<64x128xf32, #tpu.memory_space<vmem>>) offsets(%dma_start3A_73 : memref<64xi32, #tpu.memory_space<vmem>>) semaphore(%arg11 : memref<!tpu.dma_semaphore, #tpu.memory_space<semaphore_mem>>)
    %dma_start3A_77 = arith.constant 2 : i32
    %dma_start3A_78 = arith.constant 2 : i32
    %dma_start3A_79 = arith.constant 0 : i32
    %dma_start3A_80 = arith.constant 0 : i32
    %dma_start3A_81 = tpu.memref_slice %arg8[%dma_start3A_78, %dma_start3A_79, %dma_start3A_80] : memref<4x64x128xf32, #tpu.memory_space<vmem>> -> memref<1x64x128xf32, #tpu.memory_space<vmem>>
    %dma_start3A_82 = tpu.memref_squeeze %dma_start3A_81 : memref<1x64x128xf32, #tpu.memory_space<vmem>> -> memref<64x128xf32, #tpu.memory_space<vmem>>
    %dma_start3A_83 = arith.constant 0 : i32
    %dma_start3A_84 = tpu.memref_slice %arg6[%dma_start3A_77, %dma_start3A_83] : memref<40x64xi32, #tpu.memory_space<vmem>> -> memref<1x64xi32, #tpu.memory_space<vmem>>
    %dma_start3A_85 = tpu.memref_squeeze %dma_start3A_84 : memref<1x64xi32, #tpu.memory_space<vmem>> -> memref<64xi32, #tpu.memory_space<vmem>>
    %dma_start3A_86 = arith.constant 0 : i32
    %dma_start3A_87 = arith.constant 0 : i32
    %dma_start3A_88 = tpu.memref_slice %arg4[%dma_start3A_86, %dma_start3A_87] : memref<10000x128xf32, #tpu.memory_space<hbm>> -> memref<10000x128xf32, #tpu.memory_space<hbm>>
    tpu.enqueue_indirect_dma source(%dma_start3A_88 : memref<10000x128xf32, #tpu.memory_space<hbm>>) target(%dma_start3A_82 : memref<64x128xf32, #tpu.memory_space<vmem>>) offsets(%dma_start3A_85 : memref<64xi32, #tpu.memory_space<vmem>>) semaphore(%arg12 : memref<!tpu.dma_semaphore, #tpu.memory_space<semaphore_mem>>)
    %scan3A_89 = arith.constant 0 : i32
    %scan3A_90 = arith.constant 0 : i32
    %scan3A_91 = arith.constant 10 : i32
    %scan3A_92 = arith.addi %scan3A_90, %scan3A_91 : i32
    %scan3A_93 = arith.constant 1 : i32
    scf.for %scan3A_184 = %scan3A_90 to %scan3A_92 step %scan3A_93  : i32 {
      %mul3A_185 = arith.constant 4 : i32
      %mul3A_186 = arith.muli %mul3A_185, %scan3A_184 : i32
      %add3A_187 = arith.constant 0 : i32
      %add3A_188 = arith.addi %mul3A_186, %add3A_187 : i32
      %add3A_189 = arith.constant 3 : i32
      %add3A_190 = arith.addi %add3A_188, %add3A_189 : i32
      %dma_wait3A = arith.constant 0 : i32
      %dma_wait3A_191 = arith.constant 0 : i32
      %dma_wait3A_192 = arith.constant 0 : i32
      %dma_wait3A_193 = tpu.memref_slice %arg8[%dma_wait3A, %dma_wait3A_191, %dma_wait3A_192] : memref<4x64x128xf32, #tpu.memory_space<vmem>> -> memref<1x64x128xf32, #tpu.memory_space<vmem>>
      %dma_wait3A_194 = tpu.memref_squeeze %dma_wait3A_193 : memref<1x64x128xf32, #tpu.memory_space<vmem>> -> memref<64x128xf32, #tpu.memory_space<vmem>>
      %dma_wait3A_195 = arith.constant 0 : i32
      %dma_wait3A_196 = tpu.memref_slice %arg6[%add3A_188, %dma_wait3A_195] : memref<40x64xi32, #tpu.memory_space<vmem>> -> memref<1x64xi32, #tpu.memory_space<vmem>>
      %dma_wait3A_197 = tpu.memref_squeeze %dma_wait3A_196 : memref<1x64xi32, #tpu.memory_space<vmem>> -> memref<64xi32, #tpu.memory_space<vmem>>
      %dma_wait3A_198 = arith.constant 0 : i32
      %dma_wait3A_199 = arith.constant 0 : i32
      %dma_wait3A_200 = tpu.memref_slice %arg4[%dma_wait3A_198, %dma_wait3A_199] : memref<10000x128xf32, #tpu.memory_space<hbm>> -> memref<10000x128xf32, #tpu.memory_space<hbm>>
      tpu.wait_indirect_dma semaphore(%arg10 : memref<!tpu.dma_semaphore, #tpu.memory_space<semaphore_mem>>) src(%dma_wait3A_200 : memref<10000x128xf32, #tpu.memory_space<hbm>>) dst(%dma_wait3A_194 : memref<64x128xf32, #tpu.memory_space<vmem>>)
      %dma_start3A_201 = arith.constant 3 : i32
      %dma_start3A_202 = arith.constant 0 : i32
      %dma_start3A_203 = arith.constant 0 : i32
      %dma_start3A_204 = tpu.memref_slice %arg8[%dma_start3A_201, %dma_start3A_202, %dma_start3A_203] : memref<4x64x128xf32, #tpu.memory_space<vmem>> -> memref<1x64x128xf32, #tpu.memory_space<vmem>>
      %dma_start3A_205 = tpu.memref_squeeze %dma_start3A_204 : memref<1x64x128xf32, #tpu.memory_space<vmem>> -> memref<64x128xf32, #tpu.memory_space<vmem>>
      %dma_start3A_206 = arith.constant 0 : i32
      %dma_start3A_207 = tpu.memref_slice %arg6[%add3A_190, %dma_start3A_206] : memref<40x64xi32, #tpu.memory_space<vmem>> -> memref<1x64xi32, #tpu.memory_space<vmem>>
      %dma_start3A_208 = tpu.memref_squeeze %dma_start3A_207 : memref<1x64xi32, #tpu.memory_space<vmem>> -> memref<64xi32, #tpu.memory_space<vmem>>
      %dma_start3A_209 = arith.constant 0 : i32
      %dma_start3A_210 = arith.constant 0 : i32
      %dma_start3A_211 = tpu.memref_slice %arg4[%dma_start3A_209, %dma_start3A_210] : memref<10000x128xf32, #tpu.memory_space<hbm>> -> memref<10000x128xf32, #tpu.memory_space<hbm>>
      tpu.enqueue_indirect_dma source(%dma_start3A_211 : memref<10000x128xf32, #tpu.memory_space<hbm>>) target(%dma_start3A_205 : memref<64x128xf32, #tpu.memory_space<vmem>>) offsets(%dma_start3A_208 : memref<64xi32, #tpu.memory_space<vmem>>) semaphore(%arg13 : memref<!tpu.dma_semaphore, #tpu.memory_space<semaphore_mem>>)
      %run_scoped3A = arith.constant 0 : i32
      "tpu.region"() ({
        %run_scoped3A_278 = tpu.sem_alloc : memref<!tpu.dma_semaphore, #tpu.memory_space<semaphore_mem>>
        %dma_start3A_279 = arith.constant 0 : i32
        %dma_start3A_280 = arith.constant 0 : i32
        %dma_start3A_281 = tpu.memref_slice %arg8[%run_scoped3A, %dma_start3A_279, %dma_start3A_280] : memref<4x64x128xf32, #tpu.memory_space<vmem>> -> memref<1x64x128xf32, #tpu.memory_space<vmem>>
        %dma_start3A_282 = tpu.memref_squeeze %dma_start3A_281 : memref<1x64x128xf32, #tpu.memory_space<vmem>> -> memref<64x128xf32, #tpu.memory_space<vmem>>
        %dma_start3A_283 = arith.constant 0 : i32
        %dma_start3A_284 = tpu.memref_slice %arg7[%add3A_188, %dma_start3A_283] : memref<40x64xi32, #tpu.memory_space<vmem>> -> memref<1x64xi32, #tpu.memory_space<vmem>>
        %dma_start3A_285 = tpu.memref_squeeze %dma_start3A_284 : memref<1x64xi32, #tpu.memory_space<vmem>> -> memref<64xi32, #tpu.memory_space<vmem>>
        %dma_start3A_286 = arith.constant 0 : i32
        %dma_start3A_287 = arith.constant 0 : i32
        %dma_start3A_288 = tpu.memref_slice %arg9[%dma_start3A_286, %dma_start3A_287] : memref<10240x128xf32, #tpu.memory_space<vmem_shared>> -> memref<10240x128xf32, #tpu.memory_space<vmem_shared>>
        tpu.enqueue_indirect_dma source(%dma_start3A_282 : memref<64x128xf32, #tpu.memory_space<vmem>>) target(%dma_start3A_288 : memref<10240x128xf32, #tpu.memory_space<vmem_shared>>) offsets(%dma_start3A_285 : memref<64xi32, #tpu.memory_space<vmem>>) semaphore(%run_scoped3A_278 : memref<!tpu.dma_semaphore, #tpu.memory_space<semaphore_mem>>) {add = true}
        %dma_wait3A_289 = arith.constant 0 : i32
        %dma_wait3A_290 = arith.constant 0 : i32
        %dma_wait3A_291 = tpu.memref_slice %arg8[%run_scoped3A, %dma_wait3A_289, %dma_wait3A_290] : memref<4x64x128xf32, #tpu.memory_space<vmem>> -> memref<1x64x128xf32, #tpu.memory_space<vmem>>
        %dma_wait3A_292 = tpu.memref_squeeze %dma_wait3A_291 : memref<1x64x128xf32, #tpu.memory_space<vmem>> -> memref<64x128xf32, #tpu.memory_space<vmem>>
        %dma_wait3A_293 = arith.constant 0 : i32
        %dma_wait3A_294 = tpu.memref_slice %arg7[%add3A_188, %dma_wait3A_293] : memref<40x64xi32, #tpu.memory_space<vmem>> -> memref<1x64xi32, #tpu.memory_space<vmem>>
        %dma_wait3A_295 = tpu.memref_squeeze %dma_wait3A_294 : memref<1x64xi32, #tpu.memory_space<vmem>> -> memref<64xi32, #tpu.memory_space<vmem>>
        %dma_wait3A_296 = arith.constant 0 : i32
        %dma_wait3A_297 = arith.constant 0 : i32
        %dma_wait3A_298 = tpu.memref_slice %arg9[%dma_wait3A_296, %dma_wait3A_297] : memref<10240x128xf32, #tpu.memory_space<vmem_shared>> -> memref<10240x128xf32, #tpu.memory_space<vmem_shared>>
        tpu.wait_indirect_dma semaphore(%run_scoped3A_278 : memref<!tpu.dma_semaphore, #tpu.memory_space<semaphore_mem>>) src(%dma_wait3A_292 : memref<64x128xf32, #tpu.memory_space<vmem>>) dst(%dma_wait3A_298 : memref<10240x128xf32, #tpu.memory_space<vmem_shared>>)
        tpu.yield
      }) : () -> ()
      %mul3A_212 = arith.constant 4 : i32
      %mul3A_213 = arith.muli %mul3A_212, %scan3A_184 : i32
      %add3A_214 = arith.constant 1 : i32
      %add3A_215 = arith.addi %mul3A_213, %add3A_214 : i32
      %add3A_216 = arith.constant 3 : i32
      %add3A_217 = arith.addi %add3A_215, %add3A_216 : i32
      %dma_wait3A_218 = arith.constant 1 : i32
      %dma_wait3A_219 = arith.constant 0 : i32
      %dma_wait3A_220 = arith.constant 0 : i32
      %dma_wait3A_221 = tpu.memref_slice %arg8[%dma_wait3A_218, %dma_wait3A_219, %dma_wait3A_220] : memref<4x64x128xf32, #tpu.memory_space<vmem>> -> memref<1x64x128xf32, #tpu.memory_space<vmem>>
      %dma_wait3A_222 = tpu.memref_squeeze %dma_wait3A_221 : memref<1x64x128xf32, #tpu.memory_space<vmem>> -> memref<64x128xf32, #tpu.memory_space<vmem>>
      %dma_wait3A_223 = arith.constant 0 : i32
      %dma_wait3A_224 = tpu.memref_slice %arg6[%add3A_215, %dma_wait3A_223] : memref<40x64xi32, #tpu.memory_space<vmem>> -> memref<1x64xi32, #tpu.memory_space<vmem>>
      %dma_wait3A_225 = tpu.memref_squeeze %dma_wait3A_224 : memref<1x64xi32, #tpu.memory_space<vmem>> -> memref<64xi32, #tpu.memory_space<vmem>>
      %dma_wait3A_226 = arith.constant 0 : i32
      %dma_wait3A_227 = arith.constant 0 : i32
      %dma_wait3A_228 = tpu.memref_slice %arg4[%dma_wait3A_226, %dma_wait3A_227] : memref<10000x128xf32, #tpu.memory_space<hbm>> -> memref<10000x128xf32, #tpu.memory_space<hbm>>
      tpu.wait_indirect_dma semaphore(%arg11 : memref<!tpu.dma_semaphore, #tpu.memory_space<semaphore_mem>>) src(%dma_wait3A_228 : memref<10000x128xf32, #tpu.memory_space<hbm>>) dst(%dma_wait3A_222 : memref<64x128xf32, #tpu.memory_space<vmem>>)
      %lt3A = arith.constant 40 : i32
      %lt3A_229 = arith.cmpi slt, %add3A_217, %lt3A : i32
      %convert_element_type3A = arith.extui %lt3A_229 : i1 to i32
      %cond3A = arith.constant 0 : i32
      %cond3A_230 = arith.cmpi ne, %convert_element_type3A, %cond3A : i32
      scf.if %cond3A_230 {
        %dma_start3A_278 = arith.constant 0 : i32
        %dma_start3A_279 = arith.constant 0 : i32
        %dma_start3A_280 = arith.constant 0 : i32
        %dma_start3A_281 = tpu.memref_slice %arg8[%dma_start3A_278, %dma_start3A_279, %dma_start3A_280] : memref<4x64x128xf32, #tpu.memory_space<vmem>> -> memref<1x64x128xf32, #tpu.memory_space<vmem>>
        %dma_start3A_282 = tpu.memref_squeeze %dma_start3A_281 : memref<1x64x128xf32, #tpu.memory_space<vmem>> -> memref<64x128xf32, #tpu.memory_space<vmem>>
        %dma_start3A_283 = arith.constant 0 : i32
        %dma_start3A_284 = tpu.memref_slice %arg6[%add3A_217, %dma_start3A_283] : memref<40x64xi32, #tpu.memory_space<vmem>> -> memref<1x64xi32, #tpu.memory_space<vmem>>
        %dma_start3A_285 = tpu.memref_squeeze %dma_start3A_284 : memref<1x64xi32, #tpu.memory_space<vmem>> -> memref<64xi32, #tpu.memory_space<vmem>>
        %dma_start3A_286 = arith.constant 0 : i32
        %dma_start3A_287 = arith.constant 0 : i32
        %dma_start3A_288 = tpu.memref_slice %arg4[%dma_start3A_286, %dma_start3A_287] : memref<10000x128xf32, #tpu.memory_space<hbm>> -> memref<10000x128xf32, #tpu.memory_space<hbm>>
        tpu.enqueue_indirect_dma source(%dma_start3A_288 : memref<10000x128xf32, #tpu.memory_space<hbm>>) target(%dma_start3A_282 : memref<64x128xf32, #tpu.memory_space<vmem>>) offsets(%dma_start3A_285 : memref<64xi32, #tpu.memory_space<vmem>>) semaphore(%arg10 : memref<!tpu.dma_semaphore, #tpu.memory_space<semaphore_mem>>)
      } else {
      }
      %run_scoped3A_231 = arith.constant 1 : i32
      "tpu.region"() ({
        %run_scoped3A_278 = tpu.sem_alloc : memref<!tpu.dma_semaphore, #tpu.memory_space<semaphore_mem>>
        %dma_start3A_279 = arith.constant 0 : i32
        %dma_start3A_280 = arith.constant 0 : i32
        %dma_start3A_281 = tpu.memref_slice %arg8[%run_scoped3A_231, %dma_start3A_279, %dma_start3A_280] : memref<4x64x128xf32, #tpu.memory_space<vmem>> -> memref<1x64x128xf32, #tpu.memory_space<vmem>>
        %dma_start3A_282 = tpu.memref_squeeze %dma_start3A_281 : memref<1x64x128xf32, #tpu.memory_space<vmem>> -> memref<64x128xf32, #tpu.memory_space<vmem>>
        %dma_start3A_283 = arith.constant 0 : i32
        %dma_start3A_284 = tpu.memref_slice %arg7[%add3A_215, %dma_start3A_283] : memref<40x64xi32, #tpu.memory_space<vmem>> -> memref<1x64xi32, #tpu.memory_space<vmem>>
        %dma_start3A_285 = tpu.memref_squeeze %dma_start3A_284 : memref<1x64xi32, #tpu.memory_space<vmem>> -> memref<64xi32, #tpu.memory_space<vmem>>
        %dma_start3A_286 = arith.constant 0 : i32
        %dma_start3A_287 = arith.constant 0 : i32
        %dma_start3A_288 = tpu.memref_slice %arg9[%dma_start3A_286, %dma_start3A_287] : memref<10240x128xf32, #tpu.memory_space<vmem_shared>> -> memref<10240x128xf32, #tpu.memory_space<vmem_shared>>
        tpu.enqueue_indirect_dma source(%dma_start3A_282 : memref<64x128xf32, #tpu.memory_space<vmem>>) target(%dma_start3A_288 : memref<10240x128xf32, #tpu.memory_space<vmem_shared>>) offsets(%dma_start3A_285 : memref<64xi32, #tpu.memory_space<vmem>>) semaphore(%run_scoped3A_278 : memref<!tpu.dma_semaphore, #tpu.memory_space<semaphore_mem>>) {add = true}
        %dma_wait3A_289 = arith.constant 0 : i32
        %dma_wait3A_290 = arith.constant 0 : i32
        %dma_wait3A_291 = tpu.memref_slice %arg8[%run_scoped3A_231, %dma_wait3A_289, %dma_wait3A_290] : memref<4x64x128xf32, #tpu.memory_space<vmem>> -> memref<1x64x128xf32, #tpu.memory_space<vmem>>
        %dma_wait3A_292 = tpu.memref_squeeze %dma_wait3A_291 : memref<1x64x128xf32, #tpu.memory_space<vmem>> -> memref<64x128xf32, #tpu.memory_space<vmem>>
        %dma_wait3A_293 = arith.constant 0 : i32
        %dma_wait3A_294 = tpu.memref_slice %arg7[%add3A_215, %dma_wait3A_293] : memref<40x64xi32, #tpu.memory_space<vmem>> -> memref<1x64xi32, #tpu.memory_space<vmem>>
        %dma_wait3A_295 = tpu.memref_squeeze %dma_wait3A_294 : memref<1x64xi32, #tpu.memory_space<vmem>> -> memref<64xi32, #tpu.memory_space<vmem>>
        %dma_wait3A_296 = arith.constant 0 : i32
        %dma_wait3A_297 = arith.constant 0 : i32
        %dma_wait3A_298 = tpu.memref_slice %arg9[%dma_wait3A_296, %dma_wait3A_297] : memref<10240x128xf32, #tpu.memory_space<vmem_shared>> -> memref<10240x128xf32, #tpu.memory_space<vmem_shared>>
        tpu.wait_indirect_dma semaphore(%run_scoped3A_278 : memref<!tpu.dma_semaphore, #tpu.memory_space<semaphore_mem>>) src(%dma_wait3A_292 : memref<64x128xf32, #tpu.memory_space<vmem>>) dst(%dma_wait3A_298 : memref<10240x128xf32, #tpu.memory_space<vmem_shared>>)
        tpu.yield
      }) : () -> ()
      %mul3A_232 = arith.constant 4 : i32
      %mul3A_233 = arith.muli %mul3A_232, %scan3A_184 : i32
      %add3A_234 = arith.constant 2 : i32
      %add3A_235 = arith.addi %mul3A_233, %add3A_234 : i32
      %add3A_236 = arith.constant 3 : i32
      %add3A_237 = arith.addi %add3A_235, %add3A_236 : i32
      %dma_wait3A_238 = arith.constant 2 : i32
      %dma_wait3A_239 = arith.constant 0 : i32
      %dma_wait3A_240 = arith.constant 0 : i32
      %dma_wait3A_241 = tpu.memref_slice %arg8[%dma_wait3A_238, %dma_wait3A_239, %dma_wait3A_240] : memref<4x64x128xf32, #tpu.memory_space<vmem>> -> memref<1x64x128xf32, #tpu.memory_space<vmem>>
      %dma_wait3A_242 = tpu.memref_squeeze %dma_wait3A_241 : memref<1x64x128xf32, #tpu.memory_space<vmem>> -> memref<64x128xf32, #tpu.memory_space<vmem>>
      %dma_wait3A_243 = arith.constant 0 : i32
      %dma_wait3A_244 = tpu.memref_slice %arg6[%add3A_235, %dma_wait3A_243] : memref<40x64xi32, #tpu.memory_space<vmem>> -> memref<1x64xi32, #tpu.memory_space<vmem>>
      %dma_wait3A_245 = tpu.memref_squeeze %dma_wait3A_244 : memref<1x64xi32, #tpu.memory_space<vmem>> -> memref<64xi32, #tpu.memory_space<vmem>>
      %dma_wait3A_246 = arith.constant 0 : i32
      %dma_wait3A_247 = arith.constant 0 : i32
      %dma_wait3A_248 = tpu.memref_slice %arg4[%dma_wait3A_246, %dma_wait3A_247] : memref<10000x128xf32, #tpu.memory_space<hbm>> -> memref<10000x128xf32, #tpu.memory_space<hbm>>
      tpu.wait_indirect_dma semaphore(%arg12 : memref<!tpu.dma_semaphore, #tpu.memory_space<semaphore_mem>>) src(%dma_wait3A_248 : memref<10000x128xf32, #tpu.memory_space<hbm>>) dst(%dma_wait3A_242 : memref<64x128xf32, #tpu.memory_space<vmem>>)
      %lt3A_249 = arith.constant 40 : i32
      %lt3A_250 = arith.cmpi slt, %add3A_237, %lt3A_249 : i32
      %convert_element_type3A_251 = arith.extui %lt3A_250 : i1 to i32
      %cond3A_252 = arith.constant 0 : i32
      %cond3A_253 = arith.cmpi ne, %convert_element_type3A_251, %cond3A_252 : i32
      scf.if %cond3A_253 {
        %dma_start3A_278 = arith.constant 1 : i32
        %dma_start3A_279 = arith.constant 0 : i32
        %dma_start3A_280 = arith.constant 0 : i32
        %dma_start3A_281 = tpu.memref_slice %arg8[%dma_start3A_278, %dma_start3A_279, %dma_start3A_280] : memref<4x64x128xf32, #tpu.memory_space<vmem>> -> memref<1x64x128xf32, #tpu.memory_space<vmem>>
        %dma_start3A_282 = tpu.memref_squeeze %dma_start3A_281 : memref<1x64x128xf32, #tpu.memory_space<vmem>> -> memref<64x128xf32, #tpu.memory_space<vmem>>
        %dma_start3A_283 = arith.constant 0 : i32
        %dma_start3A_284 = tpu.memref_slice %arg6[%add3A_237, %dma_start3A_283] : memref<40x64xi32, #tpu.memory_space<vmem>> -> memref<1x64xi32, #tpu.memory_space<vmem>>
        %dma_start3A_285 = tpu.memref_squeeze %dma_start3A_284 : memref<1x64xi32, #tpu.memory_space<vmem>> -> memref<64xi32, #tpu.memory_space<vmem>>
        %dma_start3A_286 = arith.constant 0 : i32
        %dma_start3A_287 = arith.constant 0 : i32
        %dma_start3A_288 = tpu.memref_slice %arg4[%dma_start3A_286, %dma_start3A_287] : memref<10000x128xf32, #tpu.memory_space<hbm>> -> memref<10000x128xf32, #tpu.memory_space<hbm>>
        tpu.enqueue_indirect_dma source(%dma_start3A_288 : memref<10000x128xf32, #tpu.memory_space<hbm>>) target(%dma_start3A_282 : memref<64x128xf32, #tpu.memory_space<vmem>>) offsets(%dma_start3A_285 : memref<64xi32, #tpu.memory_space<vmem>>) semaphore(%arg11 : memref<!tpu.dma_semaphore, #tpu.memory_space<semaphore_mem>>)
      } else {
      }
      %run_scoped3A_254 = arith.constant 2 : i32
      "tpu.region"() ({
        %run_scoped3A_278 = tpu.sem_alloc : memref<!tpu.dma_semaphore, #tpu.memory_space<semaphore_mem>>
        %dma_start3A_279 = arith.constant 0 : i32
        %dma_start3A_280 = arith.constant 0 : i32
        %dma_start3A_281 = tpu.memref_slice %arg8[%run_scoped3A_254, %dma_start3A_279, %dma_start3A_280] : memref<4x64x128xf32, #tpu.memory_space<vmem>> -> memref<1x64x128xf32, #tpu.memory_space<vmem>>
        %dma_start3A_282 = tpu.memref_squeeze %dma_start3A_281 : memref<1x64x128xf32, #tpu.memory_space<vmem>> -> memref<64x128xf32, #tpu.memory_space<vmem>>
        %dma_start3A_283 = arith.constant 0 : i32
        %dma_start3A_284 = tpu.memref_slice %arg7[%add3A_235, %dma_start3A_283] : memref<40x64xi32, #tpu.memory_space<vmem>> -> memref<1x64xi32, #tpu.memory_space<vmem>>
        %dma_start3A_285 = tpu.memref_squeeze %dma_start3A_284 : memref<1x64xi32, #tpu.memory_space<vmem>> -> memref<64xi32, #tpu.memory_space<vmem>>
        %dma_start3A_286 = arith.constant 0 : i32
        %dma_start3A_287 = arith.constant 0 : i32
        %dma_start3A_288 = tpu.memref_slice %arg9[%dma_start3A_286, %dma_start3A_287] : memref<10240x128xf32, #tpu.memory_space<vmem_shared>> -> memref<10240x128xf32, #tpu.memory_space<vmem_shared>>
        tpu.enqueue_indirect_dma source(%dma_start3A_282 : memref<64x128xf32, #tpu.memory_space<vmem>>) target(%dma_start3A_288 : memref<10240x128xf32, #tpu.memory_space<vmem_shared>>) offsets(%dma_start3A_285 : memref<64xi32, #tpu.memory_space<vmem>>) semaphore(%run_scoped3A_278 : memref<!tpu.dma_semaphore, #tpu.memory_space<semaphore_mem>>) {add = true}
        %dma_wait3A_289 = arith.constant 0 : i32
        %dma_wait3A_290 = arith.constant 0 : i32
        %dma_wait3A_291 = tpu.memref_slice %arg8[%run_scoped3A_254, %dma_wait3A_289, %dma_wait3A_290] : memref<4x64x128xf32, #tpu.memory_space<vmem>> -> memref<1x64x128xf32, #tpu.memory_space<vmem>>
        %dma_wait3A_292 = tpu.memref_squeeze %dma_wait3A_291 : memref<1x64x128xf32, #tpu.memory_space<vmem>> -> memref<64x128xf32, #tpu.memory_space<vmem>>
        %dma_wait3A_293 = arith.constant 0 : i32
        %dma_wait3A_294 = tpu.memref_slice %arg7[%add3A_235, %dma_wait3A_293] : memref<40x64xi32, #tpu.memory_space<vmem>> -> memref<1x64xi32, #tpu.memory_space<vmem>>
        %dma_wait3A_295 = tpu.memref_squeeze %dma_wait3A_294 : memref<1x64xi32, #tpu.memory_space<vmem>> -> memref<64xi32, #tpu.memory_space<vmem>>
        %dma_wait3A_296 = arith.constant 0 : i32
        %dma_wait3A_297 = arith.constant 0 : i32
        %dma_wait3A_298 = tpu.memref_slice %arg9[%dma_wait3A_296, %dma_wait3A_297] : memref<10240x128xf32, #tpu.memory_space<vmem_shared>> -> memref<10240x128xf32, #tpu.memory_space<vmem_shared>>
        tpu.wait_indirect_dma semaphore(%run_scoped3A_278 : memref<!tpu.dma_semaphore, #tpu.memory_space<semaphore_mem>>) src(%dma_wait3A_292 : memref<64x128xf32, #tpu.memory_space<vmem>>) dst(%dma_wait3A_298 : memref<10240x128xf32, #tpu.memory_space<vmem_shared>>)
        tpu.yield
      }) : () -> ()
      %mul3A_255 = arith.constant 4 : i32
      %mul3A_256 = arith.muli %mul3A_255, %scan3A_184 : i32
      %add3A_257 = arith.constant 3 : i32
      %add3A_258 = arith.addi %mul3A_256, %add3A_257 : i32
      %add3A_259 = arith.constant 3 : i32
      %add3A_260 = arith.addi %add3A_258, %add3A_259 : i32
      %dma_wait3A_261 = arith.constant 3 : i32
      %dma_wait3A_262 = arith.constant 0 : i32
      %dma_wait3A_263 = arith.constant 0 : i32
      %dma_wait3A_264 = tpu.memref_slice %arg8[%dma_wait3A_261, %dma_wait3A_262, %dma_wait3A_263] : memref<4x64x128xf32, #tpu.memory_space<vmem>> -> memref<1x64x128xf32, #tpu.memory_space<vmem>>
      %dma_wait3A_265 = tpu.memref_squeeze %dma_wait3A_264 : memref<1x64x128xf32, #tpu.memory_space<vmem>> -> memref<64x128xf32, #tpu.memory_space<vmem>>
      %dma_wait3A_266 = arith.constant 0 : i32
      %dma_wait3A_267 = tpu.memref_slice %arg6[%add3A_258, %dma_wait3A_266] : memref<40x64xi32, #tpu.memory_space<vmem>> -> memref<1x64xi32, #tpu.memory_space<vmem>>
      %dma_wait3A_268 = tpu.memref_squeeze %dma_wait3A_267 : memref<1x64xi32, #tpu.memory_space<vmem>> -> memref<64xi32, #tpu.memory_space<vmem>>
      %dma_wait3A_269 = arith.constant 0 : i32
      %dma_wait3A_270 = arith.constant 0 : i32
      %dma_wait3A_271 = tpu.memref_slice %arg4[%dma_wait3A_269, %dma_wait3A_270] : memref<10000x128xf32, #tpu.memory_space<hbm>> -> memref<10000x128xf32, #tpu.memory_space<hbm>>
      tpu.wait_indirect_dma semaphore(%arg13 : memref<!tpu.dma_semaphore, #tpu.memory_space<semaphore_mem>>) src(%dma_wait3A_271 : memref<10000x128xf32, #tpu.memory_space<hbm>>) dst(%dma_wait3A_265 : memref<64x128xf32, #tpu.memory_space<vmem>>)
      %lt3A_272 = arith.constant 40 : i32
      %lt3A_273 = arith.cmpi slt, %add3A_260, %lt3A_272 : i32
      %convert_element_type3A_274 = arith.extui %lt3A_273 : i1 to i32
      %cond3A_275 = arith.constant 0 : i32
      %cond3A_276 = arith.cmpi ne, %convert_element_type3A_274, %cond3A_275 : i32
      scf.if %cond3A_276 {
        %dma_start3A_278 = arith.constant 2 : i32
        %dma_start3A_279 = arith.constant 0 : i32
        %dma_start3A_280 = arith.constant 0 : i32
        %dma_start3A_281 = tpu.memref_slice %arg8[%dma_start3A_278, %dma_start3A_279, %dma_start3A_280] : memref<4x64x128xf32, #tpu.memory_space<vmem>> -> memref<1x64x128xf32, #tpu.memory_space<vmem>>
        %dma_start3A_282 = tpu.memref_squeeze %dma_start3A_281 : memref<1x64x128xf32, #tpu.memory_space<vmem>> -> memref<64x128xf32, #tpu.memory_space<vmem>>
        %dma_start3A_283 = arith.constant 0 : i32
        %dma_start3A_284 = tpu.memref_slice %arg6[%add3A_260, %dma_start3A_283] : memref<40x64xi32, #tpu.memory_space<vmem>> -> memref<1x64xi32, #tpu.memory_space<vmem>>
        %dma_start3A_285 = tpu.memref_squeeze %dma_start3A_284 : memref<1x64xi32, #tpu.memory_space<vmem>> -> memref<64xi32, #tpu.memory_space<vmem>>
        %dma_start3A_286 = arith.constant 0 : i32
        %dma_start3A_287 = arith.constant 0 : i32
        %dma_start3A_288 = tpu.memref_slice %arg4[%dma_start3A_286, %dma_start3A_287] : memref<10000x128xf32, #tpu.memory_space<hbm>> -> memref<10000x128xf32, #tpu.memory_space<hbm>>
        tpu.enqueue_indirect_dma source(%dma_start3A_288 : memref<10000x128xf32, #tpu.memory_space<hbm>>) target(%dma_start3A_282 : memref<64x128xf32, #tpu.memory_space<vmem>>) offsets(%dma_start3A_285 : memref<64xi32, #tpu.memory_space<vmem>>) semaphore(%arg12 : memref<!tpu.dma_semaphore, #tpu.memory_space<semaphore_mem>>)
      } else {
      }
      %run_scoped3A_277 = arith.constant 3 : i32
      "tpu.region"() ({
        %run_scoped3A_278 = tpu.sem_alloc : memref<!tpu.dma_semaphore, #tpu.memory_space<semaphore_mem>>
        %dma_start3A_279 = arith.constant 0 : i32
        %dma_start3A_280 = arith.constant 0 : i32
        %dma_start3A_281 = tpu.memref_slice %arg8[%run_scoped3A_277, %dma_start3A_279, %dma_start3A_280] : memref<4x64x128xf32, #tpu.memory_space<vmem>> -> memref<1x64x128xf32, #tpu.memory_space<vmem>>
        %dma_start3A_282 = tpu.memref_squeeze %dma_start3A_281 : memref<1x64x128xf32, #tpu.memory_space<vmem>> -> memref<64x128xf32, #tpu.memory_space<vmem>>
        %dma_start3A_283 = arith.constant 0 : i32
        %dma_start3A_284 = tpu.memref_slice %arg7[%add3A_258, %dma_start3A_283] : memref<40x64xi32, #tpu.memory_space<vmem>> -> memref<1x64xi32, #tpu.memory_space<vmem>>
        %dma_start3A_285 = tpu.memref_squeeze %dma_start3A_284 : memref<1x64xi32, #tpu.memory_space<vmem>> -> memref<64xi32, #tpu.memory_space<vmem>>
        %dma_start3A_286 = arith.constant 0 : i32
        %dma_start3A_287 = arith.constant 0 : i32
        %dma_start3A_288 = tpu.memref_slice %arg9[%dma_start3A_286, %dma_start3A_287] : memref<10240x128xf32, #tpu.memory_space<vmem_shared>> -> memref<10240x128xf32, #tpu.memory_space<vmem_shared>>
        tpu.enqueue_indirect_dma source(%dma_start3A_282 : memref<64x128xf32, #tpu.memory_space<vmem>>) target(%dma_start3A_288 : memref<10240x128xf32, #tpu.memory_space<vmem_shared>>) offsets(%dma_start3A_285 : memref<64xi32, #tpu.memory_space<vmem>>) semaphore(%run_scoped3A_278 : memref<!tpu.dma_semaphore, #tpu.memory_space<semaphore_mem>>) {add = true}
        %dma_wait3A_289 = arith.constant 0 : i32
        %dma_wait3A_290 = arith.constant 0 : i32
        %dma_wait3A_291 = tpu.memref_slice %arg8[%run_scoped3A_277, %dma_wait3A_289, %dma_wait3A_290] : memref<4x64x128xf32, #tpu.memory_space<vmem>> -> memref<1x64x128xf32, #tpu.memory_space<vmem>>
        %dma_wait3A_292 = tpu.memref_squeeze %dma_wait3A_291 : memref<1x64x128xf32, #tpu.memory_space<vmem>> -> memref<64x128xf32, #tpu.memory_space<vmem>>
        %dma_wait3A_293 = arith.constant 0 : i32
        %dma_wait3A_294 = tpu.memref_slice %arg7[%add3A_258, %dma_wait3A_293] : memref<40x64xi32, #tpu.memory_space<vmem>> -> memref<1x64xi32, #tpu.memory_space<vmem>>
        %dma_wait3A_295 = tpu.memref_squeeze %dma_wait3A_294 : memref<1x64xi32, #tpu.memory_space<vmem>> -> memref<64xi32, #tpu.memory_space<vmem>>
        %dma_wait3A_296 = arith.constant 0 : i32
        %dma_wait3A_297 = arith.constant 0 : i32
        %dma_wait3A_298 = tpu.memref_slice %arg9[%dma_wait3A_296, %dma_wait3A_297] : memref<10240x128xf32, #tpu.memory_space<vmem_shared>> -> memref<10240x128xf32, #tpu.memory_space<vmem_shared>>
        tpu.wait_indirect_dma semaphore(%run_scoped3A_278 : memref<!tpu.dma_semaphore, #tpu.memory_space<semaphore_mem>>) src(%dma_wait3A_292 : memref<64x128xf32, #tpu.memory_space<vmem>>) dst(%dma_wait3A_298 : memref<10240x128xf32, #tpu.memory_space<vmem_shared>>)
        tpu.yield
      }) : () -> ()
    }
    %scan3A_94 = arith.constant 10 : i32
    "tpu.region"() ({
      %run_scoped3A = tpu.sem_alloc : memref<!tpu.dma_semaphore, #tpu.memory_space<semaphore_mem>>
      %dma_start3A_184 = arith.constant 80 : i32
      %dma_start3A_185 = arith.constant 0 : i32
      %dma_start3A_186 = tpu.memref_slice %arg2[%add3A, %dma_start3A_184, %dma_start3A_185] : memref<32x160x64xi32, #tpu.memory_space<hbm>> -> memref<1x40x64xi32, #tpu.memory_space<hbm>>
      %dma_start3A_187 = tpu.memref_squeeze %dma_start3A_186 : memref<1x40x64xi32, #tpu.memory_space<hbm>> -> memref<40x64xi32, #tpu.memory_space<hbm>>
      %dma_start3A_188 = arith.constant 80 : i32
      %dma_start3A_189 = arith.constant 0 : i32
      %dma_start3A_190 = tpu.memref_slice %arg2[%add3A, %dma_start3A_188, %dma_start3A_189] : memref<32x160x64xi32, #tpu.memory_space<hbm>> -> memref<1x40x64xi32, #tpu.memory_space<hbm>>
      %dma_start3A_191 = tpu.memref_squeeze %dma_start3A_190 : memref<1x40x64xi32, #tpu.memory_space<hbm>> -> memref<40x64xi32, #tpu.memory_space<hbm>>
      tpu.enqueue_dma source(%dma_start3A_191 : memref<40x64xi32, #tpu.memory_space<hbm>>) target(%arg6 : memref<40x64xi32, #tpu.memory_space<vmem>>) target_semaphore(%run_scoped3A : memref<!tpu.dma_semaphore, #tpu.memory_space<semaphore_mem>>)
      %dma_wait3A = arith.constant 80 : i32
      %dma_wait3A_192 = arith.constant 0 : i32
      %dma_wait3A_193 = tpu.memref_slice %arg2[%add3A, %dma_wait3A, %dma_wait3A_192] : memref<32x160x64xi32, #tpu.memory_space<hbm>> -> memref<1x40x64xi32, #tpu.memory_space<hbm>>
      %dma_wait3A_194 = tpu.memref_squeeze %dma_wait3A_193 : memref<1x40x64xi32, #tpu.memory_space<hbm>> -> memref<40x64xi32, #tpu.memory_space<hbm>>
      %dma_wait3A_195 = arith.constant 80 : i32
      %dma_wait3A_196 = arith.constant 0 : i32
      %dma_wait3A_197 = tpu.memref_slice %arg2[%add3A, %dma_wait3A_195, %dma_wait3A_196] : memref<32x160x64xi32, #tpu.memory_space<hbm>> -> memref<1x40x64xi32, #tpu.memory_space<hbm>>
      %dma_wait3A_198 = tpu.memref_squeeze %dma_wait3A_197 : memref<1x40x64xi32, #tpu.memory_space<hbm>> -> memref<40x64xi32, #tpu.memory_space<hbm>>
      tpu.wait_dma2 semaphore(%run_scoped3A : memref<!tpu.dma_semaphore, #tpu.memory_space<semaphore_mem>>) src(%dma_wait3A_198 : memref<40x64xi32, #tpu.memory_space<hbm>>) dst(%arg6 : memref<40x64xi32, #tpu.memory_space<vmem>>)
      tpu.yield
    }) : () -> ()
    "tpu.region"() ({
      %run_scoped3A = tpu.sem_alloc : memref<!tpu.dma_semaphore, #tpu.memory_space<semaphore_mem>>
      %dma_start3A_184 = arith.constant 80 : i32
      %dma_start3A_185 = arith.constant 0 : i32
      %dma_start3A_186 = tpu.memref_slice %arg3[%add3A, %dma_start3A_184, %dma_start3A_185] : memref<32x160x64xi32, #tpu.memory_space<hbm>> -> memref<1x40x64xi32, #tpu.memory_space<hbm>>
      %dma_start3A_187 = tpu.memref_squeeze %dma_start3A_186 : memref<1x40x64xi32, #tpu.memory_space<hbm>> -> memref<40x64xi32, #tpu.memory_space<hbm>>
      %dma_start3A_188 = arith.constant 80 : i32
      %dma_start3A_189 = arith.constant 0 : i32
      %dma_start3A_190 = tpu.memref_slice %arg3[%add3A, %dma_start3A_188, %dma_start3A_189] : memref<32x160x64xi32, #tpu.memory_space<hbm>> -> memref<1x40x64xi32, #tpu.memory_space<hbm>>
      %dma_start3A_191 = tpu.memref_squeeze %dma_start3A_190 : memref<1x40x64xi32, #tpu.memory_space<hbm>> -> memref<40x64xi32, #tpu.memory_space<hbm>>
      tpu.enqueue_dma source(%dma_start3A_191 : memref<40x64xi32, #tpu.memory_space<hbm>>) target(%arg7 : memref<40x64xi32, #tpu.memory_space<vmem>>) target_semaphore(%run_scoped3A : memref<!tpu.dma_semaphore, #tpu.memory_space<semaphore_mem>>)
      %dma_wait3A = arith.constant 80 : i32
      %dma_wait3A_192 = arith.constant 0 : i32
      %dma_wait3A_193 = tpu.memref_slice %arg3[%add3A, %dma_wait3A, %dma_wait3A_192] : memref<32x160x64xi32, #tpu.memory_space<hbm>> -> memref<1x40x64xi32, #tpu.memory_space<hbm>>
      %dma_wait3A_194 = tpu.memref_squeeze %dma_wait3A_193 : memref<1x40x64xi32, #tpu.memory_space<hbm>> -> memref<40x64xi32, #tpu.memory_space<hbm>>
      %dma_wait3A_195 = arith.constant 80 : i32
      %dma_wait3A_196 = arith.constant 0 : i32
      %dma_wait3A_197 = tpu.memref_slice %arg3[%add3A, %dma_wait3A_195, %dma_wait3A_196] : memref<32x160x64xi32, #tpu.memory_space<hbm>> -> memref<1x40x64xi32, #tpu.memory_space<hbm>>
      %dma_wait3A_198 = tpu.memref_squeeze %dma_wait3A_197 : memref<1x40x64xi32, #tpu.memory_space<hbm>> -> memref<40x64xi32, #tpu.memory_space<hbm>>
      tpu.wait_dma2 semaphore(%run_scoped3A : memref<!tpu.dma_semaphore, #tpu.memory_space<semaphore_mem>>) src(%dma_wait3A_198 : memref<40x64xi32, #tpu.memory_space<hbm>>) dst(%arg7 : memref<40x64xi32, #tpu.memory_space<vmem>>)
      tpu.yield
    }) : () -> ()
    %dma_start3A_95 = arith.constant 0 : i32
    %dma_start3A_96 = arith.constant 0 : i32
    %dma_start3A_97 = arith.constant 0 : i32
    %dma_start3A_98 = arith.constant 0 : i32
    %dma_start3A_99 = tpu.memref_slice %arg8[%dma_start3A_96, %dma_start3A_97, %dma_start3A_98] : memref<4x64x128xf32, #tpu.memory_space<vmem>> -> memref<1x64x128xf32, #tpu.memory_space<vmem>>
    %dma_start3A_100 = tpu.memref_squeeze %dma_start3A_99 : memref<1x64x128xf32, #tpu.memory_space<vmem>> -> memref<64x128xf32, #tpu.memory_space<vmem>>
    %dma_start3A_101 = arith.constant 0 : i32
    %dma_start3A_102 = tpu.memref_slice %arg6[%dma_start3A_95, %dma_start3A_101] : memref<40x64xi32, #tpu.memory_space<vmem>> -> memref<1x64xi32, #tpu.memory_space<vmem>>
    %dma_start3A_103 = tpu.memref_squeeze %dma_start3A_102 : memref<1x64xi32, #tpu.memory_space<vmem>> -> memref<64xi32, #tpu.memory_space<vmem>>
    %dma_start3A_104 = arith.constant 0 : i32
    %dma_start3A_105 = arith.constant 0 : i32
    %dma_start3A_106 = tpu.memref_slice %arg4[%dma_start3A_104, %dma_start3A_105] : memref<10000x128xf32, #tpu.memory_space<hbm>> -> memref<10000x128xf32, #tpu.memory_space<hbm>>
    tpu.enqueue_indirect_dma source(%dma_start3A_106 : memref<10000x128xf32, #tpu.memory_space<hbm>>) target(%dma_start3A_100 : memref<64x128xf32, #tpu.memory_space<vmem>>) offsets(%dma_start3A_103 : memref<64xi32, #tpu.memory_space<vmem>>) semaphore(%arg10 : memref<!tpu.dma_semaphore, #tpu.memory_space<semaphore_mem>>)
    %dma_start3A_107 = arith.constant 1 : i32
    %dma_start3A_108 = arith.constant 1 : i32
    %dma_start3A_109 = arith.constant 0 : i32
    %dma_start3A_110 = arith.constant 0 : i32
    %dma_start3A_111 = tpu.memref_slice %arg8[%dma_start3A_108, %dma_start3A_109, %dma_start3A_110] : memref<4x64x128xf32, #tpu.memory_space<vmem>> -> memref<1x64x128xf32, #tpu.memory_space<vmem>>
    %dma_start3A_112 = tpu.memref_squeeze %dma_start3A_111 : memref<1x64x128xf32, #tpu.memory_space<vmem>> -> memref<64x128xf32, #tpu.memory_space<vmem>>
    %dma_start3A_113 = arith.constant 0 : i32
    %dma_start3A_114 = tpu.memref_slice %arg6[%dma_start3A_107, %dma_start3A_113] : memref<40x64xi32, #tpu.memory_space<vmem>> -> memref<1x64xi32, #tpu.memory_space<vmem>>
    %dma_start3A_115 = tpu.memref_squeeze %dma_start3A_114 : memref<1x64xi32, #tpu.memory_space<vmem>> -> memref<64xi32, #tpu.memory_space<vmem>>
    %dma_start3A_116 = arith.constant 0 : i32
    %dma_start3A_117 = arith.constant 0 : i32
    %dma_start3A_118 = tpu.memref_slice %arg4[%dma_start3A_116, %dma_start3A_117] : memref<10000x128xf32, #tpu.memory_space<hbm>> -> memref<10000x128xf32, #tpu.memory_space<hbm>>
    tpu.enqueue_indirect_dma source(%dma_start3A_118 : memref<10000x128xf32, #tpu.memory_space<hbm>>) target(%dma_start3A_112 : memref<64x128xf32, #tpu.memory_space<vmem>>) offsets(%dma_start3A_115 : memref<64xi32, #tpu.memory_space<vmem>>) semaphore(%arg11 : memref<!tpu.dma_semaphore, #tpu.memory_space<semaphore_mem>>)
    %dma_start3A_119 = arith.constant 2 : i32
    %dma_start3A_120 = arith.constant 2 : i32
    %dma_start3A_121 = arith.constant 0 : i32
    %dma_start3A_122 = arith.constant 0 : i32
    %dma_start3A_123 = tpu.memref_slice %arg8[%dma_start3A_120, %dma_start3A_121, %dma_start3A_122] : memref<4x64x128xf32, #tpu.memory_space<vmem>> -> memref<1x64x128xf32, #tpu.memory_space<vmem>>
    %dma_start3A_124 = tpu.memref_squeeze %dma_start3A_123 : memref<1x64x128xf32, #tpu.memory_space<vmem>> -> memref<64x128xf32, #tpu.memory_space<vmem>>
    %dma_start3A_125 = arith.constant 0 : i32
    %dma_start3A_126 = tpu.memref_slice %arg6[%dma_start3A_119, %dma_start3A_125] : memref<40x64xi32, #tpu.memory_space<vmem>> -> memref<1x64xi32, #tpu.memory_space<vmem>>
    %dma_start3A_127 = tpu.memref_squeeze %dma_start3A_126 : memref<1x64xi32, #tpu.memory_space<vmem>> -> memref<64xi32, #tpu.memory_space<vmem>>
    %dma_start3A_128 = arith.constant 0 : i32
    %dma_start3A_129 = arith.constant 0 : i32
    %dma_start3A_130 = tpu.memref_slice %arg4[%dma_start3A_128, %dma_start3A_129] : memref<10000x128xf32, #tpu.memory_space<hbm>> -> memref<10000x128xf32, #tpu.memory_space<hbm>>
    tpu.enqueue_indirect_dma source(%dma_start3A_130 : memref<10000x128xf32, #tpu.memory_space<hbm>>) target(%dma_start3A_124 : memref<64x128xf32, #tpu.memory_space<vmem>>) offsets(%dma_start3A_127 : memref<64xi32, #tpu.memory_space<vmem>>) semaphore(%arg12 : memref<!tpu.dma_semaphore, #tpu.memory_space<semaphore_mem>>)
    %scan3A_131 = arith.constant 0 : i32
    %scan3A_132 = arith.constant 0 : i32
    %scan3A_133 = arith.constant 10 : i32
    %scan3A_134 = arith.addi %scan3A_132, %scan3A_133 : i32
    %scan3A_135 = arith.constant 1 : i32
    scf.for %scan3A_184 = %scan3A_132 to %scan3A_134 step %scan3A_135  : i32 {
      %mul3A_185 = arith.constant 4 : i32
      %mul3A_186 = arith.muli %mul3A_185, %scan3A_184 : i32
      %add3A_187 = arith.constant 0 : i32
      %add3A_188 = arith.addi %mul3A_186, %add3A_187 : i32
      %add3A_189 = arith.constant 3 : i32
      %add3A_190 = arith.addi %add3A_188, %add3A_189 : i32
      %dma_wait3A = arith.constant 0 : i32
      %dma_wait3A_191 = arith.constant 0 : i32
      %dma_wait3A_192 = arith.constant 0 : i32
      %dma_wait3A_193 = tpu.memref_slice %arg8[%dma_wait3A, %dma_wait3A_191, %dma_wait3A_192] : memref<4x64x128xf32, #tpu.memory_space<vmem>> -> memref<1x64x128xf32, #tpu.memory_space<vmem>>
      %dma_wait3A_194 = tpu.memref_squeeze %dma_wait3A_193 : memref<1x64x128xf32, #tpu.memory_space<vmem>> -> memref<64x128xf32, #tpu.memory_space<vmem>>
      %dma_wait3A_195 = arith.constant 0 : i32
      %dma_wait3A_196 = tpu.memref_slice %arg6[%add3A_188, %dma_wait3A_195] : memref<40x64xi32, #tpu.memory_space<vmem>> -> memref<1x64xi32, #tpu.memory_space<vmem>>
      %dma_wait3A_197 = tpu.memref_squeeze %dma_wait3A_196 : memref<1x64xi32, #tpu.memory_space<vmem>> -> memref<64xi32, #tpu.memory_space<vmem>>
      %dma_wait3A_198 = arith.constant 0 : i32
      %dma_wait3A_199 = arith.constant 0 : i32
      %dma_wait3A_200 = tpu.memref_slice %arg4[%dma_wait3A_198, %dma_wait3A_199] : memref<10000x128xf32, #tpu.memory_space<hbm>> -> memref<10000x128xf32, #tpu.memory_space<hbm>>
      tpu.wait_indirect_dma semaphore(%arg10 : memref<!tpu.dma_semaphore, #tpu.memory_space<semaphore_mem>>) src(%dma_wait3A_200 : memref<10000x128xf32, #tpu.memory_space<hbm>>) dst(%dma_wait3A_194 : memref<64x128xf32, #tpu.memory_space<vmem>>)
      %dma_start3A_201 = arith.constant 3 : i32
      %dma_start3A_202 = arith.constant 0 : i32
      %dma_start3A_203 = arith.constant 0 : i32
      %dma_start3A_204 = tpu.memref_slice %arg8[%dma_start3A_201, %dma_start3A_202, %dma_start3A_203] : memref<4x64x128xf32, #tpu.memory_space<vmem>> -> memref<1x64x128xf32, #tpu.memory_space<vmem>>
      %dma_start3A_205 = tpu.memref_squeeze %dma_start3A_204 : memref<1x64x128xf32, #tpu.memory_space<vmem>> -> memref<64x128xf32, #tpu.memory_space<vmem>>
      %dma_start3A_206 = arith.constant 0 : i32
      %dma_start3A_207 = tpu.memref_slice %arg6[%add3A_190, %dma_start3A_206] : memref<40x64xi32, #tpu.memory_space<vmem>> -> memref<1x64xi32, #tpu.memory_space<vmem>>
      %dma_start3A_208 = tpu.memref_squeeze %dma_start3A_207 : memref<1x64xi32, #tpu.memory_space<vmem>> -> memref<64xi32, #tpu.memory_space<vmem>>
      %dma_start3A_209 = arith.constant 0 : i32
      %dma_start3A_210 = arith.constant 0 : i32
      %dma_start3A_211 = tpu.memref_slice %arg4[%dma_start3A_209, %dma_start3A_210] : memref<10000x128xf32, #tpu.memory_space<hbm>> -> memref<10000x128xf32, #tpu.memory_space<hbm>>
      tpu.enqueue_indirect_dma source(%dma_start3A_211 : memref<10000x128xf32, #tpu.memory_space<hbm>>) target(%dma_start3A_205 : memref<64x128xf32, #tpu.memory_space<vmem>>) offsets(%dma_start3A_208 : memref<64xi32, #tpu.memory_space<vmem>>) semaphore(%arg13 : memref<!tpu.dma_semaphore, #tpu.memory_space<semaphore_mem>>)
      %run_scoped3A = arith.constant 0 : i32
      "tpu.region"() ({
        %run_scoped3A_278 = tpu.sem_alloc : memref<!tpu.dma_semaphore, #tpu.memory_space<semaphore_mem>>
        %dma_start3A_279 = arith.constant 0 : i32
        %dma_start3A_280 = arith.constant 0 : i32
        %dma_start3A_281 = tpu.memref_slice %arg8[%run_scoped3A, %dma_start3A_279, %dma_start3A_280] : memref<4x64x128xf32, #tpu.memory_space<vmem>> -> memref<1x64x128xf32, #tpu.memory_space<vmem>>
        %dma_start3A_282 = tpu.memref_squeeze %dma_start3A_281 : memref<1x64x128xf32, #tpu.memory_space<vmem>> -> memref<64x128xf32, #tpu.memory_space<vmem>>
        %dma_start3A_283 = arith.constant 0 : i32
        %dma_start3A_284 = tpu.memref_slice %arg7[%add3A_188, %dma_start3A_283] : memref<40x64xi32, #tpu.memory_space<vmem>> -> memref<1x64xi32, #tpu.memory_space<vmem>>
        %dma_start3A_285 = tpu.memref_squeeze %dma_start3A_284 : memref<1x64xi32, #tpu.memory_space<vmem>> -> memref<64xi32, #tpu.memory_space<vmem>>
        %dma_start3A_286 = arith.constant 0 : i32
        %dma_start3A_287 = arith.constant 0 : i32
        %dma_start3A_288 = tpu.memref_slice %arg9[%dma_start3A_286, %dma_start3A_287] : memref<10240x128xf32, #tpu.memory_space<vmem_shared>> -> memref<10240x128xf32, #tpu.memory_space<vmem_shared>>
        tpu.enqueue_indirect_dma source(%dma_start3A_282 : memref<64x128xf32, #tpu.memory_space<vmem>>) target(%dma_start3A_288 : memref<10240x128xf32, #tpu.memory_space<vmem_shared>>) offsets(%dma_start3A_285 : memref<64xi32, #tpu.memory_space<vmem>>) semaphore(%run_scoped3A_278 : memref<!tpu.dma_semaphore, #tpu.memory_space<semaphore_mem>>) {add = true}
        %dma_wait3A_289 = arith.constant 0 : i32
        %dma_wait3A_290 = arith.constant 0 : i32
        %dma_wait3A_291 = tpu.memref_slice %arg8[%run_scoped3A, %dma_wait3A_289, %dma_wait3A_290] : memref<4x64x128xf32, #tpu.memory_space<vmem>> -> memref<1x64x128xf32, #tpu.memory_space<vmem>>
        %dma_wait3A_292 = tpu.memref_squeeze %dma_wait3A_291 : memref<1x64x128xf32, #tpu.memory_space<vmem>> -> memref<64x128xf32, #tpu.memory_space<vmem>>
        %dma_wait3A_293 = arith.constant 0 : i32
        %dma_wait3A_294 = tpu.memref_slice %arg7[%add3A_188, %dma_wait3A_293] : memref<40x64xi32, #tpu.memory_space<vmem>> -> memref<1x64xi32, #tpu.memory_space<vmem>>
        %dma_wait3A_295 = tpu.memref_squeeze %dma_wait3A_294 : memref<1x64xi32, #tpu.memory_space<vmem>> -> memref<64xi32, #tpu.memory_space<vmem>>
        %dma_wait3A_296 = arith.constant 0 : i32
        %dma_wait3A_297 = arith.constant 0 : i32
        %dma_wait3A_298 = tpu.memref_slice %arg9[%dma_wait3A_296, %dma_wait3A_297] : memref<10240x128xf32, #tpu.memory_space<vmem_shared>> -> memref<10240x128xf32, #tpu.memory_space<vmem_shared>>
        tpu.wait_indirect_dma semaphore(%run_scoped3A_278 : memref<!tpu.dma_semaphore, #tpu.memory_space<semaphore_mem>>) src(%dma_wait3A_292 : memref<64x128xf32, #tpu.memory_space<vmem>>) dst(%dma_wait3A_298 : memref<10240x128xf32, #tpu.memory_space<vmem_shared>>)
        tpu.yield
      }) : () -> ()
      %mul3A_212 = arith.constant 4 : i32
      %mul3A_213 = arith.muli %mul3A_212, %scan3A_184 : i32
      %add3A_214 = arith.constant 1 : i32
      %add3A_215 = arith.addi %mul3A_213, %add3A_214 : i32
      %add3A_216 = arith.constant 3 : i32
      %add3A_217 = arith.addi %add3A_215, %add3A_216 : i32
      %dma_wait3A_218 = arith.constant 1 : i32
      %dma_wait3A_219 = arith.constant 0 : i32
      %dma_wait3A_220 = arith.constant 0 : i32
      %dma_wait3A_221 = tpu.memref_slice %arg8[%dma_wait3A_218, %dma_wait3A_219, %dma_wait3A_220] : memref<4x64x128xf32, #tpu.memory_space<vmem>> -> memref<1x64x128xf32, #tpu.memory_space<vmem>>
      %dma_wait3A_222 = tpu.memref_squeeze %dma_wait3A_221 : memref<1x64x128xf32, #tpu.memory_space<vmem>> -> memref<64x128xf32, #tpu.memory_space<vmem>>
      %dma_wait3A_223 = arith.constant 0 : i32
      %dma_wait3A_224 = tpu.memref_slice %arg6[%add3A_215, %dma_wait3A_223] : memref<40x64xi32, #tpu.memory_space<vmem>> -> memref<1x64xi32, #tpu.memory_space<vmem>>
      %dma_wait3A_225 = tpu.memref_squeeze %dma_wait3A_224 : memref<1x64xi32, #tpu.memory_space<vmem>> -> memref<64xi32, #tpu.memory_space<vmem>>
      %dma_wait3A_226 = arith.constant 0 : i32
      %dma_wait3A_227 = arith.constant 0 : i32
      %dma_wait3A_228 = tpu.memref_slice %arg4[%dma_wait3A_226, %dma_wait3A_227] : memref<10000x128xf32, #tpu.memory_space<hbm>> -> memref<10000x128xf32, #tpu.memory_space<hbm>>
      tpu.wait_indirect_dma semaphore(%arg11 : memref<!tpu.dma_semaphore, #tpu.memory_space<semaphore_mem>>) src(%dma_wait3A_228 : memref<10000x128xf32, #tpu.memory_space<hbm>>) dst(%dma_wait3A_222 : memref<64x128xf32, #tpu.memory_space<vmem>>)
      %lt3A = arith.constant 40 : i32
      %lt3A_229 = arith.cmpi slt, %add3A_217, %lt3A : i32
      %convert_element_type3A = arith.extui %lt3A_229 : i1 to i32
      %cond3A = arith.constant 0 : i32
      %cond3A_230 = arith.cmpi ne, %convert_element_type3A, %cond3A : i32
      scf.if %cond3A_230 {
        %dma_start3A_278 = arith.constant 0 : i32
        %dma_start3A_279 = arith.constant 0 : i32
        %dma_start3A_280 = arith.constant 0 : i32
        %dma_start3A_281 = tpu.memref_slice %arg8[%dma_start3A_278, %dma_start3A_279, %dma_start3A_280] : memref<4x64x128xf32, #tpu.memory_space<vmem>> -> memref<1x64x128xf32, #tpu.memory_space<vmem>>
        %dma_start3A_282 = tpu.memref_squeeze %dma_start3A_281 : memref<1x64x128xf32, #tpu.memory_space<vmem>> -> memref<64x128xf32, #tpu.memory_space<vmem>>
        %dma_start3A_283 = arith.constant 0 : i32
        %dma_start3A_284 = tpu.memref_slice %arg6[%add3A_217, %dma_start3A_283] : memref<40x64xi32, #tpu.memory_space<vmem>> -> memref<1x64xi32, #tpu.memory_space<vmem>>
        %dma_start3A_285 = tpu.memref_squeeze %dma_start3A_284 : memref<1x64xi32, #tpu.memory_space<vmem>> -> memref<64xi32, #tpu.memory_space<vmem>>
        %dma_start3A_286 = arith.constant 0 : i32
        %dma_start3A_287 = arith.constant 0 : i32
        %dma_start3A_288 = tpu.memref_slice %arg4[%dma_start3A_286, %dma_start3A_287] : memref<10000x128xf32, #tpu.memory_space<hbm>> -> memref<10000x128xf32, #tpu.memory_space<hbm>>
        tpu.enqueue_indirect_dma source(%dma_start3A_288 : memref<10000x128xf32, #tpu.memory_space<hbm>>) target(%dma_start3A_282 : memref<64x128xf32, #tpu.memory_space<vmem>>) offsets(%dma_start3A_285 : memref<64xi32, #tpu.memory_space<vmem>>) semaphore(%arg10 : memref<!tpu.dma_semaphore, #tpu.memory_space<semaphore_mem>>)
      } else {
      }
      %run_scoped3A_231 = arith.constant 1 : i32
      "tpu.region"() ({
        %run_scoped3A_278 = tpu.sem_alloc : memref<!tpu.dma_semaphore, #tpu.memory_space<semaphore_mem>>
        %dma_start3A_279 = arith.constant 0 : i32
        %dma_start3A_280 = arith.constant 0 : i32
        %dma_start3A_281 = tpu.memref_slice %arg8[%run_scoped3A_231, %dma_start3A_279, %dma_start3A_280] : memref<4x64x128xf32, #tpu.memory_space<vmem>> -> memref<1x64x128xf32, #tpu.memory_space<vmem>>
        %dma_start3A_282 = tpu.memref_squeeze %dma_start3A_281 : memref<1x64x128xf32, #tpu.memory_space<vmem>> -> memref<64x128xf32, #tpu.memory_space<vmem>>
        %dma_start3A_283 = arith.constant 0 : i32
        %dma_start3A_284 = tpu.memref_slice %arg7[%add3A_215, %dma_start3A_283] : memref<40x64xi32, #tpu.memory_space<vmem>> -> memref<1x64xi32, #tpu.memory_space<vmem>>
        %dma_start3A_285 = tpu.memref_squeeze %dma_start3A_284 : memref<1x64xi32, #tpu.memory_space<vmem>> -> memref<64xi32, #tpu.memory_space<vmem>>
        %dma_start3A_286 = arith.constant 0 : i32
        %dma_start3A_287 = arith.constant 0 : i32
        %dma_start3A_288 = tpu.memref_slice %arg9[%dma_start3A_286, %dma_start3A_287] : memref<10240x128xf32, #tpu.memory_space<vmem_shared>> -> memref<10240x128xf32, #tpu.memory_space<vmem_shared>>
        tpu.enqueue_indirect_dma source(%dma_start3A_282 : memref<64x128xf32, #tpu.memory_space<vmem>>) target(%dma_start3A_288 : memref<10240x128xf32, #tpu.memory_space<vmem_shared>>) offsets(%dma_start3A_285 : memref<64xi32, #tpu.memory_space<vmem>>) semaphore(%run_scoped3A_278 : memref<!tpu.dma_semaphore, #tpu.memory_space<semaphore_mem>>) {add = true}
        %dma_wait3A_289 = arith.constant 0 : i32
        %dma_wait3A_290 = arith.constant 0 : i32
        %dma_wait3A_291 = tpu.memref_slice %arg8[%run_scoped3A_231, %dma_wait3A_289, %dma_wait3A_290] : memref<4x64x128xf32, #tpu.memory_space<vmem>> -> memref<1x64x128xf32, #tpu.memory_space<vmem>>
        %dma_wait3A_292 = tpu.memref_squeeze %dma_wait3A_291 : memref<1x64x128xf32, #tpu.memory_space<vmem>> -> memref<64x128xf32, #tpu.memory_space<vmem>>
        %dma_wait3A_293 = arith.constant 0 : i32
        %dma_wait3A_294 = tpu.memref_slice %arg7[%add3A_215, %dma_wait3A_293] : memref<40x64xi32, #tpu.memory_space<vmem>> -> memref<1x64xi32, #tpu.memory_space<vmem>>
        %dma_wait3A_295 = tpu.memref_squeeze %dma_wait3A_294 : memref<1x64xi32, #tpu.memory_space<vmem>> -> memref<64xi32, #tpu.memory_space<vmem>>
        %dma_wait3A_296 = arith.constant 0 : i32
        %dma_wait3A_297 = arith.constant 0 : i32
        %dma_wait3A_298 = tpu.memref_slice %arg9[%dma_wait3A_296, %dma_wait3A_297] : memref<10240x128xf32, #tpu.memory_space<vmem_shared>> -> memref<10240x128xf32, #tpu.memory_space<vmem_shared>>
        tpu.wait_indirect_dma semaphore(%run_scoped3A_278 : memref<!tpu.dma_semaphore, #tpu.memory_space<semaphore_mem>>) src(%dma_wait3A_292 : memref<64x128xf32, #tpu.memory_space<vmem>>) dst(%dma_wait3A_298 : memref<10240x128xf32, #tpu.memory_space<vmem_shared>>)
        tpu.yield
      }) : () -> ()
      %mul3A_232 = arith.constant 4 : i32
      %mul3A_233 = arith.muli %mul3A_232, %scan3A_184 : i32
      %add3A_234 = arith.constant 2 : i32
      %add3A_235 = arith.addi %mul3A_233, %add3A_234 : i32
      %add3A_236 = arith.constant 3 : i32
      %add3A_237 = arith.addi %add3A_235, %add3A_236 : i32
      %dma_wait3A_238 = arith.constant 2 : i32
      %dma_wait3A_239 = arith.constant 0 : i32
      %dma_wait3A_240 = arith.constant 0 : i32
      %dma_wait3A_241 = tpu.memref_slice %arg8[%dma_wait3A_238, %dma_wait3A_239, %dma_wait3A_240] : memref<4x64x128xf32, #tpu.memory_space<vmem>> -> memref<1x64x128xf32, #tpu.memory_space<vmem>>
      %dma_wait3A_242 = tpu.memref_squeeze %dma_wait3A_241 : memref<1x64x128xf32, #tpu.memory_space<vmem>> -> memref<64x128xf32, #tpu.memory_space<vmem>>
      %dma_wait3A_243 = arith.constant 0 : i32
      %dma_wait3A_244 = tpu.memref_slice %arg6[%add3A_235, %dma_wait3A_243] : memref<40x64xi32, #tpu.memory_space<vmem>> -> memref<1x64xi32, #tpu.memory_space<vmem>>
      %dma_wait3A_245 = tpu.memref_squeeze %dma_wait3A_244 : memref<1x64xi32, #tpu.memory_space<vmem>> -> memref<64xi32, #tpu.memory_space<vmem>>
      %dma_wait3A_246 = arith.constant 0 : i32
      %dma_wait3A_247 = arith.constant 0 : i32
      %dma_wait3A_248 = tpu.memref_slice %arg4[%dma_wait3A_246, %dma_wait3A_247] : memref<10000x128xf32, #tpu.memory_space<hbm>> -> memref<10000x128xf32, #tpu.memory_space<hbm>>
      tpu.wait_indirect_dma semaphore(%arg12 : memref<!tpu.dma_semaphore, #tpu.memory_space<semaphore_mem>>) src(%dma_wait3A_248 : memref<10000x128xf32, #tpu.memory_space<hbm>>) dst(%dma_wait3A_242 : memref<64x128xf32, #tpu.memory_space<vmem>>)
      %lt3A_249 = arith.constant 40 : i32
      %lt3A_250 = arith.cmpi slt, %add3A_237, %lt3A_249 : i32
      %convert_element_type3A_251 = arith.extui %lt3A_250 : i1 to i32
      %cond3A_252 = arith.constant 0 : i32
      %cond3A_253 = arith.cmpi ne, %convert_element_type3A_251, %cond3A_252 : i32
      scf.if %cond3A_253 {
        %dma_start3A_278 = arith.constant 1 : i32
        %dma_start3A_279 = arith.constant 0 : i32
        %dma_start3A_280 = arith.constant 0 : i32
        %dma_start3A_281 = tpu.memref_slice %arg8[%dma_start3A_278, %dma_start3A_279, %dma_start3A_280] : memref<4x64x128xf32, #tpu.memory_space<vmem>> -> memref<1x64x128xf32, #tpu.memory_space<vmem>>
        %dma_start3A_282 = tpu.memref_squeeze %dma_start3A_281 : memref<1x64x128xf32, #tpu.memory_space<vmem>> -> memref<64x128xf32, #tpu.memory_space<vmem>>
        %dma_start3A_283 = arith.constant 0 : i32
        %dma_start3A_284 = tpu.memref_slice %arg6[%add3A_237, %dma_start3A_283] : memref<40x64xi32, #tpu.memory_space<vmem>> -> memref<1x64xi32, #tpu.memory_space<vmem>>
        %dma_start3A_285 = tpu.memref_squeeze %dma_start3A_284 : memref<1x64xi32, #tpu.memory_space<vmem>> -> memref<64xi32, #tpu.memory_space<vmem>>
        %dma_start3A_286 = arith.constant 0 : i32
        %dma_start3A_287 = arith.constant 0 : i32
        %dma_start3A_288 = tpu.memref_slice %arg4[%dma_start3A_286, %dma_start3A_287] : memref<10000x128xf32, #tpu.memory_space<hbm>> -> memref<10000x128xf32, #tpu.memory_space<hbm>>
        tpu.enqueue_indirect_dma source(%dma_start3A_288 : memref<10000x128xf32, #tpu.memory_space<hbm>>) target(%dma_start3A_282 : memref<64x128xf32, #tpu.memory_space<vmem>>) offsets(%dma_start3A_285 : memref<64xi32, #tpu.memory_space<vmem>>) semaphore(%arg11 : memref<!tpu.dma_semaphore, #tpu.memory_space<semaphore_mem>>)
      } else {
      }
      %run_scoped3A_254 = arith.constant 2 : i32
      "tpu.region"() ({
        %run_scoped3A_278 = tpu.sem_alloc : memref<!tpu.dma_semaphore, #tpu.memory_space<semaphore_mem>>
        %dma_start3A_279 = arith.constant 0 : i32
        %dma_start3A_280 = arith.constant 0 : i32
        %dma_start3A_281 = tpu.memref_slice %arg8[%run_scoped3A_254, %dma_start3A_279, %dma_start3A_280] : memref<4x64x128xf32, #tpu.memory_space<vmem>> -> memref<1x64x128xf32, #tpu.memory_space<vmem>>
        %dma_start3A_282 = tpu.memref_squeeze %dma_start3A_281 : memref<1x64x128xf32, #tpu.memory_space<vmem>> -> memref<64x128xf32, #tpu.memory_space<vmem>>
        %dma_start3A_283 = arith.constant 0 : i32
        %dma_start3A_284 = tpu.memref_slice %arg7[%add3A_235, %dma_start3A_283] : memref<40x64xi32, #tpu.memory_space<vmem>> -> memref<1x64xi32, #tpu.memory_space<vmem>>
        %dma_start3A_285 = tpu.memref_squeeze %dma_start3A_284 : memref<1x64xi32, #tpu.memory_space<vmem>> -> memref<64xi32, #tpu.memory_space<vmem>>
        %dma_start3A_286 = arith.constant 0 : i32
        %dma_start3A_287 = arith.constant 0 : i32
        %dma_start3A_288 = tpu.memref_slice %arg9[%dma_start3A_286, %dma_start3A_287] : memref<10240x128xf32, #tpu.memory_space<vmem_shared>> -> memref<10240x128xf32, #tpu.memory_space<vmem_shared>>
        tpu.enqueue_indirect_dma source(%dma_start3A_282 : memref<64x128xf32, #tpu.memory_space<vmem>>) target(%dma_start3A_288 : memref<10240x128xf32, #tpu.memory_space<vmem_shared>>) offsets(%dma_start3A_285 : memref<64xi32, #tpu.memory_space<vmem>>) semaphore(%run_scoped3A_278 : memref<!tpu.dma_semaphore, #tpu.memory_space<semaphore_mem>>) {add = true}
        %dma_wait3A_289 = arith.constant 0 : i32
        %dma_wait3A_290 = arith.constant 0 : i32
        %dma_wait3A_291 = tpu.memref_slice %arg8[%run_scoped3A_254, %dma_wait3A_289, %dma_wait3A_290] : memref<4x64x128xf32, #tpu.memory_space<vmem>> -> memref<1x64x128xf32, #tpu.memory_space<vmem>>
        %dma_wait3A_292 = tpu.memref_squeeze %dma_wait3A_291 : memref<1x64x128xf32, #tpu.memory_space<vmem>> -> memref<64x128xf32, #tpu.memory_space<vmem>>
        %dma_wait3A_293 = arith.constant 0 : i32
        %dma_wait3A_294 = tpu.memref_slice %arg7[%add3A_235, %dma_wait3A_293] : memref<40x64xi32, #tpu.memory_space<vmem>> -> memref<1x64xi32, #tpu.memory_space<vmem>>
        %dma_wait3A_295 = tpu.memref_squeeze %dma_wait3A_294 : memref<1x64xi32, #tpu.memory_space<vmem>> -> memref<64xi32, #tpu.memory_space<vmem>>
        %dma_wait3A_296 = arith.constant 0 : i32
        %dma_wait3A_297 = arith.constant 0 : i32
        %dma_wait3A_298 = tpu.memref_slice %arg9[%dma_wait3A_296, %dma_wait3A_297] : memref<10240x128xf32, #tpu.memory_space<vmem_shared>> -> memref<10240x128xf32, #tpu.memory_space<vmem_shared>>
        tpu.wait_indirect_dma semaphore(%run_scoped3A_278 : memref<!tpu.dma_semaphore, #tpu.memory_space<semaphore_mem>>) src(%dma_wait3A_292 : memref<64x128xf32, #tpu.memory_space<vmem>>) dst(%dma_wait3A_298 : memref<10240x128xf32, #tpu.memory_space<vmem_shared>>)
        tpu.yield
      }) : () -> ()
      %mul3A_255 = arith.constant 4 : i32
      %mul3A_256 = arith.muli %mul3A_255, %scan3A_184 : i32
      %add3A_257 = arith.constant 3 : i32
      %add3A_258 = arith.addi %mul3A_256, %add3A_257 : i32
      %add3A_259 = arith.constant 3 : i32
      %add3A_260 = arith.addi %add3A_258, %add3A_259 : i32
      %dma_wait3A_261 = arith.constant 3 : i32
      %dma_wait3A_262 = arith.constant 0 : i32
      %dma_wait3A_263 = arith.constant 0 : i32
      %dma_wait3A_264 = tpu.memref_slice %arg8[%dma_wait3A_261, %dma_wait3A_262, %dma_wait3A_263] : memref<4x64x128xf32, #tpu.memory_space<vmem>> -> memref<1x64x128xf32, #tpu.memory_space<vmem>>
      %dma_wait3A_265 = tpu.memref_squeeze %dma_wait3A_264 : memref<1x64x128xf32, #tpu.memory_space<vmem>> -> memref<64x128xf32, #tpu.memory_space<vmem>>
      %dma_wait3A_266 = arith.constant 0 : i32
      %dma_wait3A_267 = tpu.memref_slice %arg6[%add3A_258, %dma_wait3A_266] : memref<40x64xi32, #tpu.memory_space<vmem>> -> memref<1x64xi32, #tpu.memory_space<vmem>>
      %dma_wait3A_268 = tpu.memref_squeeze %dma_wait3A_267 : memref<1x64xi32, #tpu.memory_space<vmem>> -> memref<64xi32, #tpu.memory_space<vmem>>
      %dma_wait3A_269 = arith.constant 0 : i32
      %dma_wait3A_270 = arith.constant 0 : i32
      %dma_wait3A_271 = tpu.memref_slice %arg4[%dma_wait3A_269, %dma_wait3A_270] : memref<10000x128xf32, #tpu.memory_space<hbm>> -> memref<10000x128xf32, #tpu.memory_space<hbm>>
      tpu.wait_indirect_dma semaphore(%arg13 : memref<!tpu.dma_semaphore, #tpu.memory_space<semaphore_mem>>) src(%dma_wait3A_271 : memref<10000x128xf32, #tpu.memory_space<hbm>>) dst(%dma_wait3A_265 : memref<64x128xf32, #tpu.memory_space<vmem>>)
      %lt3A_272 = arith.constant 40 : i32
      %lt3A_273 = arith.cmpi slt, %add3A_260, %lt3A_272 : i32
      %convert_element_type3A_274 = arith.extui %lt3A_273 : i1 to i32
      %cond3A_275 = arith.constant 0 : i32
      %cond3A_276 = arith.cmpi ne, %convert_element_type3A_274, %cond3A_275 : i32
      scf.if %cond3A_276 {
        %dma_start3A_278 = arith.constant 2 : i32
        %dma_start3A_279 = arith.constant 0 : i32
        %dma_start3A_280 = arith.constant 0 : i32
        %dma_start3A_281 = tpu.memref_slice %arg8[%dma_start3A_278, %dma_start3A_279, %dma_start3A_280] : memref<4x64x128xf32, #tpu.memory_space<vmem>> -> memref<1x64x128xf32, #tpu.memory_space<vmem>>
        %dma_start3A_282 = tpu.memref_squeeze %dma_start3A_281 : memref<1x64x128xf32, #tpu.memory_space<vmem>> -> memref<64x128xf32, #tpu.memory_space<vmem>>
        %dma_start3A_283 = arith.constant 0 : i32
        %dma_start3A_284 = tpu.memref_slice %arg6[%add3A_260, %dma_start3A_283] : memref<40x64xi32, #tpu.memory_space<vmem>> -> memref<1x64xi32, #tpu.memory_space<vmem>>
        %dma_start3A_285 = tpu.memref_squeeze %dma_start3A_284 : memref<1x64xi32, #tpu.memory_space<vmem>> -> memref<64xi32, #tpu.memory_space<vmem>>
        %dma_start3A_286 = arith.constant 0 : i32
        %dma_start3A_287 = arith.constant 0 : i32
        %dma_start3A_288 = tpu.memref_slice %arg4[%dma_start3A_286, %dma_start3A_287] : memref<10000x128xf32, #tpu.memory_space<hbm>> -> memref<10000x128xf32, #tpu.memory_space<hbm>>
        tpu.enqueue_indirect_dma source(%dma_start3A_288 : memref<10000x128xf32, #tpu.memory_space<hbm>>) target(%dma_start3A_282 : memref<64x128xf32, #tpu.memory_space<vmem>>) offsets(%dma_start3A_285 : memref<64xi32, #tpu.memory_space<vmem>>) semaphore(%arg12 : memref<!tpu.dma_semaphore, #tpu.memory_space<semaphore_mem>>)
      } else {
      }
      %run_scoped3A_277 = arith.constant 3 : i32
      "tpu.region"() ({
        %run_scoped3A_278 = tpu.sem_alloc : memref<!tpu.dma_semaphore, #tpu.memory_space<semaphore_mem>>
        %dma_start3A_279 = arith.constant 0 : i32
        %dma_start3A_280 = arith.constant 0 : i32
        %dma_start3A_281 = tpu.memref_slice %arg8[%run_scoped3A_277, %dma_start3A_279, %dma_start3A_280] : memref<4x64x128xf32, #tpu.memory_space<vmem>> -> memref<1x64x128xf32, #tpu.memory_space<vmem>>
        %dma_start3A_282 = tpu.memref_squeeze %dma_start3A_281 : memref<1x64x128xf32, #tpu.memory_space<vmem>> -> memref<64x128xf32, #tpu.memory_space<vmem>>
        %dma_start3A_283 = arith.constant 0 : i32
        %dma_start3A_284 = tpu.memref_slice %arg7[%add3A_258, %dma_start3A_283] : memref<40x64xi32, #tpu.memory_space<vmem>> -> memref<1x64xi32, #tpu.memory_space<vmem>>
        %dma_start3A_285 = tpu.memref_squeeze %dma_start3A_284 : memref<1x64xi32, #tpu.memory_space<vmem>> -> memref<64xi32, #tpu.memory_space<vmem>>
        %dma_start3A_286 = arith.constant 0 : i32
        %dma_start3A_287 = arith.constant 0 : i32
        %dma_start3A_288 = tpu.memref_slice %arg9[%dma_start3A_286, %dma_start3A_287] : memref<10240x128xf32, #tpu.memory_space<vmem_shared>> -> memref<10240x128xf32, #tpu.memory_space<vmem_shared>>
        tpu.enqueue_indirect_dma source(%dma_start3A_282 : memref<64x128xf32, #tpu.memory_space<vmem>>) target(%dma_start3A_288 : memref<10240x128xf32, #tpu.memory_space<vmem_shared>>) offsets(%dma_start3A_285 : memref<64xi32, #tpu.memory_space<vmem>>) semaphore(%run_scoped3A_278 : memref<!tpu.dma_semaphore, #tpu.memory_space<semaphore_mem>>) {add = true}
        %dma_wait3A_289 = arith.constant 0 : i32
        %dma_wait3A_290 = arith.constant 0 : i32
        %dma_wait3A_291 = tpu.memref_slice %arg8[%run_scoped3A_277, %dma_wait3A_289, %dma_wait3A_290] : memref<4x64x128xf32, #tpu.memory_space<vmem>> -> memref<1x64x128xf32, #tpu.memory_space<vmem>>
        %dma_wait3A_292 = tpu.memref_squeeze %dma_wait3A_291 : memref<1x64x128xf32, #tpu.memory_space<vmem>> -> memref<64x128xf32, #tpu.memory_space<vmem>>
        %dma_wait3A_293 = arith.constant 0 : i32
        %dma_wait3A_294 = tpu.memref_slice %arg7[%add3A_258, %dma_wait3A_293] : memref<40x64xi32, #tpu.memory_space<vmem>> -> memref<1x64xi32, #tpu.memory_space<vmem>>
        %dma_wait3A_295 = tpu.memref_squeeze %dma_wait3A_294 : memref<1x64xi32, #tpu.memory_space<vmem>> -> memref<64xi32, #tpu.memory_space<vmem>>
        %dma_wait3A_296 = arith.constant 0 : i32
        %dma_wait3A_297 = arith.constant 0 : i32
        %dma_wait3A_298 = tpu.memref_slice %arg9[%dma_wait3A_296, %dma_wait3A_297] : memref<10240x128xf32, #tpu.memory_space<vmem_shared>> -> memref<10240x128xf32, #tpu.memory_space<vmem_shared>>
        tpu.wait_indirect_dma semaphore(%run_scoped3A_278 : memref<!tpu.dma_semaphore, #tpu.memory_space<semaphore_mem>>) src(%dma_wait3A_292 : memref<64x128xf32, #tpu.memory_space<vmem>>) dst(%dma_wait3A_298 : memref<10240x128xf32, #tpu.memory_space<vmem_shared>>)
        tpu.yield
      }) : () -> ()
    }
    %scan3A_136 = arith.constant 10 : i32
    "tpu.region"() ({
      %run_scoped3A = tpu.sem_alloc : memref<!tpu.dma_semaphore, #tpu.memory_space<semaphore_mem>>
      %dma_start3A_184 = arith.constant 120 : i32
      %dma_start3A_185 = arith.constant 0 : i32
      %dma_start3A_186 = tpu.memref_slice %arg2[%add3A, %dma_start3A_184, %dma_start3A_185] : memref<32x160x64xi32, #tpu.memory_space<hbm>> -> memref<1x40x64xi32, #tpu.memory_space<hbm>>
      %dma_start3A_187 = tpu.memref_squeeze %dma_start3A_186 : memref<1x40x64xi32, #tpu.memory_space<hbm>> -> memref<40x64xi32, #tpu.memory_space<hbm>>
      %dma_start3A_188 = arith.constant 120 : i32
      %dma_start3A_189 = arith.constant 0 : i32
      %dma_start3A_190 = tpu.memref_slice %arg2[%add3A, %dma_start3A_188, %dma_start3A_189] : memref<32x160x64xi32, #tpu.memory_space<hbm>> -> memref<1x40x64xi32, #tpu.memory_space<hbm>>
      %dma_start3A_191 = tpu.memref_squeeze %dma_start3A_190 : memref<1x40x64xi32, #tpu.memory_space<hbm>> -> memref<40x64xi32, #tpu.memory_space<hbm>>
      tpu.enqueue_dma source(%dma_start3A_191 : memref<40x64xi32, #tpu.memory_space<hbm>>) target(%arg6 : memref<40x64xi32, #tpu.memory_space<vmem>>) target_semaphore(%run_scoped3A : memref<!tpu.dma_semaphore, #tpu.memory_space<semaphore_mem>>)
      %dma_wait3A = arith.constant 120 : i32
      %dma_wait3A_192 = arith.constant 0 : i32
      %dma_wait3A_193 = tpu.memref_slice %arg2[%add3A, %dma_wait3A, %dma_wait3A_192] : memref<32x160x64xi32, #tpu.memory_space<hbm>> -> memref<1x40x64xi32, #tpu.memory_space<hbm>>
      %dma_wait3A_194 = tpu.memref_squeeze %dma_wait3A_193 : memref<1x40x64xi32, #tpu.memory_space<hbm>> -> memref<40x64xi32, #tpu.memory_space<hbm>>
      %dma_wait3A_195 = arith.constant 120 : i32
      %dma_wait3A_196 = arith.constant 0 : i32
      %dma_wait3A_197 = tpu.memref_slice %arg2[%add3A, %dma_wait3A_195, %dma_wait3A_196] : memref<32x160x64xi32, #tpu.memory_space<hbm>> -> memref<1x40x64xi32, #tpu.memory_space<hbm>>
      %dma_wait3A_198 = tpu.memref_squeeze %dma_wait3A_197 : memref<1x40x64xi32, #tpu.memory_space<hbm>> -> memref<40x64xi32, #tpu.memory_space<hbm>>
      tpu.wait_dma2 semaphore(%run_scoped3A : memref<!tpu.dma_semaphore, #tpu.memory_space<semaphore_mem>>) src(%dma_wait3A_198 : memref<40x64xi32, #tpu.memory_space<hbm>>) dst(%arg6 : memref<40x64xi32, #tpu.memory_space<vmem>>)
      tpu.yield
    }) : () -> ()
    "tpu.region"() ({
      %run_scoped3A = tpu.sem_alloc : memref<!tpu.dma_semaphore, #tpu.memory_space<semaphore_mem>>
      %dma_start3A_184 = arith.constant 120 : i32
      %dma_start3A_185 = arith.constant 0 : i32
      %dma_start3A_186 = tpu.memref_slice %arg3[%add3A, %dma_start3A_184, %dma_start3A_185] : memref<32x160x64xi32, #tpu.memory_space<hbm>> -> memref<1x40x64xi32, #tpu.memory_space<hbm>>
      %dma_start3A_187 = tpu.memref_squeeze %dma_start3A_186 : memref<1x40x64xi32, #tpu.memory_space<hbm>> -> memref<40x64xi32, #tpu.memory_space<hbm>>
      %dma_start3A_188 = arith.constant 120 : i32
      %dma_start3A_189 = arith.constant 0 : i32
      %dma_start3A_190 = tpu.memref_slice %arg3[%add3A, %dma_start3A_188, %dma_start3A_189] : memref<32x160x64xi32, #tpu.memory_space<hbm>> -> memref<1x40x64xi32, #tpu.memory_space<hbm>>
      %dma_start3A_191 = tpu.memref_squeeze %dma_start3A_190 : memref<1x40x64xi32, #tpu.memory_space<hbm>> -> memref<40x64xi32, #tpu.memory_space<hbm>>
      tpu.enqueue_dma source(%dma_start3A_191 : memref<40x64xi32, #tpu.memory_space<hbm>>) target(%arg7 : memref<40x64xi32, #tpu.memory_space<vmem>>) target_semaphore(%run_scoped3A : memref<!tpu.dma_semaphore, #tpu.memory_space<semaphore_mem>>)
      %dma_wait3A = arith.constant 120 : i32
      %dma_wait3A_192 = arith.constant 0 : i32
      %dma_wait3A_193 = tpu.memref_slice %arg3[%add3A, %dma_wait3A, %dma_wait3A_192] : memref<32x160x64xi32, #tpu.memory_space<hbm>> -> memref<1x40x64xi32, #tpu.memory_space<hbm>>
      %dma_wait3A_194 = tpu.memref_squeeze %dma_wait3A_193 : memref<1x40x64xi32, #tpu.memory_space<hbm>> -> memref<40x64xi32, #tpu.memory_space<hbm>>
      %dma_wait3A_195 = arith.constant 120 : i32
      %dma_wait3A_196 = arith.constant 0 : i32
      %dma_wait3A_197 = tpu.memref_slice %arg3[%add3A, %dma_wait3A_195, %dma_wait3A_196] : memref<32x160x64xi32, #tpu.memory_space<hbm>> -> memref<1x40x64xi32, #tpu.memory_space<hbm>>
      %dma_wait3A_198 = tpu.memref_squeeze %dma_wait3A_197 : memref<1x40x64xi32, #tpu.memory_space<hbm>> -> memref<40x64xi32, #tpu.memory_space<hbm>>
      tpu.wait_dma2 semaphore(%run_scoped3A : memref<!tpu.dma_semaphore, #tpu.memory_space<semaphore_mem>>) src(%dma_wait3A_198 : memref<40x64xi32, #tpu.memory_space<hbm>>) dst(%arg7 : memref<40x64xi32, #tpu.memory_space<vmem>>)
      tpu.yield
    }) : () -> ()
    %dma_start3A_137 = arith.constant 0 : i32
    %dma_start3A_138 = arith.constant 0 : i32
    %dma_start3A_139 = arith.constant 0 : i32
    %dma_start3A_140 = arith.constant 0 : i32
    %dma_start3A_141 = tpu.memref_slice %arg8[%dma_start3A_138, %dma_start3A_139, %dma_start3A_140] : memref<4x64x128xf32, #tpu.memory_space<vmem>> -> memref<1x64x128xf32, #tpu.memory_space<vmem>>
    %dma_start3A_142 = tpu.memref_squeeze %dma_start3A_141 : memref<1x64x128xf32, #tpu.memory_space<vmem>> -> memref<64x128xf32, #tpu.memory_space<vmem>>
    %dma_start3A_143 = arith.constant 0 : i32
    %dma_start3A_144 = tpu.memref_slice %arg6[%dma_start3A_137, %dma_start3A_143] : memref<40x64xi32, #tpu.memory_space<vmem>> -> memref<1x64xi32, #tpu.memory_space<vmem>>
    %dma_start3A_145 = tpu.memref_squeeze %dma_start3A_144 : memref<1x64xi32, #tpu.memory_space<vmem>> -> memref<64xi32, #tpu.memory_space<vmem>>
    %dma_start3A_146 = arith.constant 0 : i32
    %dma_start3A_147 = arith.constant 0 : i32
    %dma_start3A_148 = tpu.memref_slice %arg4[%dma_start3A_146, %dma_start3A_147] : memref<10000x128xf32, #tpu.memory_space<hbm>> -> memref<10000x128xf32, #tpu.memory_space<hbm>>
    tpu.enqueue_indirect_dma source(%dma_start3A_148 : memref<10000x128xf32, #tpu.memory_space<hbm>>) target(%dma_start3A_142 : memref<64x128xf32, #tpu.memory_space<vmem>>) offsets(%dma_start3A_145 : memref<64xi32, #tpu.memory_space<vmem>>) semaphore(%arg10 : memref<!tpu.dma_semaphore, #tpu.memory_space<semaphore_mem>>)
    %dma_start3A_149 = arith.constant 1 : i32
    %dma_start3A_150 = arith.constant 1 : i32
    %dma_start3A_151 = arith.constant 0 : i32
    %dma_start3A_152 = arith.constant 0 : i32
    %dma_start3A_153 = tpu.memref_slice %arg8[%dma_start3A_150, %dma_start3A_151, %dma_start3A_152] : memref<4x64x128xf32, #tpu.memory_space<vmem>> -> memref<1x64x128xf32, #tpu.memory_space<vmem>>
    %dma_start3A_154 = tpu.memref_squeeze %dma_start3A_153 : memref<1x64x128xf32, #tpu.memory_space<vmem>> -> memref<64x128xf32, #tpu.memory_space<vmem>>
    %dma_start3A_155 = arith.constant 0 : i32
    %dma_start3A_156 = tpu.memref_slice %arg6[%dma_start3A_149, %dma_start3A_155] : memref<40x64xi32, #tpu.memory_space<vmem>> -> memref<1x64xi32, #tpu.memory_space<vmem>>
    %dma_start3A_157 = tpu.memref_squeeze %dma_start3A_156 : memref<1x64xi32, #tpu.memory_space<vmem>> -> memref<64xi32, #tpu.memory_space<vmem>>
    %dma_start3A_158 = arith.constant 0 : i32
    %dma_start3A_159 = arith.constant 0 : i32
    %dma_start3A_160 = tpu.memref_slice %arg4[%dma_start3A_158, %dma_start3A_159] : memref<10000x128xf32, #tpu.memory_space<hbm>> -> memref<10000x128xf32, #tpu.memory_space<hbm>>
    tpu.enqueue_indirect_dma source(%dma_start3A_160 : memref<10000x128xf32, #tpu.memory_space<hbm>>) target(%dma_start3A_154 : memref<64x128xf32, #tpu.memory_space<vmem>>) offsets(%dma_start3A_157 : memref<64xi32, #tpu.memory_space<vmem>>) semaphore(%arg11 : memref<!tpu.dma_semaphore, #tpu.memory_space<semaphore_mem>>)
    %dma_start3A_161 = arith.constant 2 : i32
    %dma_start3A_162 = arith.constant 2 : i32
    %dma_start3A_163 = arith.constant 0 : i32
    %dma_start3A_164 = arith.constant 0 : i32
    %dma_start3A_165 = tpu.memref_slice %arg8[%dma_start3A_162, %dma_start3A_163, %dma_start3A_164] : memref<4x64x128xf32, #tpu.memory_space<vmem>> -> memref<1x64x128xf32, #tpu.memory_space<vmem>>
    %dma_start3A_166 = tpu.memref_squeeze %dma_start3A_165 : memref<1x64x128xf32, #tpu.memory_space<vmem>> -> memref<64x128xf32, #tpu.memory_space<vmem>>
    %dma_start3A_167 = arith.constant 0 : i32
    %dma_start3A_168 = tpu.memref_slice %arg6[%dma_start3A_161, %dma_start3A_167] : memref<40x64xi32, #tpu.memory_space<vmem>> -> memref<1x64xi32, #tpu.memory_space<vmem>>
    %dma_start3A_169 = tpu.memref_squeeze %dma_start3A_168 : memref<1x64xi32, #tpu.memory_space<vmem>> -> memref<64xi32, #tpu.memory_space<vmem>>
    %dma_start3A_170 = arith.constant 0 : i32
    %dma_start3A_171 = arith.constant 0 : i32
    %dma_start3A_172 = tpu.memref_slice %arg4[%dma_start3A_170, %dma_start3A_171] : memref<10000x128xf32, #tpu.memory_space<hbm>> -> memref<10000x128xf32, #tpu.memory_space<hbm>>
    tpu.enqueue_indirect_dma source(%dma_start3A_172 : memref<10000x128xf32, #tpu.memory_space<hbm>>) target(%dma_start3A_166 : memref<64x128xf32, #tpu.memory_space<vmem>>) offsets(%dma_start3A_169 : memref<64xi32, #tpu.memory_space<vmem>>) semaphore(%arg12 : memref<!tpu.dma_semaphore, #tpu.memory_space<semaphore_mem>>)
    %scan3A_173 = arith.constant 0 : i32
    %scan3A_174 = arith.constant 0 : i32
    %scan3A_175 = arith.constant 10 : i32
    %scan3A_176 = arith.addi %scan3A_174, %scan3A_175 : i32
    %scan3A_177 = arith.constant 1 : i32
    scf.for %scan3A_184 = %scan3A_174 to %scan3A_176 step %scan3A_177  : i32 {
      %mul3A_185 = arith.constant 4 : i32
      %mul3A_186 = arith.muli %mul3A_185, %scan3A_184 : i32
      %add3A_187 = arith.constant 0 : i32
      %add3A_188 = arith.addi %mul3A_186, %add3A_187 : i32
      %add3A_189 = arith.constant 3 : i32
      %add3A_190 = arith.addi %add3A_188, %add3A_189 : i32
      %dma_wait3A = arith.constant 0 : i32
      %dma_wait3A_191 = arith.constant 0 : i32
      %dma_wait3A_192 = arith.constant 0 : i32
      %dma_wait3A_193 = tpu.memref_slice %arg8[%dma_wait3A, %dma_wait3A_191, %dma_wait3A_192] : memref<4x64x128xf32, #tpu.memory_space<vmem>> -> memref<1x64x128xf32, #tpu.memory_space<vmem>>
      %dma_wait3A_194 = tpu.memref_squeeze %dma_wait3A_193 : memref<1x64x128xf32, #tpu.memory_space<vmem>> -> memref<64x128xf32, #tpu.memory_space<vmem>>
      %dma_wait3A_195 = arith.constant 0 : i32
      %dma_wait3A_196 = tpu.memref_slice %arg6[%add3A_188, %dma_wait3A_195] : memref<40x64xi32, #tpu.memory_space<vmem>> -> memref<1x64xi32, #tpu.memory_space<vmem>>
      %dma_wait3A_197 = tpu.memref_squeeze %dma_wait3A_196 : memref<1x64xi32, #tpu.memory_space<vmem>> -> memref<64xi32, #tpu.memory_space<vmem>>
      %dma_wait3A_198 = arith.constant 0 : i32
      %dma_wait3A_199 = arith.constant 0 : i32
      %dma_wait3A_200 = tpu.memref_slice %arg4[%dma_wait3A_198, %dma_wait3A_199] : memref<10000x128xf32, #tpu.memory_space<hbm>> -> memref<10000x128xf32, #tpu.memory_space<hbm>>
      tpu.wait_indirect_dma semaphore(%arg10 : memref<!tpu.dma_semaphore, #tpu.memory_space<semaphore_mem>>) src(%dma_wait3A_200 : memref<10000x128xf32, #tpu.memory_space<hbm>>) dst(%dma_wait3A_194 : memref<64x128xf32, #tpu.memory_space<vmem>>)
      %dma_start3A_201 = arith.constant 3 : i32
      %dma_start3A_202 = arith.constant 0 : i32
      %dma_start3A_203 = arith.constant 0 : i32
      %dma_start3A_204 = tpu.memref_slice %arg8[%dma_start3A_201, %dma_start3A_202, %dma_start3A_203] : memref<4x64x128xf32, #tpu.memory_space<vmem>> -> memref<1x64x128xf32, #tpu.memory_space<vmem>>
      %dma_start3A_205 = tpu.memref_squeeze %dma_start3A_204 : memref<1x64x128xf32, #tpu.memory_space<vmem>> -> memref<64x128xf32, #tpu.memory_space<vmem>>
      %dma_start3A_206 = arith.constant 0 : i32
      %dma_start3A_207 = tpu.memref_slice %arg6[%add3A_190, %dma_start3A_206] : memref<40x64xi32, #tpu.memory_space<vmem>> -> memref<1x64xi32, #tpu.memory_space<vmem>>
      %dma_start3A_208 = tpu.memref_squeeze %dma_start3A_207 : memref<1x64xi32, #tpu.memory_space<vmem>> -> memref<64xi32, #tpu.memory_space<vmem>>
      %dma_start3A_209 = arith.constant 0 : i32
      %dma_start3A_210 = arith.constant 0 : i32
      %dma_start3A_211 = tpu.memref_slice %arg4[%dma_start3A_209, %dma_start3A_210] : memref<10000x128xf32, #tpu.memory_space<hbm>> -> memref<10000x128xf32, #tpu.memory_space<hbm>>
      tpu.enqueue_indirect_dma source(%dma_start3A_211 : memref<10000x128xf32, #tpu.memory_space<hbm>>) target(%dma_start3A_205 : memref<64x128xf32, #tpu.memory_space<vmem>>) offsets(%dma_start3A_208 : memref<64xi32, #tpu.memory_space<vmem>>) semaphore(%arg13 : memref<!tpu.dma_semaphore, #tpu.memory_space<semaphore_mem>>)
      %run_scoped3A = arith.constant 0 : i32
      "tpu.region"() ({
        %run_scoped3A_278 = tpu.sem_alloc : memref<!tpu.dma_semaphore, #tpu.memory_space<semaphore_mem>>
        %dma_start3A_279 = arith.constant 0 : i32
        %dma_start3A_280 = arith.constant 0 : i32
        %dma_start3A_281 = tpu.memref_slice %arg8[%run_scoped3A, %dma_start3A_279, %dma_start3A_280] : memref<4x64x128xf32, #tpu.memory_space<vmem>> -> memref<1x64x128xf32, #tpu.memory_space<vmem>>
        %dma_start3A_282 = tpu.memref_squeeze %dma_start3A_281 : memref<1x64x128xf32, #tpu.memory_space<vmem>> -> memref<64x128xf32, #tpu.memory_space<vmem>>
        %dma_start3A_283 = arith.constant 0 : i32
        %dma_start3A_284 = tpu.memref_slice %arg7[%add3A_188, %dma_start3A_283] : memref<40x64xi32, #tpu.memory_space<vmem>> -> memref<1x64xi32, #tpu.memory_space<vmem>>
        %dma_start3A_285 = tpu.memref_squeeze %dma_start3A_284 : memref<1x64xi32, #tpu.memory_space<vmem>> -> memref<64xi32, #tpu.memory_space<vmem>>
        %dma_start3A_286 = arith.constant 0 : i32
        %dma_start3A_287 = arith.constant 0 : i32
        %dma_start3A_288 = tpu.memref_slice %arg9[%dma_start3A_286, %dma_start3A_287] : memref<10240x128xf32, #tpu.memory_space<vmem_shared>> -> memref<10240x128xf32, #tpu.memory_space<vmem_shared>>
        tpu.enqueue_indirect_dma source(%dma_start3A_282 : memref<64x128xf32, #tpu.memory_space<vmem>>) target(%dma_start3A_288 : memref<10240x128xf32, #tpu.memory_space<vmem_shared>>) offsets(%dma_start3A_285 : memref<64xi32, #tpu.memory_space<vmem>>) semaphore(%run_scoped3A_278 : memref<!tpu.dma_semaphore, #tpu.memory_space<semaphore_mem>>) {add = true}
        %dma_wait3A_289 = arith.constant 0 : i32
        %dma_wait3A_290 = arith.constant 0 : i32
        %dma_wait3A_291 = tpu.memref_slice %arg8[%run_scoped3A, %dma_wait3A_289, %dma_wait3A_290] : memref<4x64x128xf32, #tpu.memory_space<vmem>> -> memref<1x64x128xf32, #tpu.memory_space<vmem>>
        %dma_wait3A_292 = tpu.memref_squeeze %dma_wait3A_291 : memref<1x64x128xf32, #tpu.memory_space<vmem>> -> memref<64x128xf32, #tpu.memory_space<vmem>>
        %dma_wait3A_293 = arith.constant 0 : i32
        %dma_wait3A_294 = tpu.memref_slice %arg7[%add3A_188, %dma_wait3A_293] : memref<40x64xi32, #tpu.memory_space<vmem>> -> memref<1x64xi32, #tpu.memory_space<vmem>>
        %dma_wait3A_295 = tpu.memref_squeeze %dma_wait3A_294 : memref<1x64xi32, #tpu.memory_space<vmem>> -> memref<64xi32, #tpu.memory_space<vmem>>
        %dma_wait3A_296 = arith.constant 0 : i32
        %dma_wait3A_297 = arith.constant 0 : i32
        %dma_wait3A_298 = tpu.memref_slice %arg9[%dma_wait3A_296, %dma_wait3A_297] : memref<10240x128xf32, #tpu.memory_space<vmem_shared>> -> memref<10240x128xf32, #tpu.memory_space<vmem_shared>>
        tpu.wait_indirect_dma semaphore(%run_scoped3A_278 : memref<!tpu.dma_semaphore, #tpu.memory_space<semaphore_mem>>) src(%dma_wait3A_292 : memref<64x128xf32, #tpu.memory_space<vmem>>) dst(%dma_wait3A_298 : memref<10240x128xf32, #tpu.memory_space<vmem_shared>>)
        tpu.yield
      }) : () -> ()
      %mul3A_212 = arith.constant 4 : i32
      %mul3A_213 = arith.muli %mul3A_212, %scan3A_184 : i32
      %add3A_214 = arith.constant 1 : i32
      %add3A_215 = arith.addi %mul3A_213, %add3A_214 : i32
      %add3A_216 = arith.constant 3 : i32
      %add3A_217 = arith.addi %add3A_215, %add3A_216 : i32
      %dma_wait3A_218 = arith.constant 1 : i32
      %dma_wait3A_219 = arith.constant 0 : i32
      %dma_wait3A_220 = arith.constant 0 : i32
      %dma_wait3A_221 = tpu.memref_slice %arg8[%dma_wait3A_218, %dma_wait3A_219, %dma_wait3A_220] : memref<4x64x128xf32, #tpu.memory_space<vmem>> -> memref<1x64x128xf32, #tpu.memory_space<vmem>>
      %dma_wait3A_222 = tpu.memref_squeeze %dma_wait3A_221 : memref<1x64x128xf32, #tpu.memory_space<vmem>> -> memref<64x128xf32, #tpu.memory_space<vmem>>
      %dma_wait3A_223 = arith.constant 0 : i32
      %dma_wait3A_224 = tpu.memref_slice %arg6[%add3A_215, %dma_wait3A_223] : memref<40x64xi32, #tpu.memory_space<vmem>> -> memref<1x64xi32, #tpu.memory_space<vmem>>
      %dma_wait3A_225 = tpu.memref_squeeze %dma_wait3A_224 : memref<1x64xi32, #tpu.memory_space<vmem>> -> memref<64xi32, #tpu.memory_space<vmem>>
      %dma_wait3A_226 = arith.constant 0 : i32
      %dma_wait3A_227 = arith.constant 0 : i32
      %dma_wait3A_228 = tpu.memref_slice %arg4[%dma_wait3A_226, %dma_wait3A_227] : memref<10000x128xf32, #tpu.memory_space<hbm>> -> memref<10000x128xf32, #tpu.memory_space<hbm>>
      tpu.wait_indirect_dma semaphore(%arg11 : memref<!tpu.dma_semaphore, #tpu.memory_space<semaphore_mem>>) src(%dma_wait3A_228 : memref<10000x128xf32, #tpu.memory_space<hbm>>) dst(%dma_wait3A_222 : memref<64x128xf32, #tpu.memory_space<vmem>>)
      %lt3A = arith.constant 40 : i32
      %lt3A_229 = arith.cmpi slt, %add3A_217, %lt3A : i32
      %convert_element_type3A = arith.extui %lt3A_229 : i1 to i32
      %cond3A = arith.constant 0 : i32
      %cond3A_230 = arith.cmpi ne, %convert_element_type3A, %cond3A : i32
      scf.if %cond3A_230 {
        %dma_start3A_278 = arith.constant 0 : i32
        %dma_start3A_279 = arith.constant 0 : i32
        %dma_start3A_280 = arith.constant 0 : i32
        %dma_start3A_281 = tpu.memref_slice %arg8[%dma_start3A_278, %dma_start3A_279, %dma_start3A_280] : memref<4x64x128xf32, #tpu.memory_space<vmem>> -> memref<1x64x128xf32, #tpu.memory_space<vmem>>
        %dma_start3A_282 = tpu.memref_squeeze %dma_start3A_281 : memref<1x64x128xf32, #tpu.memory_space<vmem>> -> memref<64x128xf32, #tpu.memory_space<vmem>>
        %dma_start3A_283 = arith.constant 0 : i32
        %dma_start3A_284 = tpu.memref_slice %arg6[%add3A_217, %dma_start3A_283] : memref<40x64xi32, #tpu.memory_space<vmem>> -> memref<1x64xi32, #tpu.memory_space<vmem>>
        %dma_start3A_285 = tpu.memref_squeeze %dma_start3A_284 : memref<1x64xi32, #tpu.memory_space<vmem>> -> memref<64xi32, #tpu.memory_space<vmem>>
        %dma_start3A_286 = arith.constant 0 : i32
        %dma_start3A_287 = arith.constant 0 : i32
        %dma_start3A_288 = tpu.memref_slice %arg4[%dma_start3A_286, %dma_start3A_287] : memref<10000x128xf32, #tpu.memory_space<hbm>> -> memref<10000x128xf32, #tpu.memory_space<hbm>>
        tpu.enqueue_indirect_dma source(%dma_start3A_288 : memref<10000x128xf32, #tpu.memory_space<hbm>>) target(%dma_start3A_282 : memref<64x128xf32, #tpu.memory_space<vmem>>) offsets(%dma_start3A_285 : memref<64xi32, #tpu.memory_space<vmem>>) semaphore(%arg10 : memref<!tpu.dma_semaphore, #tpu.memory_space<semaphore_mem>>)
      } else {
      }
      %run_scoped3A_231 = arith.constant 1 : i32
      "tpu.region"() ({
        %run_scoped3A_278 = tpu.sem_alloc : memref<!tpu.dma_semaphore, #tpu.memory_space<semaphore_mem>>
        %dma_start3A_279 = arith.constant 0 : i32
        %dma_start3A_280 = arith.constant 0 : i32
        %dma_start3A_281 = tpu.memref_slice %arg8[%run_scoped3A_231, %dma_start3A_279, %dma_start3A_280] : memref<4x64x128xf32, #tpu.memory_space<vmem>> -> memref<1x64x128xf32, #tpu.memory_space<vmem>>
        %dma_start3A_282 = tpu.memref_squeeze %dma_start3A_281 : memref<1x64x128xf32, #tpu.memory_space<vmem>> -> memref<64x128xf32, #tpu.memory_space<vmem>>
        %dma_start3A_283 = arith.constant 0 : i32
        %dma_start3A_284 = tpu.memref_slice %arg7[%add3A_215, %dma_start3A_283] : memref<40x64xi32, #tpu.memory_space<vmem>> -> memref<1x64xi32, #tpu.memory_space<vmem>>
        %dma_start3A_285 = tpu.memref_squeeze %dma_start3A_284 : memref<1x64xi32, #tpu.memory_space<vmem>> -> memref<64xi32, #tpu.memory_space<vmem>>
        %dma_start3A_286 = arith.constant 0 : i32
        %dma_start3A_287 = arith.constant 0 : i32
        %dma_start3A_288 = tpu.memref_slice %arg9[%dma_start3A_286, %dma_start3A_287] : memref<10240x128xf32, #tpu.memory_space<vmem_shared>> -> memref<10240x128xf32, #tpu.memory_space<vmem_shared>>
        tpu.enqueue_indirect_dma source(%dma_start3A_282 : memref<64x128xf32, #tpu.memory_space<vmem>>) target(%dma_start3A_288 : memref<10240x128xf32, #tpu.memory_space<vmem_shared>>) offsets(%dma_start3A_285 : memref<64xi32, #tpu.memory_space<vmem>>) semaphore(%run_scoped3A_278 : memref<!tpu.dma_semaphore, #tpu.memory_space<semaphore_mem>>) {add = true}
        %dma_wait3A_289 = arith.constant 0 : i32
        %dma_wait3A_290 = arith.constant 0 : i32
        %dma_wait3A_291 = tpu.memref_slice %arg8[%run_scoped3A_231, %dma_wait3A_289, %dma_wait3A_290] : memref<4x64x128xf32, #tpu.memory_space<vmem>> -> memref<1x64x128xf32, #tpu.memory_space<vmem>>
        %dma_wait3A_292 = tpu.memref_squeeze %dma_wait3A_291 : memref<1x64x128xf32, #tpu.memory_space<vmem>> -> memref<64x128xf32, #tpu.memory_space<vmem>>
        %dma_wait3A_293 = arith.constant 0 : i32
        %dma_wait3A_294 = tpu.memref_slice %arg7[%add3A_215, %dma_wait3A_293] : memref<40x64xi32, #tpu.memory_space<vmem>> -> memref<1x64xi32, #tpu.memory_space<vmem>>
        %dma_wait3A_295 = tpu.memref_squeeze %dma_wait3A_294 : memref<1x64xi32, #tpu.memory_space<vmem>> -> memref<64xi32, #tpu.memory_space<vmem>>
        %dma_wait3A_296 = arith.constant 0 : i32
        %dma_wait3A_297 = arith.constant 0 : i32
        %dma_wait3A_298 = tpu.memref_slice %arg9[%dma_wait3A_296, %dma_wait3A_297] : memref<10240x128xf32, #tpu.memory_space<vmem_shared>> -> memref<10240x128xf32, #tpu.memory_space<vmem_shared>>
        tpu.wait_indirect_dma semaphore(%run_scoped3A_278 : memref<!tpu.dma_semaphore, #tpu.memory_space<semaphore_mem>>) src(%dma_wait3A_292 : memref<64x128xf32, #tpu.memory_space<vmem>>) dst(%dma_wait3A_298 : memref<10240x128xf32, #tpu.memory_space<vmem_shared>>)
        tpu.yield
      }) : () -> ()
      %mul3A_232 = arith.constant 4 : i32
      %mul3A_233 = arith.muli %mul3A_232, %scan3A_184 : i32
      %add3A_234 = arith.constant 2 : i32
      %add3A_235 = arith.addi %mul3A_233, %add3A_234 : i32
      %add3A_236 = arith.constant 3 : i32
      %add3A_237 = arith.addi %add3A_235, %add3A_236 : i32
      %dma_wait3A_238 = arith.constant 2 : i32
      %dma_wait3A_239 = arith.constant 0 : i32
      %dma_wait3A_240 = arith.constant 0 : i32
      %dma_wait3A_241 = tpu.memref_slice %arg8[%dma_wait3A_238, %dma_wait3A_239, %dma_wait3A_240] : memref<4x64x128xf32, #tpu.memory_space<vmem>> -> memref<1x64x128xf32, #tpu.memory_space<vmem>>
      %dma_wait3A_242 = tpu.memref_squeeze %dma_wait3A_241 : memref<1x64x128xf32, #tpu.memory_space<vmem>> -> memref<64x128xf32, #tpu.memory_space<vmem>>
      %dma_wait3A_243 = arith.constant 0 : i32
      %dma_wait3A_244 = tpu.memref_slice %arg6[%add3A_235, %dma_wait3A_243] : memref<40x64xi32, #tpu.memory_space<vmem>> -> memref<1x64xi32, #tpu.memory_space<vmem>>
      %dma_wait3A_245 = tpu.memref_squeeze %dma_wait3A_244 : memref<1x64xi32, #tpu.memory_space<vmem>> -> memref<64xi32, #tpu.memory_space<vmem>>
      %dma_wait3A_246 = arith.constant 0 : i32
      %dma_wait3A_247 = arith.constant 0 : i32
      %dma_wait3A_248 = tpu.memref_slice %arg4[%dma_wait3A_246, %dma_wait3A_247] : memref<10000x128xf32, #tpu.memory_space<hbm>> -> memref<10000x128xf32, #tpu.memory_space<hbm>>
      tpu.wait_indirect_dma semaphore(%arg12 : memref<!tpu.dma_semaphore, #tpu.memory_space<semaphore_mem>>) src(%dma_wait3A_248 : memref<10000x128xf32, #tpu.memory_space<hbm>>) dst(%dma_wait3A_242 : memref<64x128xf32, #tpu.memory_space<vmem>>)
      %lt3A_249 = arith.constant 40 : i32
      %lt3A_250 = arith.cmpi slt, %add3A_237, %lt3A_249 : i32
      %convert_element_type3A_251 = arith.extui %lt3A_250 : i1 to i32
      %cond3A_252 = arith.constant 0 : i32
      %cond3A_253 = arith.cmpi ne, %convert_element_type3A_251, %cond3A_252 : i32
      scf.if %cond3A_253 {
        %dma_start3A_278 = arith.constant 1 : i32
        %dma_start3A_279 = arith.constant 0 : i32
        %dma_start3A_280 = arith.constant 0 : i32
        %dma_start3A_281 = tpu.memref_slice %arg8[%dma_start3A_278, %dma_start3A_279, %dma_start3A_280] : memref<4x64x128xf32, #tpu.memory_space<vmem>> -> memref<1x64x128xf32, #tpu.memory_space<vmem>>
        %dma_start3A_282 = tpu.memref_squeeze %dma_start3A_281 : memref<1x64x128xf32, #tpu.memory_space<vmem>> -> memref<64x128xf32, #tpu.memory_space<vmem>>
        %dma_start3A_283 = arith.constant 0 : i32
        %dma_start3A_284 = tpu.memref_slice %arg6[%add3A_237, %dma_start3A_283] : memref<40x64xi32, #tpu.memory_space<vmem>> -> memref<1x64xi32, #tpu.memory_space<vmem>>
        %dma_start3A_285 = tpu.memref_squeeze %dma_start3A_284 : memref<1x64xi32, #tpu.memory_space<vmem>> -> memref<64xi32, #tpu.memory_space<vmem>>
        %dma_start3A_286 = arith.constant 0 : i32
        %dma_start3A_287 = arith.constant 0 : i32
        %dma_start3A_288 = tpu.memref_slice %arg4[%dma_start3A_286, %dma_start3A_287] : memref<10000x128xf32, #tpu.memory_space<hbm>> -> memref<10000x128xf32, #tpu.memory_space<hbm>>
        tpu.enqueue_indirect_dma source(%dma_start3A_288 : memref<10000x128xf32, #tpu.memory_space<hbm>>) target(%dma_start3A_282 : memref<64x128xf32, #tpu.memory_space<vmem>>) offsets(%dma_start3A_285 : memref<64xi32, #tpu.memory_space<vmem>>) semaphore(%arg11 : memref<!tpu.dma_semaphore, #tpu.memory_space<semaphore_mem>>)
      } else {
      }
      %run_scoped3A_254 = arith.constant 2 : i32
      "tpu.region"() ({
        %run_scoped3A_278 = tpu.sem_alloc : memref<!tpu.dma_semaphore, #tpu.memory_space<semaphore_mem>>
        %dma_start3A_279 = arith.constant 0 : i32
        %dma_start3A_280 = arith.constant 0 : i32
        %dma_start3A_281 = tpu.memref_slice %arg8[%run_scoped3A_254, %dma_start3A_279, %dma_start3A_280] : memref<4x64x128xf32, #tpu.memory_space<vmem>> -> memref<1x64x128xf32, #tpu.memory_space<vmem>>
        %dma_start3A_282 = tpu.memref_squeeze %dma_start3A_281 : memref<1x64x128xf32, #tpu.memory_space<vmem>> -> memref<64x128xf32, #tpu.memory_space<vmem>>
        %dma_start3A_283 = arith.constant 0 : i32
        %dma_start3A_284 = tpu.memref_slice %arg7[%add3A_235, %dma_start3A_283] : memref<40x64xi32, #tpu.memory_space<vmem>> -> memref<1x64xi32, #tpu.memory_space<vmem>>
        %dma_start3A_285 = tpu.memref_squeeze %dma_start3A_284 : memref<1x64xi32, #tpu.memory_space<vmem>> -> memref<64xi32, #tpu.memory_space<vmem>>
        %dma_start3A_286 = arith.constant 0 : i32
        %dma_start3A_287 = arith.constant 0 : i32
        %dma_start3A_288 = tpu.memref_slice %arg9[%dma_start3A_286, %dma_start3A_287] : memref<10240x128xf32, #tpu.memory_space<vmem_shared>> -> memref<10240x128xf32, #tpu.memory_space<vmem_shared>>
        tpu.enqueue_indirect_dma source(%dma_start3A_282 : memref<64x128xf32, #tpu.memory_space<vmem>>) target(%dma_start3A_288 : memref<10240x128xf32, #tpu.memory_space<vmem_shared>>) offsets(%dma_start3A_285 : memref<64xi32, #tpu.memory_space<vmem>>) semaphore(%run_scoped3A_278 : memref<!tpu.dma_semaphore, #tpu.memory_space<semaphore_mem>>) {add = true}
        %dma_wait3A_289 = arith.constant 0 : i32
        %dma_wait3A_290 = arith.constant 0 : i32
        %dma_wait3A_291 = tpu.memref_slice %arg8[%run_scoped3A_254, %dma_wait3A_289, %dma_wait3A_290] : memref<4x64x128xf32, #tpu.memory_space<vmem>> -> memref<1x64x128xf32, #tpu.memory_space<vmem>>
        %dma_wait3A_292 = tpu.memref_squeeze %dma_wait3A_291 : memref<1x64x128xf32, #tpu.memory_space<vmem>> -> memref<64x128xf32, #tpu.memory_space<vmem>>
        %dma_wait3A_293 = arith.constant 0 : i32
        %dma_wait3A_294 = tpu.memref_slice %arg7[%add3A_235, %dma_wait3A_293] : memref<40x64xi32, #tpu.memory_space<vmem>> -> memref<1x64xi32, #tpu.memory_space<vmem>>
        %dma_wait3A_295 = tpu.memref_squeeze %dma_wait3A_294 : memref<1x64xi32, #tpu.memory_space<vmem>> -> memref<64xi32, #tpu.memory_space<vmem>>
        %dma_wait3A_296 = arith.constant 0 : i32
        %dma_wait3A_297 = arith.constant 0 : i32
        %dma_wait3A_298 = tpu.memref_slice %arg9[%dma_wait3A_296, %dma_wait3A_297] : memref<10240x128xf32, #tpu.memory_space<vmem_shared>> -> memref<10240x128xf32, #tpu.memory_space<vmem_shared>>
        tpu.wait_indirect_dma semaphore(%run_scoped3A_278 : memref<!tpu.dma_semaphore, #tpu.memory_space<semaphore_mem>>) src(%dma_wait3A_292 : memref<64x128xf32, #tpu.memory_space<vmem>>) dst(%dma_wait3A_298 : memref<10240x128xf32, #tpu.memory_space<vmem_shared>>)
        tpu.yield
      }) : () -> ()
      %mul3A_255 = arith.constant 4 : i32
      %mul3A_256 = arith.muli %mul3A_255, %scan3A_184 : i32
      %add3A_257 = arith.constant 3 : i32
      %add3A_258 = arith.addi %mul3A_256, %add3A_257 : i32
      %add3A_259 = arith.constant 3 : i32
      %add3A_260 = arith.addi %add3A_258, %add3A_259 : i32
      %dma_wait3A_261 = arith.constant 3 : i32
      %dma_wait3A_262 = arith.constant 0 : i32
      %dma_wait3A_263 = arith.constant 0 : i32
      %dma_wait3A_264 = tpu.memref_slice %arg8[%dma_wait3A_261, %dma_wait3A_262, %dma_wait3A_263] : memref<4x64x128xf32, #tpu.memory_space<vmem>> -> memref<1x64x128xf32, #tpu.memory_space<vmem>>
      %dma_wait3A_265 = tpu.memref_squeeze %dma_wait3A_264 : memref<1x64x128xf32, #tpu.memory_space<vmem>> -> memref<64x128xf32, #tpu.memory_space<vmem>>
      %dma_wait3A_266 = arith.constant 0 : i32
      %dma_wait3A_267 = tpu.memref_slice %arg6[%add3A_258, %dma_wait3A_266] : memref<40x64xi32, #tpu.memory_space<vmem>> -> memref<1x64xi32, #tpu.memory_space<vmem>>
      %dma_wait3A_268 = tpu.memref_squeeze %dma_wait3A_267 : memref<1x64xi32, #tpu.memory_space<vmem>> -> memref<64xi32, #tpu.memory_space<vmem>>
      %dma_wait3A_269 = arith.constant 0 : i32
      %dma_wait3A_270 = arith.constant 0 : i32
      %dma_wait3A_271 = tpu.memref_slice %arg4[%dma_wait3A_269, %dma_wait3A_270] : memref<10000x128xf32, #tpu.memory_space<hbm>> -> memref<10000x128xf32, #tpu.memory_space<hbm>>
      tpu.wait_indirect_dma semaphore(%arg13 : memref<!tpu.dma_semaphore, #tpu.memory_space<semaphore_mem>>) src(%dma_wait3A_271 : memref<10000x128xf32, #tpu.memory_space<hbm>>) dst(%dma_wait3A_265 : memref<64x128xf32, #tpu.memory_space<vmem>>)
      %lt3A_272 = arith.constant 40 : i32
      %lt3A_273 = arith.cmpi slt, %add3A_260, %lt3A_272 : i32
      %convert_element_type3A_274 = arith.extui %lt3A_273 : i1 to i32
      %cond3A_275 = arith.constant 0 : i32
      %cond3A_276 = arith.cmpi ne, %convert_element_type3A_274, %cond3A_275 : i32
      scf.if %cond3A_276 {
        %dma_start3A_278 = arith.constant 2 : i32
        %dma_start3A_279 = arith.constant 0 : i32
        %dma_start3A_280 = arith.constant 0 : i32
        %dma_start3A_281 = tpu.memref_slice %arg8[%dma_start3A_278, %dma_start3A_279, %dma_start3A_280] : memref<4x64x128xf32, #tpu.memory_space<vmem>> -> memref<1x64x128xf32, #tpu.memory_space<vmem>>
        %dma_start3A_282 = tpu.memref_squeeze %dma_start3A_281 : memref<1x64x128xf32, #tpu.memory_space<vmem>> -> memref<64x128xf32, #tpu.memory_space<vmem>>
        %dma_start3A_283 = arith.constant 0 : i32
        %dma_start3A_284 = tpu.memref_slice %arg6[%add3A_260, %dma_start3A_283] : memref<40x64xi32, #tpu.memory_space<vmem>> -> memref<1x64xi32, #tpu.memory_space<vmem>>
        %dma_start3A_285 = tpu.memref_squeeze %dma_start3A_284 : memref<1x64xi32, #tpu.memory_space<vmem>> -> memref<64xi32, #tpu.memory_space<vmem>>
        %dma_start3A_286 = arith.constant 0 : i32
        %dma_start3A_287 = arith.constant 0 : i32
        %dma_start3A_288 = tpu.memref_slice %arg4[%dma_start3A_286, %dma_start3A_287] : memref<10000x128xf32, #tpu.memory_space<hbm>> -> memref<10000x128xf32, #tpu.memory_space<hbm>>
        tpu.enqueue_indirect_dma source(%dma_start3A_288 : memref<10000x128xf32, #tpu.memory_space<hbm>>) target(%dma_start3A_282 : memref<64x128xf32, #tpu.memory_space<vmem>>) offsets(%dma_start3A_285 : memref<64xi32, #tpu.memory_space<vmem>>) semaphore(%arg12 : memref<!tpu.dma_semaphore, #tpu.memory_space<semaphore_mem>>)
      } else {
      }
      %run_scoped3A_277 = arith.constant 3 : i32
      "tpu.region"() ({
        %run_scoped3A_278 = tpu.sem_alloc : memref<!tpu.dma_semaphore, #tpu.memory_space<semaphore_mem>>
        %dma_start3A_279 = arith.constant 0 : i32
        %dma_start3A_280 = arith.constant 0 : i32
        %dma_start3A_281 = tpu.memref_slice %arg8[%run_scoped3A_277, %dma_start3A_279, %dma_start3A_280] : memref<4x64x128xf32, #tpu.memory_space<vmem>> -> memref<1x64x128xf32, #tpu.memory_space<vmem>>
        %dma_start3A_282 = tpu.memref_squeeze %dma_start3A_281 : memref<1x64x128xf32, #tpu.memory_space<vmem>> -> memref<64x128xf32, #tpu.memory_space<vmem>>
        %dma_start3A_283 = arith.constant 0 : i32
        %dma_start3A_284 = tpu.memref_slice %arg7[%add3A_258, %dma_start3A_283] : memref<40x64xi32, #tpu.memory_space<vmem>> -> memref<1x64xi32, #tpu.memory_space<vmem>>
        %dma_start3A_285 = tpu.memref_squeeze %dma_start3A_284 : memref<1x64xi32, #tpu.memory_space<vmem>> -> memref<64xi32, #tpu.memory_space<vmem>>
        %dma_start3A_286 = arith.constant 0 : i32
        %dma_start3A_287 = arith.constant 0 : i32
        %dma_start3A_288 = tpu.memref_slice %arg9[%dma_start3A_286, %dma_start3A_287] : memref<10240x128xf32, #tpu.memory_space<vmem_shared>> -> memref<10240x128xf32, #tpu.memory_space<vmem_shared>>
        tpu.enqueue_indirect_dma source(%dma_start3A_282 : memref<64x128xf32, #tpu.memory_space<vmem>>) target(%dma_start3A_288 : memref<10240x128xf32, #tpu.memory_space<vmem_shared>>) offsets(%dma_start3A_285 : memref<64xi32, #tpu.memory_space<vmem>>) semaphore(%run_scoped3A_278 : memref<!tpu.dma_semaphore, #tpu.memory_space<semaphore_mem>>) {add = true}
        %dma_wait3A_289 = arith.constant 0 : i32
        %dma_wait3A_290 = arith.constant 0 : i32
        %dma_wait3A_291 = tpu.memref_slice %arg8[%run_scoped3A_277, %dma_wait3A_289, %dma_wait3A_290] : memref<4x64x128xf32, #tpu.memory_space<vmem>> -> memref<1x64x128xf32, #tpu.memory_space<vmem>>
        %dma_wait3A_292 = tpu.memref_squeeze %dma_wait3A_291 : memref<1x64x128xf32, #tpu.memory_space<vmem>> -> memref<64x128xf32, #tpu.memory_space<vmem>>
        %dma_wait3A_293 = arith.constant 0 : i32
        %dma_wait3A_294 = tpu.memref_slice %arg7[%add3A_258, %dma_wait3A_293] : memref<40x64xi32, #tpu.memory_space<vmem>> -> memref<1x64xi32, #tpu.memory_space<vmem>>
        %dma_wait3A_295 = tpu.memref_squeeze %dma_wait3A_294 : memref<1x64xi32, #tpu.memory_space<vmem>> -> memref<64xi32, #tpu.memory_space<vmem>>
        %dma_wait3A_296 = arith.constant 0 : i32
        %dma_wait3A_297 = arith.constant 0 : i32
        %dma_wait3A_298 = tpu.memref_slice %arg9[%dma_wait3A_296, %dma_wait3A_297] : memref<10240x128xf32, #tpu.memory_space<vmem_shared>> -> memref<10240x128xf32, #tpu.memory_space<vmem_shared>>
        tpu.wait_indirect_dma semaphore(%run_scoped3A_278 : memref<!tpu.dma_semaphore, #tpu.memory_space<semaphore_mem>>) src(%dma_wait3A_292 : memref<64x128xf32, #tpu.memory_space<vmem>>) dst(%dma_wait3A_298 : memref<10240x128xf32, #tpu.memory_space<vmem_shared>>)
        tpu.yield
      }) : () -> ()
    }
    %scan3A_178 = arith.constant 10 : i32
    %barrier3A_179 = arith.constant 0 : index
    tpu.barrier barrier_id(%barrier3A_179)
    %mul3A_180 = arith.constant 640 : i32
    %mul3A_181 = arith.muli %arg1, %mul3A_180 : i32
    %mul3A_182 = arith.constant 640 : i32
    %mul3A_183 = arith.muli %arg1, %mul3A_182 : i32
    "tpu.region"() ({
      %run_scoped3A = tpu.sem_alloc : memref<!tpu.dma_semaphore, #tpu.memory_space<semaphore_mem>>
      %dma_start3A_184 = arith.constant 0 : i32
      %dma_start3A_185 = tpu.memref_slice %arg5[%arg0, %mul3A_183, %dma_start3A_184] : memref<2x10240x128xf32, #tpu.memory_space<hbm>> -> memref<1x640x128xf32, #tpu.memory_space<hbm>>
      %dma_start3A_186 = tpu.memref_squeeze %dma_start3A_185 : memref<1x640x128xf32, #tpu.memory_space<hbm>> -> memref<640x128xf32, #tpu.memory_space<hbm>>
      %dma_start3A_187 = arith.constant 0 : i32
      %dma_start3A_188 = tpu.memref_slice %arg9[%mul3A_181, %dma_start3A_187] : memref<10240x128xf32, #tpu.memory_space<vmem_shared>> -> memref<640x128xf32, #tpu.memory_space<vmem_shared>>
      tpu.enqueue_dma source(%dma_start3A_188 : memref<640x128xf32, #tpu.memory_space<vmem_shared>>) target(%dma_start3A_186 : memref<640x128xf32, #tpu.memory_space<hbm>>) target_semaphore(%run_scoped3A : memref<!tpu.dma_semaphore, #tpu.memory_space<semaphore_mem>>)
      %dma_wait3A = arith.constant 0 : i32
      %dma_wait3A_189 = tpu.memref_slice %arg5[%arg0, %mul3A_183, %dma_wait3A] : memref<2x10240x128xf32, #tpu.memory_space<hbm>> -> memref<1x640x128xf32, #tpu.memory_space<hbm>>
      %dma_wait3A_190 = tpu.memref_squeeze %dma_wait3A_189 : memref<1x640x128xf32, #tpu.memory_space<hbm>> -> memref<640x128xf32, #tpu.memory_space<hbm>>
      %dma_wait3A_191 = arith.constant 0 : i32
      %dma_wait3A_192 = tpu.memref_slice %arg9[%mul3A_181, %dma_wait3A_191] : memref<10240x128xf32, #tpu.memory_space<vmem_shared>> -> memref<640x128xf32, #tpu.memory_space<vmem_shared>>
      tpu.wait_dma2 semaphore(%run_scoped3A : memref<!tpu.dma_semaphore, #tpu.memory_space<semaphore_mem>>) src(%dma_wait3A_192 : memref<640x128xf32, #tpu.memory_space<vmem_shared>>) dst(%dma_wait3A_190 : memref<640x128xf32, #tpu.memory_space<hbm>>)
      tpu.yield
    }) : () -> ()
    return
  }
}

module attributes {stable_mosaic.version = 14 : i64} {
  func.func @_fused_body(%arg0: i32, %arg1: memref<1000x128xf32, #tpu.memory_space<vmem>>, %arg2: memref<2x1000x128xf32, #tpu.memory_space<vmem>>, %arg3: memref<128x128xf32, #tpu.memory_space<vmem>>, %arg4: memref<1x128xf32, #tpu.memory_space<vmem>>, %arg5: memref<128x128xf32, #tpu.memory_space<vmem>>, %arg6: memref<1x128xf32, #tpu.memory_space<vmem>>, %arg7: memref<1x128xf32, #tpu.memory_space<vmem>>, %arg8: memref<1x128xf32, #tpu.memory_space<vmem>>, %arg9: memref<1000x128xf32, #tpu.memory_space<vmem>>, %arg10: memref<1000x128xf32, #tpu.memory_space<vmem>>, %arg11: memref<10000x128xf32, #tpu.memory_space<vmem>>, %arg12: memref<2x128xf32, #tpu.memory_space<vmem>>) attributes {dimension_semantics = [#tpu.dimension_semantics<arbitrary>], iteration_bounds = array<i64: 20>, scalar_prefetch = 0 : i64, scratch_operands = 2 : i64, tpu.core_type = #tpu.core_type<tc>, window_params = [{transform_indices = @transform_0, window_bounds = array<i64: 1000, 128>}, {transform_indices = @transform_1, window_bounds = array<i64: 2, 1000, 128>}, {pipeline_mode = #tpu.pipeline_mode<synchronous>, transform_indices = @transform_2, window_bounds = array<i64: 128, 128>}, {pipeline_mode = #tpu.pipeline_mode<synchronous>, transform_indices = @transform_3, window_bounds = array<i64: 1, 128>}, {pipeline_mode = #tpu.pipeline_mode<synchronous>, transform_indices = @transform_4, window_bounds = array<i64: 128, 128>}, {pipeline_mode = #tpu.pipeline_mode<synchronous>, transform_indices = @transform_5, window_bounds = array<i64: 1, 128>}, {pipeline_mode = #tpu.pipeline_mode<synchronous>, transform_indices = @transform_6, window_bounds = array<i64: 1, 128>}, {pipeline_mode = #tpu.pipeline_mode<synchronous>, transform_indices = @transform_7, window_bounds = array<i64: 1, 128>}, {transform_indices = @transform_8, window_bounds = array<i64: 1000, 128>}, {transform_indices = @transform_9, window_bounds = array<i64: 1000, 128>}]} {
    %lt3A = arith.constant 10 : i32
    %lt3A_0 = arith.cmpi slt, %arg0, %lt3A : i32
    %convert_element_type3A = arith.extui %lt3A_0 : i1 to i32
    %cond3A = arith.constant 0 : i32
    %cond3A_1 = arith.cmpi ne, %convert_element_type3A, %cond3A : i32
    scf.if %cond3A_1 {
      %get3A = arith.constant 0 : index
      %get3A_6 = arith.constant 0 : index
      %get3A_7 = vector.load %arg1[%get3A, %get3A_6] : memref<1000x128xf32, #tpu.memory_space<vmem>>, vector<1000x128xf32>
      %get3A_8 = arith.constant 0 : index
      %get3A_9 = arith.constant 0 : index
      %get3A_10 = arith.constant 0 : index
      %get3A_11 = vector.load %arg2[%get3A_8, %get3A_9, %get3A_10] : memref<2x1000x128xf32, #tpu.memory_space<vmem>>, vector<1x1000x128xf32>
      %get3A_12 = vector.shape_cast %get3A_11 : vector<1x1000x128xf32> to vector<1000x128xf32>
      %add3A = arith.addf %get3A_7, %get3A_12 : vector<1000x128xf32>
      %get3A_13 = arith.constant 1 : index
      %get3A_14 = arith.constant 0 : index
      %get3A_15 = arith.constant 0 : index
      %get3A_16 = vector.load %arg2[%get3A_13, %get3A_14, %get3A_15] : memref<2x1000x128xf32, #tpu.memory_space<vmem>>, vector<1x1000x128xf32>
      %get3A_17 = vector.shape_cast %get3A_16 : vector<1x1000x128xf32> to vector<1000x128xf32>
      %add3A_18 = arith.addf %add3A, %get3A_17 : vector<1000x128xf32>
      %get3A_19 = arith.constant 0 : index
      %get3A_20 = arith.constant 0 : index
      %get3A_21 = vector.load %arg3[%get3A_19, %get3A_20] : memref<128x128xf32, #tpu.memory_space<vmem>>, vector<128x128xf32>
      %dot_general3A = arith.constant dense<0.000000e+00> : vector<1000x128xf32>
      %dot_general3A_22 = tpu.matmul %add3A_18, %get3A_21, %dot_general3A {dimension_numbers = #tpu.dot_dimension_numbers<[1], [0], [0], [1], [0, 0, 1, 1], [], []>, transpose_lhs_hint = false} : vector<1000x128xf32>, vector<128x128xf32>, vector<1000x128xf32> -> vector<1000x128xf32>
      %get3A_23 = arith.constant 0 : index
      %get3A_24 = arith.constant 0 : index
      %get3A_25 = vector.load %arg4[%get3A_23, %get3A_24] : memref<1x128xf32, #tpu.memory_space<vmem>>, vector<1x128xf32>
      %add3A_26 = vector.broadcast %get3A_25 : vector<1x128xf32> to vector<1000x128xf32>
      %add3A_27 = arith.addf %dot_general3A_22, %add3A_26 : vector<1000x128xf32>
      %max3A = arith.constant 0.000000e+00 : f32
      %max3A_28 = vector.broadcast %max3A : f32 to vector<1000x128xf32>
      %max3A_29 = arith.maximumf %add3A_27, %max3A_28 : vector<1000x128xf32>
      %get3A_30 = arith.constant 0 : index
      %get3A_31 = arith.constant 0 : index
      %get3A_32 = vector.load %arg5[%get3A_30, %get3A_31] : memref<128x128xf32, #tpu.memory_space<vmem>>, vector<128x128xf32>
      %dot_general3A_33 = arith.constant dense<0.000000e+00> : vector<1000x128xf32>
      %dot_general3A_34 = tpu.matmul %max3A_29, %get3A_32, %dot_general3A_33 {dimension_numbers = #tpu.dot_dimension_numbers<[1], [0], [0], [1], [0, 0, 1, 1], [], []>, transpose_lhs_hint = false} : vector<1000x128xf32>, vector<128x128xf32>, vector<1000x128xf32> -> vector<1000x128xf32>
      %get3A_35 = arith.constant 0 : index
      %get3A_36 = arith.constant 0 : index
      %get3A_37 = vector.load %arg6[%get3A_35, %get3A_36] : memref<1x128xf32, #tpu.memory_space<vmem>>, vector<1x128xf32>
      %add3A_38 = vector.broadcast %get3A_37 : vector<1x128xf32> to vector<1000x128xf32>
      %add3A_39 = arith.addf %dot_general3A_34, %add3A_38 : vector<1000x128xf32>
      %mul3A = arith.constant 1000 : i32
      %mul3A_40 = arith.muli %arg0, %mul3A : i32
      %swap3A = arith.index_cast %mul3A_40 : i32 to index
      %swap3A_41 = arith.constant 0 : index
      %swap3A_42 = vector.load %arg11[%swap3A, %swap3A_41] : memref<10000x128xf32, #tpu.memory_space<vmem>>, vector<1000x128xf32>
      tpu.vector_store %arg11[%swap3A, %swap3A_41], %add3A_39 {strides = array<i32>} : memref<10000x128xf32, #tpu.memory_space<vmem>>, vector<1000x128xf32>,
      %eq3A = arith.constant 0 : i32
      %eq3A_43 = arith.cmpi eq, %arg0, %eq3A : i32
      %convert_element_type3A_44 = arith.extui %eq3A_43 : i1 to i32
      %cond3A_45 = arith.constant 0 : i32
      %cond3A_46 = arith.cmpi ne, %convert_element_type3A_44, %cond3A_45 : i32
      scf.if %cond3A_46 {
        %broadcast_in_dim3A_66 = arith.constant 0.000000e+00 : f32
        %broadcast_in_dim3A_67 = vector.broadcast %broadcast_in_dim3A_66 : f32 to vector<2x128xf32>
        %swap3A_68 = arith.constant 0 : index
        %swap3A_69 = arith.constant 0 : index
        %swap3A_70 = vector.load %arg12[%swap3A_68, %swap3A_69] : memref<2x128xf32, #tpu.memory_space<vmem>>, vector<2x128xf32>
        tpu.vector_store %arg12[%swap3A_68, %swap3A_69], %broadcast_in_dim3A_67 {strides = array<i32>} : memref<2x128xf32, #tpu.memory_space<vmem>>, vector<2x128xf32>,
      } else {
      }
      %get3A_47 = arith.constant 0 : index
      %get3A_48 = arith.constant 0 : index
      %get3A_49 = vector.load %arg12[%get3A_47, %get3A_48] : memref<2x128xf32, #tpu.memory_space<vmem>>, vector<1x128xf32>
      %reduce_sum3A = arith.constant dense<0.000000e+00> : vector<128xf32>
      %reduce_sum3A_50 = vector.multi_reduction <add>, %add3A_39, %reduce_sum3A [0] : vector<1000x128xf32> to vector<128xf32>
      %broadcast_in_dim3A = vector.shape_cast %reduce_sum3A_50 : vector<128xf32> to vector<1x128xf32>
      %add3A_51 = arith.addf %get3A_49, %broadcast_in_dim3A : vector<1x128xf32>
      %swap3A_52 = arith.constant 0 : index
      %swap3A_53 = arith.constant 0 : index
      %swap3A_54 = vector.load %arg12[%swap3A_52, %swap3A_53] : memref<2x128xf32, #tpu.memory_space<vmem>>, vector<1x128xf32>
      tpu.vector_store %arg12[%swap3A_52, %swap3A_53], %add3A_51 {strides = array<i32>} : memref<2x128xf32, #tpu.memory_space<vmem>>, vector<1x128xf32>,
      %get3A_55 = arith.constant 1 : index
      %get3A_56 = arith.constant 0 : index
      %get3A_57 = vector.load %arg12[%get3A_55, %get3A_56] : memref<2x128xf32, #tpu.memory_space<vmem>>, vector<1x128xf32>
      %mul3A_58 = arith.mulf %add3A_39, %add3A_39 : vector<1000x128xf32>
      %reduce_sum3A_59 = arith.constant dense<0.000000e+00> : vector<128xf32>
      %reduce_sum3A_60 = vector.multi_reduction <add>, %mul3A_58, %reduce_sum3A_59 [0] : vector<1000x128xf32> to vector<128xf32>
      %broadcast_in_dim3A_61 = vector.shape_cast %reduce_sum3A_60 : vector<128xf32> to vector<1x128xf32>
      %add3A_62 = arith.addf %get3A_57, %broadcast_in_dim3A_61 : vector<1x128xf32>
      %swap3A_63 = arith.constant 1 : index
      %swap3A_64 = arith.constant 0 : index
      %swap3A_65 = vector.load %arg12[%swap3A_63, %swap3A_64] : memref<2x128xf32, #tpu.memory_space<vmem>>, vector<1x128xf32>
      tpu.vector_store %arg12[%swap3A_63, %swap3A_64], %add3A_62 {strides = array<i32>} : memref<2x128xf32, #tpu.memory_space<vmem>>, vector<1x128xf32>,
    } else {
    }
    %ge3A = arith.constant 10 : i32
    %ge3A_2 = arith.cmpi sge, %arg0, %ge3A : i32
    %convert_element_type3A_3 = arith.extui %ge3A_2 : i1 to i32
    %cond3A_4 = arith.constant 0 : i32
    %cond3A_5 = arith.cmpi ne, %convert_element_type3A_3, %cond3A_4 : i32
    scf.if %cond3A_5 {
      %sub3A = arith.constant 10 : i32
      %sub3A_6 = arith.subi %arg0, %sub3A : i32
      %get3A = arith.constant 0 : index
      %get3A_7 = arith.constant 0 : index
      %get3A_8 = vector.load %arg12[%get3A, %get3A_7] : memref<2x128xf32, #tpu.memory_space<vmem>>, vector<1x128xf32>
      %div3A = arith.constant 1.000000e+04 : f32
      %div3A_9 = vector.broadcast %div3A : f32 to vector<1x128xf32>
      %div3A_10 = arith.divf %get3A_8, %div3A_9 : vector<1x128xf32>
      %get3A_11 = arith.constant 1 : index
      %get3A_12 = arith.constant 0 : index
      %get3A_13 = vector.load %arg12[%get3A_11, %get3A_12] : memref<2x128xf32, #tpu.memory_space<vmem>>, vector<1x128xf32>
      %div3A_14 = arith.constant 1.000000e+04 : f32
      %div3A_15 = vector.broadcast %div3A_14 : f32 to vector<1x128xf32>
      %div3A_16 = arith.divf %get3A_13, %div3A_15 : vector<1x128xf32>
      %mul3A = arith.mulf %div3A_10, %div3A_10 : vector<1x128xf32>
      %sub3A_17 = arith.subf %div3A_16, %mul3A : vector<1x128xf32>
      %add3A = arith.constant 9.99999974E-6 : f32
      %add3A_18 = vector.broadcast %add3A : f32 to vector<1x128xf32>
      %add3A_19 = arith.addf %sub3A_17, %add3A_18 : vector<1x128xf32>
      %rsqrt3A = math.rsqrt %add3A_19 : vector<1x128xf32>
      %mul3A_20 = arith.constant 1000 : i32
      %mul3A_21 = arith.muli %sub3A_6, %mul3A_20 : i32
      %get3A_22 = arith.index_cast %mul3A_21 : i32 to index
      %get3A_23 = arith.constant 0 : index
      %get3A_24 = vector.load %arg11[%get3A_22, %get3A_23] : memref<10000x128xf32, #tpu.memory_space<vmem>>, vector<1000x128xf32>
      %sub3A_25 = vector.broadcast %div3A_10 : vector<1x128xf32> to vector<1000x128xf32>
      %sub3A_26 = arith.subf %get3A_24, %sub3A_25 : vector<1000x128xf32>
      %mul3A_27 = vector.broadcast %rsqrt3A : vector<1x128xf32> to vector<1000x128xf32>
      %mul3A_28 = arith.mulf %sub3A_26, %mul3A_27 : vector<1000x128xf32>
      %get3A_29 = arith.constant 0 : index
      %get3A_30 = arith.constant 0 : index
      %get3A_31 = vector.load %arg7[%get3A_29, %get3A_30] : memref<1x128xf32, #tpu.memory_space<vmem>>, vector<1x128xf32>
      %mul3A_32 = vector.broadcast %get3A_31 : vector<1x128xf32> to vector<1000x128xf32>
      %mul3A_33 = arith.mulf %mul3A_28, %mul3A_32 : vector<1000x128xf32>
      %get3A_34 = arith.constant 0 : index
      %get3A_35 = arith.constant 0 : index
      %get3A_36 = vector.load %arg8[%get3A_34, %get3A_35] : memref<1x128xf32, #tpu.memory_space<vmem>>, vector<1x128xf32>
      %add3A_37 = vector.broadcast %get3A_36 : vector<1x128xf32> to vector<1000x128xf32>
      %add3A_38 = arith.addf %mul3A_33, %add3A_37 : vector<1000x128xf32>
      %max3A = arith.constant 0.000000e+00 : f32
      %max3A_39 = vector.broadcast %max3A : f32 to vector<1000x128xf32>
      %max3A_40 = arith.maximumf %add3A_38, %max3A_39 : vector<1000x128xf32>
      %get3A_41 = arith.constant 0 : index
      %get3A_42 = arith.constant 0 : index
      %get3A_43 = vector.load %arg9[%get3A_41, %get3A_42] : memref<1000x128xf32, #tpu.memory_space<vmem>>, vector<1000x128xf32>
      %add3A_44 = arith.addf %max3A_40, %get3A_43 : vector<1000x128xf32>
      %swap3A = arith.constant 0 : index
      %swap3A_45 = arith.constant 0 : index
      %swap3A_46 = vector.load %arg10[%swap3A, %swap3A_45] : memref<1000x128xf32, #tpu.memory_space<vmem>>, vector<1000x128xf32>
      tpu.vector_store %arg10[%swap3A, %swap3A_45], %add3A_44 {strides = array<i32>} : memref<1000x128xf32, #tpu.memory_space<vmem>>, vector<1000x128xf32>,
    } else {
    }
    return
  }
  func.func @transform_0(%arg0: i32) -> (i32, i32) {
    %min3A = arith.constant 9 : i32
    %min3A_0 = arith.minsi %arg0, %min3A : i32
    %c0_i32 = arith.constant 0 : i32
    %c0_i32_1 = arith.constant 0 : i32
    return %min3A_0, %c0_i32 : i32, i32
  }
  func.func @transform_1(%arg0: i32) -> (i32, i32, i32) {
    %min3A = arith.constant 9 : i32
    %min3A_0 = arith.minsi %arg0, %min3A : i32
    %c0_i32 = arith.constant 0 : i32
    %c0_i32_1 = arith.constant 0 : i32
    %c0_i32_2 = arith.constant 0 : i32
    return %c0_i32, %min3A_0, %c0_i32_1 : i32, i32, i32
  }
  func.func @transform_2(%arg0: i32) -> (i32, i32) {
    %c0_i32 = arith.constant 0 : i32
    %c0_i32_0 = arith.constant 0 : i32
    %c0_i32_1 = arith.constant 0 : i32
    return %c0_i32, %c0_i32_0 : i32, i32
  }
  func.func @transform_3(%arg0: i32) -> (i32, i32) {
    %c0_i32 = arith.constant 0 : i32
    %c0_i32_0 = arith.constant 0 : i32
    %c0_i32_1 = arith.constant 0 : i32
    return %c0_i32, %c0_i32_0 : i32, i32
  }
  func.func @transform_4(%arg0: i32) -> (i32, i32) {
    %c0_i32 = arith.constant 0 : i32
    %c0_i32_0 = arith.constant 0 : i32
    %c0_i32_1 = arith.constant 0 : i32
    return %c0_i32, %c0_i32_0 : i32, i32
  }
  func.func @transform_5(%arg0: i32) -> (i32, i32) {
    %c0_i32 = arith.constant 0 : i32
    %c0_i32_0 = arith.constant 0 : i32
    %c0_i32_1 = arith.constant 0 : i32
    return %c0_i32, %c0_i32_0 : i32, i32
  }
  func.func @transform_6(%arg0: i32) -> (i32, i32) {
    %c0_i32 = arith.constant 0 : i32
    %c0_i32_0 = arith.constant 0 : i32
    %c0_i32_1 = arith.constant 0 : i32
    return %c0_i32, %c0_i32_0 : i32, i32
  }
  func.func @transform_7(%arg0: i32) -> (i32, i32) {
    %c0_i32 = arith.constant 0 : i32
    %c0_i32_0 = arith.constant 0 : i32
    %c0_i32_1 = arith.constant 0 : i32
    return %c0_i32, %c0_i32_0 : i32, i32
  }
  func.func @transform_8(%arg0: i32) -> (i32, i32) {
    %sub3A = arith.constant 10 : i32
    %sub3A_0 = arith.subi %arg0, %sub3A : i32
    %max3A = arith.constant 0 : i32
    %max3A_1 = arith.maxsi %sub3A_0, %max3A : i32
    %c0_i32 = arith.constant 0 : i32
    %c0_i32_2 = arith.constant 0 : i32
    return %max3A_1, %c0_i32 : i32, i32
  }
  func.func @transform_9(%arg0: i32) -> (i32, i32) {
    %sub3A = arith.constant 10 : i32
    %sub3A_0 = arith.subi %arg0, %sub3A : i32
    %max3A = arith.constant 0 : i32
    %max3A_1 = arith.maxsi %sub3A_0, %max3A : i32
    %c0_i32 = arith.constant 0 : i32
    %c0_i32_2 = arith.constant 0 : i32
    return %max3A_1, %c0_i32 : i32, i32
  }
}

</mosaic_0001>

<sc_bundles>
// kernel: kernel.4.cloned.1.call-start
scs
__scs_entry_jumppad:
0x0: {  	(pc) =	sbr.rel $0x88, $3  }
0x1: {  	(tag) =	ssettag $0x0;
	lr =	simm.s32 $0x1  }
0x2: {  	[smem:$0x3F98] =	sst lr;
	_ =	strace $0xD0000000  }
0x3: {  	_ = 	snop  }
0x4: {  	_ = 	snop  }
0x5: {  	_ = 	snop  }
0x6: {  	_ = 	snop  }
0x7: {  	_ = 	snop  }
__scs_overlays_trampoline_lowered:
0x8: {  	[smem:$0x3FA7] =	sst s0  }
0x9: {  	[smem:$0x3FA8] =	sst s1  }
0xa: {  	[smem:$0x3FA9] =	sst s2  }
0xb: {  	[smem:$0x3FAA] =	sst s3  }
0xc: {  	[smem:$0x3FAB] =	sst s4  }
0xd: {  	[smem:$0x3FAC] =	sst s5  }
0xe: {  	[smem:$0x3FAD] =	sst s6  }
0xf: {  	[smem:$0x3FAE] =	sst s7  }
0x10: {  	[smem:$0x3FAF] =	sst s8  }
0x11: {  	[smem:$0x3FB0] =	sst s9;
	s0 =	simm.s32 @!p0 $0x0  }
0x12: {  	s1 =	sld [smem:$0x3F96];
	s0 =	simm.s32 @p0 $0x1  }
0x13: {  	[smem:$0x3FB1] =	sst s0;
	s0 =	simm.s32 @!p1 $0x0  }
0x14: {  	s2 =	sld [smem:$0x3F95];
	s0 =	simm.s32 @p1 $0x1  }
0x15: {  	[smem:$0x3FB2] =	sst s0;
	s0 =	simm.s32 @!p2 $0x0  }
0x16: {  	s3 =	sld [smem:$0x3FDB];
	s0 =	simm.s32 @p2 $0x1  }
0x17: {  	s4 =	simm.s32 $0x1BF5;
	[smem:$0x3FB4] =	sst s0  }
0x18: {  	s0 =	sld [smem:$0x3F97];
	_ =	swait.ge [sflag:s4], $0x0  }
0x19: {  	s7 =	sld [smem:$0x3F98]  }
0x1a: {  	s8 =	sadd.s32 $0xFFFFE003, lr  }
0x1b: {  	s9 =	sadd.s32 $0xFFFFFEF7, lr;
	s5 =	simm.s32 $0xFFFFFFFF;
	p2 =	slt.u32 s8, $0xFFFFF086  }
0x1c: {  	p1 =	slt.u32 s9, $0xF7A;
	s5 =	simm.s32 @!p2 $0x0  }
0x1d: {  	s5 =	simm.s32 @p1 $0x1;
	p0 =	seq.s32 s7, s2  }
0x1e: {  	s7 =	smul.u32 @!p0 $0xF7A, s2;
	p2 =	seq.s32 @!p0 s5, $0x0  }
0x1f: {  	s9 =	smul.u32 $0xF7A, s1;
	s8 =	simm.s32 @!p0 $0x1BF5;
	p2 =	por !p2, p0  }
0x20: {  	[sflag:s8] =	ssyncset.s32 @!p0 $0xFFFFF086;
	s6 =	sadd.s32 @!p0 s3, s7;
	s7 =	simm.s32 @!p0 $0x108  }
0x21: {  	s3 =	sadd.s32 s3, s9;
	s6 =	sadd.s32 @!p0 $0x88, s6;
	s7 =	simm.s32 @p2 $0x1082  }
0x22: {  	[simem:s7], [sflag:s8] =	dma.local @!p0 [hbm:s6], $0xF7A  }
0x23: {  	s9 =	sor.u32 $0xD0000000, s2;
	s6 =	simm.s32 $0x108;
	_ =	swait.ge @!p0 [sflag:s8], $0x0  }
0x24: {  	s3 =	sadd.s32 $0x88, s3;
	s6 =	simm.s32 @!p1 $0x1082;
	[sflag:s4] =	ssyncset.s32 $0xFFFFF086  }
0x25: {  	[simem:s6], [sflag:s4] =	dma.local [hbm:s3], $0xF7A  }
0x26: {  	[smem:$0x3F98] =	sst s1;
	(tag) =	ssettag s2;
	_ =	strace s9  }
0x27: {  	s1 =	sld [smem:$0x3FA8]  }
0x28: {  	s2 =	sld [smem:$0x3FA9]  }
0x29: {  	s4 =	sld [smem:$0x3FAB]  }
0x2a: {  	p0 =	seq.s32 s5, $0x0;
	s5 =	sld [smem:$0x3FAC]  }
0x2b: {  	s6 =	sld [smem:$0x3FAD]  }
0x2c: {  	s7 =	sld [smem:$0x3FAE]  }
0x2d: {  	s3 =	simm.s32 $0x108;
	s8 =	sld [smem:$0x3FAF]  }
0x2e: {  	s3 =	simm.s32 @!p0 $0x1082;
	s9 =	sld [smem:$0x3FB0]  }
0x2f: {  	lr =	sadd.s32 s0, s3;
	s0 =	sld [smem:$0x3FA7]  }
0x30: {  	s3 =	sld [smem:$0x3FAA]  }
0x31: {  	[smem:$0x3FB3] =	sst s10  }
0x32: {  	s10 =	sld [smem:$0x3FB1];
	_ =	sdelay $0x3  }
0x33: {  	p0 =	seq.s32 s10, $0x1;
	s10 =	sld [smem:$0x3FB3];
	_ =	sdelay $0x3  }
0x34: {  	[smem:$0x3FB3] =	sst s10  }
0x35: {  	s10 =	sld [smem:$0x3FB2];
	_ =	sdelay $0x3  }
0x36: {  	p1 =	seq.s32 s10, $0x1;
	s10 =	sld [smem:$0x3FB3];
	_ =	sdelay $0x3  }
0x37: {  	[smem:$0x3FB3] =	sst s10  }
0x38: {  	s10 =	sld [smem:$0x3FB4]  }
0x39: {  	_ = 	snop;
	(pc) =	sbr.ind lr, $3  }
0x3a: {  	_ = 	snop  }
0x3b: {  	_ = 	snop  }
0x3c: {  	p2 =	seq.s32 s10, $0x1;
	s10 =	sld [smem:$0x3FB3]  }
0x3d: {  	_ =	shalt  }
0x3e: {  	_ =	shalt  }
0x3f: {  	_ =	shalt  }
0x40: {  	_ =	shalt  }
0x41: {  	_ =	shalt  }
0x42: {  	_ =	shalt  }
0x43: {  	_ =	shalt  }
0x44: {  	_ =	shalt  }
0x45: {  	_ =	shalt  }
0x46: {  	_ =	shalt  }
0x47: {  	_ =	shalt  }
0x48: {  	_ =	shalt  }
0x49: {  	_ =	shalt  }
0x4a: {  	_ =	shalt  }
0x4b: {  	_ =	shalt  }
0x4c: {  	_ =	shalt  }
0x4d: {  	_ =	shalt  }
0x4e: {  	_ =	shalt  }
0x4f: {  	_ =	shalt  }
0x50: {  	_ =	shalt  }
0x51: {  	_ =	shalt  }
0x52: {  	_ =	shalt  }
0x53: {  	_ =	shalt  }
0x54: {  	_ =	shalt  }
0x55: {  	_ =	shalt  }
0x56: {  	_ =	shalt  }
0x57: {  	_ =	shalt  }
0x58: {  	_ =	shalt  }
0x59: {  	_ =	shalt  }
0x5a: {  	_ =	shalt  }
0x5b: {  	_ =	shalt  }
0x5c: {  	_ =	shalt  }
0x5d: {  	_ =	shalt  }
0x5e: {  	_ =	shalt  }
0x5f: {  	_ =	shalt  }
0x60: {  	_ =	shalt  }
0x61: {  	_ =	shalt  }
0x62: {  	_ =	shalt  }
0x63: {  	_ =	shalt  }
0x64: {  	_ =	shalt  }
0x65: {  	_ =	shalt  }
0x66: {  	_ =	shalt  }
0x67: {  	_ =	shalt  }
0x68: {  	_ =	shalt  }
0x69: {  	_ =	shalt  }
0x6a: {  	_ =	shalt  }
0x6b: {  	_ =	shalt  }
0x6c: {  	_ =	shalt  }
0x6d: {  	_ =	shalt  }
0x6e: {  	_ =	shalt  }
0x6f: {  	_ =	shalt  }
0x70: {  	_ =	shalt  }
0x71: {  	_ =	shalt  }
0x72: {  	_ =	shalt  }
0x73: {  	_ =	shalt  }
0x74: {  	_ =	shalt  }
0x75: {  	_ =	shalt  }
0x76: {  	_ =	shalt  }
0x77: {  	_ =	shalt  }
0x78: {  	_ =	shalt  }
0x79: {  	_ =	shalt  }
0x7a: {  	_ =	shalt  }
0x7b: {  	_ =	shalt  }
0x7c: {  	_ =	shalt  }
0x7d: {  	_ =	shalt  }
0x7e: {  	_ =	shalt  }
0x7f: {  	_ =	shalt  }
0x80: {  	_ =	shalt  }
0x81: {  	_ =	shalt  }
0x82: {  	_ =	shalt  }
0x83: {  	_ =	shalt  }
0x84: {  	_ =	shalt  }
0x85: {  	_ =	shalt  }
0x86: {  	_ =	shalt  }
0x87: {  	_ =	shalt  }
.Lfunc_end0:
.L_simem_size_0:
called_computation_lowered:
.L_overlay_start_0:
0x88: {  	s2 =	sld [smem:$0x3FD9]  }
0x89: {  	s3 =	sld [smem:$0x3FFE];
	_ =	sdelay $0x1  }
0x8a: {  	s1 =	srdreg.scid  }
0x8b: {  	s0 =	sand.u32 $0x1, s1  }
0x8c: {  	s17 =	sshll.u32 s0, $0xA;
	s2 =	sadd.s32 s3, s2  }
0x8d: {  	s2 =	sadd.s32 s2, s17  }
0x8e: {  	[smem:$0x3FBF] =	sst s2  }
0x8f: {  	_ = 	snop  }
0x90: {  	s2 =	sld [smem:$0x3FC9]  }
0x91: {  	s18 =	sld [smem:$0x3FD0];
	(tm) =	ssettm $0x1  }
0x92: {  	s4 =	sld [smem:$0x3FFB];
	_ =	sdelay $0x3  }
0x93: {  	_ =	strace s4  }
0x94: {  	s4 =	sld [smem:$0x3FFC];
	_ =	sdelay $0x3  }
0x95: {  	_ =	strace s4  }
0x96: {  	s4 =	sld [smem:$0x3FFD];
	_ =	sdelay $0x3  }
0x97: {  	_ =	strace s4  }
0x98: {  	_ =	strace $0x8FFFFFFF  }
0x99: {  	s19 =	sld [smem:$0x3FDB];
	_ =	sdelay $0x1  }
0x9a: {  	s5 =	simm.s32 $_scs_section_size  }
0x9b: {  	s6 =	simm.s32 $_size__tile_overlayer_lowered;
	s7 =	simm.s32 $_tile_overlayer_lowered  }
0x9c: {  	s22 =	simm.s32 $0x1BFF;
	s21 =	sshll.u32 s7, $0x1;
	s4 =	sadd.s32 s5, s19  }
0x9d: {  	s8 =	simm.s32 $0x0;
	s20 =	sshll.u32 s6, $0x1;
	s6 =	sadd.s32 s21, s4  }
0x9e: {  	[timem:s8], [sflag:s22] =	dma.local [hbm:s6], s20  }
0x9f: {  	_ =	swait.ge [sflag:s22], s20  }
0xa0: {  	s5 =	ssub.s32 $0x0, s20;
	[sflag:s22] =	ssyncset.done $0x0  }
0xa1: {  	[sflag:s22] =	ssyncadd.s32 s5;
	_ =	sdelay $0x1  }
0xa2: {  	s23 =	simm.s32 $0x1B8B  }
0xa3: {  	_ =	swait.ge [sflag:s23], $0x1  }
0xa4: {  	[sflag:s23] =	ssyncset.done $0x0  }
0xa5: {  	s25 =	simm.s32 $0x1B8E;
	s24 =	sld [smem:$0x3FFE];
	[sflag:s23] =	ssyncadd.s32 $0xFFFFFFFF  }
0xa6: {  	s26 =	simm.s32 $execute0_lowered;
	[smem:$0x3FD2] =	sst s25  }
0xa7: {  	s6 =	sshll.u32 s26, $0x1;
	_ =	strace $0x80000046;
	[dreg:$0x1] =	wrdreg $0xFFFFFFFF  }
0xa8: {  	s28 =	simm.s32 $_size_execute0_lowered;
	s4 =	sadd.s32 s4, s6;
	[dreg:$0x0] =	wrdreg $0x0  }
0xa9: {  	s6 =	sshll.u32 s28, $0x1;
	[dreg:$0x2] =	wrdreg s4  }
0xaa: {  	[dreg:$0x3] =	wrdreg s6  }
0xab: {  	[dreg:$0x4] =	wrdreg $0xC0  }
0xac: {  	_ =	task [dreg:s8], $0x5FFFF  }
0xad: {  	[dreg:$0x1] =	wrdreg $0xFFFFFFFF  }
0xae: {  	[dreg:$0x0] =	wrdreg $0x60  }
0xaf: {  	[dreg:$0x2] =	wrdreg s18  }
0xb0: {  	[dreg:$0x3] =	wrdreg s24  }
0xb1: {  	[dreg:$0x4] =	wrdreg s2  }
0xb2: {  	[dreg:$0x5] =	wrdreg $0xA8000  }
0xb3: {  	[dreg:$0x6] =	wrdreg $0x9  }
0xb4: {  	_ =	task.clear_ibuf [dreg:s8], $0x7FFFF;
	_ =	strace $0x90000046  }
0xb5: {  	s29 =	simm.s32 $0x9;
	_ =	strace $0x80000048  }
0xb6: {  	_ =	swait.ge [sflag:s29], $0x1  }
0xb7: {  	[sflag:s29] =	ssyncadd.s32 $0xFFFFFFFF  }
0xb8: {  	_ =	strace $0x90000048  }
0xb9: {  	_ =	sfence  }
0xba: {  	s30 =	sld [smem:$0x0];
	_ =	sdelay $0x2  }
0xbb: {  	s31 =	sshll.u32 s1, $0xD;
	s1 =	sshrl.u32 s1, $0x2  }
0xbc: {  	s3 =	sand.u32 $0x4000, s31;
	s1 =	sadd.s32 s1, s30  }
0xbd: {  	s0 =	sor.u32 s3, s0;
	s1 =	sshll.u32 s1, $0x11  }
0xbe: {  	s0 =	sor.u32 s1, s0  }
0xbf: {  	s0 =	sadd.s32 $0x8F2B, s0  }
0xc0: {  	[sflag:s0] =	ssyncadd.remote.s32 $0x1  }
0xc1: {  	_ =	sfence.sel $0xFFFF  }
0xc2: {  	[dreg:$0x0] =	wrdreg $0xFFFFFFFF;
	(pc) =	sbr.abs _section_cstart, $3  }
0xc3: {  	[dreg:$0x1] =	wrdreg $0xFFFFFFFF  }
0xc4: {  	_ =	task.clear_ibuf [dreg:s8], $0x2FFFF;
	_ =	strace $0x9FFFFFFF  }
0xc5: {  	(tm) =	ssettm $0x7FFFFFFF  }
tec
execute0_lowered:
.L_overlay_start_1:
0x0: {  	(tag) =	ssettag $0x1  }
0x1: {  	s0 =	rddreg [dreg:$0x0]  }
0x2: {  	s1 =	rddreg [dreg:$0x1]  }
0x3: {  	s2 =	rddreg [dreg:$0x2];
	s4 =	srdreg.scid  }
0x4: {  	s3 =	rddreg [dreg:$0x3];
	s9 =	stileid.u32;
	s28 =	simm.s32 $0x1400  }
0x5: {  	s29 =	simm.s32 $0x40;
	s30 =	simm.s32 $0x80;
	s31 =	simm.s32 $0x4800  }
0x6: {  	s11 =	simm.s32 $0x1380;
	s5 =	sand.u32 $0x1, s4;
	s7 =	smul.u32 $0x14000, s9  }
0x7: {  	s4 =	simm.s32 $0x0;
	s13 =	smul.u32 $0x50000, s9;
	s14 =	sadd.s32 $0x1C00, s1  }
0x8: {  	s6 =	smul.u32 $0x140000, s5;
	[smem:$0x7FF] =	sst s4;
	s8 =	sshll.u32 s5, $0x4  }
0x9: {  	s5 =	ssub.s32 $0x2, s5;
	s12 =	sor.u32 s9, s8;
	_ =	strace $0x80000047  }
0xa: {  	s15 =	sshrl.u32 s5, $0x1;
	s8 =	sshrl.u32 s13, $0x2;
	s6 =	sadd.s32 s7, s6  }
0xb: {  	s9 =	simm.s32 $0x3;
	s7 =	smul.u32 $0x5000, s12;
	s6 =	sshrl.u32 s6, $0x3  }
0xc: {  	s13 =	simm.s32 $0x2680;
	s12 =	simm.s32 $0x2600;
	s1 =	sadd.s32 s6, s1  }
0xd: {  	s7 =	sshrl.u32 s7, $0x3;
	s6 =	ssub.s32 s5, s15;
	s5 =	sadd.s32 s8, s3  }
0xe: {  	s15 =	simm.s32 $0x2780;
	s16 =	sadd.s32 $0x280, s7;
	s10 =	sadd.s32 s0, s7  }
0xf: {  	s17 =	sadd.s32 s14, s7;
	s19 =	sadd.s32 $0x500, s7;
	[dreg:$0x5] =	wrdreg s10  }
0x10: {  	s7 =	sadd.s32 $0x780, s7;
	s22 =	sadd.s32 $0x15C00, s1;
	[dreg:$0x6] =	wrdreg s17  }
0x11: {  	s23 =	smax.u32 s6, $0x1;
	s24 =	sadd.s32 $0x2000, s5;
	[dreg:$0xd] =	wrdreg s22  }
0x12: {  	s25 =	sadd.s32 $0x4000, s5;
	s26 =	sadd.s32 $0x6000, s5;
	[dreg:$0xe] =	wrdreg s23  }
0x13: {  	s1 =	simm.s32 $0x6800;
	s6 =	simm.s32 $0x1;
	[dreg:$0xf] =	wrdreg s24  }
0x14: {  	s18 =	sadd.s32 s0, s16;
	s8 =	sadd.s32 s14, s16;
	[dreg:$0x10] =	wrdreg s25  }
0x15: {  	s20 =	sadd.s32 s0, s19;
	s0 =	sadd.s32 s0, s7;
	[dreg:$0x11] =	wrdreg s26  }
0x16: {  	s21 =	sadd.s32 s14, s7;
	s22 =	sadd.s32 $0xE000, s5;
	[dreg:$0x7] =	wrdreg s18  }
0x17: {  	s23 =	sadd.s32 $0x10000, s5;
	s24 =	sadd.s32 $0x12000, s5;
	[dreg:$0x8] =	wrdreg s8  }
0x18: {  	s25 =	simm.s32 $0x2800;
	s26 =	simm.s32 $0x5;
	[dreg:$0x9] =	wrdreg s20  }
0x19: {  	s7 =	simm.s32 $0x8800;
	s10 =	simm.s32 $0x4;
	[dreg:$0xb] =	wrdreg s0  }
0x1a: {  	s8 =	sadd.s32 s14, s19;
	[dreg:$0xc] =	wrdreg s21;
	s19 =	sadd.s32 $0x8000, s5  }
0x1b: {  	s20 =	sadd.s32 $0xA000, s5;
	s21 =	sadd.s32 $0xC000, s5;
	s0 =	simm.s32 $0x100  }
0x1c: {  	v0 =	vimm.f32 $0.0e+00;
	s14 =	simm.s32 $0x2700;
	[dreg:$0xa] =	wrdreg s8;
	s8 =	simm.s32 $0x2  }
.LBB2_1:
0x1d: {  	s16 =	simm.s32 $0x0;
	s17 =	simm.s32 $0x200  }
.LBB2_2:
0x1e: {  	p0 =	sne.s32 s17, $0x7E00;
	[tilespmem:s16+$0x2870] =	vst v0  }
0x1f: {  	[tilespmem:s16+$0x2800] =	vst v0  }
0x20: {  	[tilespmem:s16+$0x2810] =	vst v0  }
.Ltmp0:
0x21: {  	[tilespmem:s16+$0x2820] =	vst v0;
	(pc) =	sbr.rel @p0 .LBB2_2-.Ltmp0, $4  }
0x22: {  	[tilespmem:s16+$0x2830] =	vst v0  }
0x23: {  	[tilespmem:s16+$0x2840] =	vst v0  }
0x24: {  	[tilespmem:s16+$0x2850] =	vst v0  }
0x25: {  	[tilespmem:s16+$0x2860] =	vst v0;
	s16 =	sshra.s32 s17, $0x2;
	s17 =	sadd.s32 $0x200, s17  }
0x26: {  	[tilespmem:s16+$0x2870] =	vst v0  }
0x27: {  	[tilespmem:s16+$0x2800] =	vst v0  }
0x28: {  	[tilespmem:s16+$0x2810] =	vst v0  }
0x29: {  	[tilespmem:s16+$0x2820] =	vst v0  }
0x2a: {  	[tilespmem:s16+$0x2830] =	vst v0  }
0x2b: {  	[tilespmem:s16+$0x2840] =	vst v0  }
0x2c: {  	[tilespmem:s16+$0x2850] =	vst v0  }
0x2d: {  	[tilespmem:s16+$0x2860] =	vst v0  }
0x2e: {  	[spmem:s5] =	stream.linear.scatter [tilespmem:s25], [sflag:$0x5], $0x2000, $0x38;
	[tilespmem:$0x1E800] =	vst v63  }
0x2f: {  	_ =	swait.ge [sflag:s26], $0x2000  }
0x30: {  	[sflag:s26] =	ssyncset.done $0x0  }
0x31: {  	s17 =	rddreg [dreg:$0xf];
	[sflag:s26] =	ssyncadd.s32 $0xFFFFE000  }
0x32: {  	[spmem:s17] =	stream.linear.scatter [tilespmem:s25], [sflag:$0x5], $0x2000, $0x38;
	[tilespmem:$0x1E800] =	vst v63  }
0x33: {  	_ =	swait.ge [sflag:s26], $0x2000  }
0x34: {  	[sflag:s26] =	ssyncset.done $0x0  }
0x35: {  	s18 =	rddreg [dreg:$0x10];
	[sflag:s26] =	ssyncadd.s32 $0xFFFFE000  }
0x36: {  	[spmem:s18] =	stream.linear.scatter [tilespmem:s25], [sflag:$0x5], $0x2000, $0x38;
	[tilespmem:$0x1E800] =	vst v63  }
0x37: {  	_ =	swait.ge [sflag:s26], $0x2000  }
0x38: {  	[sflag:s26] =	ssyncset.done $0x0  }
0x39: {  	s17 =	rddreg [dreg:$0x11];
	[sflag:s26] =	ssyncadd.s32 $0xFFFFE000  }
0x3a: {  	[spmem:s17] =	stream.linear.scatter [tilespmem:s25], [sflag:$0x5], $0x2000, $0x38;
	[tilespmem:$0x1E800] =	vst v63  }
0x3b: {  	_ =	swait.ge [sflag:s26], $0x2000  }
0x3c: {  	[sflag:s26] =	ssyncset.done $0x0  }
0x3d: {  	[sflag:s26] =	ssyncadd.s32 $0xFFFFE000  }
0x3e: {  	[spmem:s19] =	stream.linear.scatter [tilespmem:s25], [sflag:$0x5], $0x2000, $0x38;
	[tilespmem:$0x1E800] =	vst v63  }
0x3f: {  	_ =	swait.ge [sflag:s26], $0x2000  }
0x40: {  	[sflag:s26] =	ssyncset.done $0x0  }
0x41: {  	[sflag:s26] =	ssyncadd.s32 $0xFFFFE000  }
0x42: {  	[spmem:s20] =	stream.linear.scatter [tilespmem:s25], [sflag:$0x5], $0x2000, $0x38;
	[tilespmem:$0x1E800] =	vst v63  }
0x43: {  	_ =	swait.ge [sflag:s26], $0x2000  }
0x44: {  	[sflag:s26] =	ssyncset.done $0x0  }
0x45: {  	[sflag:s26] =	ssyncadd.s32 $0xFFFFE000  }
0x46: {  	[spmem:s21] =	stream.linear.scatter [tilespmem:s25], [sflag:$0x5], $0x2000, $0x38;
	[tilespmem:$0x1E800] =	vst v63  }
0x47: {  	_ =	swait.ge [sflag:s26], $0x2000  }
0x48: {  	[sflag:s26] =	ssyncset.done $0x0  }
0x49: {  	[sflag:s26] =	ssyncadd.s32 $0xFFFFE000  }
0x4a: {  	[spmem:s22] =	stream.linear.scatter [tilespmem:s25], [sflag:$0x5], $0x2000, $0x38;
	[tilespmem:$0x1E800] =	vst v63  }
0x4b: {  	_ =	swait.ge [sflag:s26], $0x2000  }
0x4c: {  	[sflag:s26] =	ssyncset.done $0x0  }
0x4d: {  	[sflag:s26] =	ssyncadd.s32 $0xFFFFE000  }
0x4e: {  	[spmem:s23] =	stream.linear.scatter [tilespmem:s25], [sflag:$0x5], $0x2000, $0x38;
	[tilespmem:$0x1E800] =	vst v63  }
0x4f: {  	_ =	swait.ge [sflag:s26], $0x2000  }
0x50: {  	[sflag:s26] =	ssyncset.done $0x0  }
0x51: {  	[sflag:s26] =	ssyncadd.s32 $0xFFFFE000  }
0x52: {  	[spmem:s24] =	stream.linear.scatter [tilespmem:s25], [sflag:$0x5], $0x2000, $0x38;
	[tilespmem:$0x1E800] =	vst v63  }
0x53: {  	_ =	swait.ge [sflag:s26], $0x2000  }
0x54: {  	[sflag:s26] =	ssyncset.done $0x0  }
0x55: {  	s16 =	simm.s32 $0x0;
	s17 =	rddreg [dreg:$0x5];
	[sflag:s26] =	ssyncadd.s32 $0xFFFFE000  }
0x56: {  	[tilespmem:s16], [sflag:$0x5] =	stream.linear.gather [hbm4b:s17+s16], $0x1400, $0x38;
	[tilespmem:$0x1E800] =	vst v63  }
0x57: {  	_ =	swait.ge [sflag:s26], $0x1400  }
0x58: {  	[sflag:s26] =	ssyncset.done $0x0  }
0x59: {  	s18 =	rddreg [dreg:$0x6];
	[sflag:s26] =	ssyncadd.s32 $0xFFFFEC00  }
0x5a: {  	[tilespmem:s28], [sflag:$0x5] =	stream.linear.gather [hbm4b:s18+s16], $0x1400, $0x38;
	[tilespmem:$0x1E800] =	vst v63  }
0x5b: {  	_ =	swait.ge [sflag:s26], $0x1400  }
0x5c: {  	[sflag:s26] =	ssyncset.done $0x0  }
0x5d: {  	[sflag:s26] =	ssyncadd.s32 $0xFFFFEC00  }
0x5e: {  	[bflag:$0x0] =	sbarrier.arrive $0xFFFF  }
0x5f: {  	[tilespmem:s25], [sflag:$0x1] =	stream.indirect.gather [hbm4b:s2+s29], $0x80, s16, s29, $0xb8;
	[tilespmem:$0x1E800] =	vst v63  }
0x60: {  	_ = 	snop  }
0x61: {  	[tilespmem:s31], [sflag:$0x2] =	stream.indirect.gather [hbm4b:s2+s29], $0x80, s30, s29, $0xb8;
	[tilespmem:$0x1E800] =	vst v63  }
0x62: {  	_ = 	snop  }
0x63: {  	[tilespmem:s1], [sflag:$0x3] =	stream.indirect.gather [hbm4b:s2+s29], $0x80, s0, s29, $0xb8;
	[tilespmem:$0x1E800] =	vst v63  }
0x64: {  	_ =	swait.ge [sflag:s6], $0x2000  }
0x65: {  	[sflag:s6] =	ssyncset.done $0x0  }
0x66: {  	s17 =	simm.s32 $0x180;
	[sflag:s6] =	ssyncadd.s32 $0xFFFFE000  }
0x67: {  	[tilespmem:s7], [sflag:$0x4] =	stream.indirect.gather [hbm4b:s2+s29], $0x80, s17, s29, $0xb8;
	[tilespmem:$0x1E800] =	vst v63  }
0x68: {  	s18 =	simm.s32 $0x1400  }
0x69: {  	[spmem:s3] =	stream.indirect.scatter.add.f32 [tilespmem:s25], [sflag:$0x5], $0x80, s18, s29, $0xb8;
	[tilespmem:$0x1E800] =	vst v63  }
0x6a: {  	_ =	swait.ge [sflag:s26], $0x2000  }
0x6b: {  	[sflag:s26] =	ssyncset.done $0x0  }
0x6c: {  	[sflag:s26] =	ssyncadd.s32 $0xFFFFE000  }
0x6d: {  	_ =	swait.ge [sflag:s8], $0x2000  }
0x6e: {  	[sflag:s8] =	ssyncset.done $0x0  }
0x6f: {  	s17 =	simm.s32 $0x200;
	[sflag:s8] =	ssyncadd.s32 $0xFFFFE000  }
0x70: {  	[tilespmem:s25], [sflag:$0x1] =	stream.indirect.gather [hbm4b:s2+s29], $0x80, s17, s29, $0xb8;
	[tilespmem:$0x1E800] =	vst v63  }
0x71: {  	s18 =	simm.s32 $0x1480  }
0x72: {  	[spmem:s3] =	stream.indirect.scatter.add.f32 [tilespmem:s31], [sflag:$0x5], $0x80, s18, s29, $0xb8;
	[tilespmem:$0x1E800] =	vst v63  }
0x73: {  	_ =	swait.ge [sflag:s26], $0x2000  }
0x74: {  	[sflag:s26] =	ssyncset.done $0x0  }
0x75: {  	[sflag:s26] =	ssyncadd.s32 $0xFFFFE000  }
0x76: {  	_ =	swait.ge [sflag:s9], $0x2000  }
0x77: {  	[sflag:s9] =	ssyncset.done $0x0  }
0x78: {  	s17 =	simm.s32 $0x280;
	[sflag:s9] =	ssyncadd.s32 $0xFFFFE000  }
0x79: {  	[tilespmem:s31], [sflag:$0x2] =	stream.indirect.gather [hbm4b:s2+s29], $0x80, s17, s29, $0xb8;
	[tilespmem:$0x1E800] =	vst v63  }
0x7a: {  	s18 =	simm.s32 $0x1500  }
0x7b: {  	[spmem:s3] =	stream.indirect.scatter.add.f32 [tilespmem:s1], [sflag:$0x5], $0x80, s18, s29, $0xb8;
	[tilespmem:$0x1E800] =	vst v63  }
0x7c: {  	_ =	swait.ge [sflag:s26], $0x2000  }
0x7d: {  	[sflag:s26] =	ssyncset.done $0x0  }
0x7e: {  	[sflag:s26] =	ssyncadd.s32 $0xFFFFE000  }
0x7f: {  	_ =	swait.ge [sflag:s10], $0x2000  }
0x80: {  	[sflag:s10] =	ssyncset.done $0x0  }
0x81: {  	s17 =	simm.s32 $0x300;
	[sflag:s10] =	ssyncadd.s32 $0xFFFFE000  }
0x82: {  	[tilespmem:s1], [sflag:$0x3] =	stream.indirect.gather [hbm4b:s2+s29], $0x80, s17, s29, $0xb8;
	[tilespmem:$0x1E800] =	vst v63  }
0x83: {  	s18 =	simm.s32 $0x1580  }
0x84: {  	[spmem:s3] =	stream.indirect.scatter.add.f32 [tilespmem:s7], [sflag:$0x5], $0x80, s18, s29, $0xb8;
	[tilespmem:$0x1E800] =	vst v63  }
0x85: {  	_ =	swait.ge [sflag:s26], $0x2000  }
0x86: {  	s16 =	simm.s32 $0x800;
	[sflag:s26] =	ssyncset.done $0x0  }
.LBB2_4:
0x87: {  	p0 =	sne.s32 s16, $0x4000  }
0x88: {  	[sflag:s26] =	ssyncadd.s32 $0xFFFFE000;
	s17 =	smov.u32 s16;
	s16 =	sadd.s32 $0x800, s16  }
0x89: {  	_ = 	snop  }
0x8a: {  	_ =	swait.ge [sflag:s6], $0x2000  }
0x8b: {  	s17 =	sshra.s32 s17, $0x2;
	[sflag:s6] =	ssyncset.done $0x0  }
0x8c: {  	s18 =	sadd.s32 $0x180, s17;
	[sflag:s6] =	ssyncadd.s32 $0xFFFFE000  }
0x8d: {  	[tilespmem:s7], [sflag:$0x4] =	stream.indirect.gather [hbm4b:s2+s29], $0x80, s18, s29, $0xb8;
	[tilespmem:$0x1E800] =	vst v63  }
0x8e: {  	s18 =	sadd.s32 $0x1400, s17  }
0x8f: {  	[spmem:s3] =	stream.indirect.scatter.add.f32 [tilespmem:s25], [sflag:$0x5], $0x80, s18, s29, $0xb8;
	[tilespmem:$0x1E800] =	vst v63  }
0x90: {  	_ =	swait.ge [sflag:s26], $0x2000  }
0x91: {  	[sflag:s26] =	ssyncset.done $0x0  }
0x92: {  	[sflag:s26] =	ssyncadd.s32 $0xFFFFE000  }
0x93: {  	_ =	swait.ge [sflag:s8], $0x2000  }
0x94: {  	[sflag:s8] =	ssyncset.done $0x0  }
0x95: {  	s18 =	sadd.s32 $0x200, s17;
	[sflag:s8] =	ssyncadd.s32 $0xFFFFE000  }
0x96: {  	[tilespmem:s25], [sflag:$0x1] =	stream.indirect.gather [hbm4b:s2+s29], $0x80, s18, s29, $0xb8;
	[tilespmem:$0x1E800] =	vst v63  }
0x97: {  	s18 =	sadd.s32 $0x1480, s17  }
0x98: {  	[spmem:s3] =	stream.indirect.scatter.add.f32 [tilespmem:s31], [sflag:$0x5], $0x80, s18, s29, $0xb8;
	[tilespmem:$0x1E800] =	vst v63  }
0x99: {  	_ =	swait.ge [sflag:s26], $0x2000  }
0x9a: {  	[sflag:s26] =	ssyncset.done $0x0  }
0x9b: {  	[sflag:s26] =	ssyncadd.s32 $0xFFFFE000  }
0x9c: {  	_ =	swait.ge [sflag:s9], $0x2000  }
0x9d: {  	[sflag:s9] =	ssyncset.done $0x0  }
0x9e: {  	s18 =	sadd.s32 $0x280, s17;
	[sflag:s9] =	ssyncadd.s32 $0xFFFFE000  }
0x9f: {  	[tilespmem:s31], [sflag:$0x2] =	stream.indirect.gather [hbm4b:s2+s29], $0x80, s18, s29, $0xb8;
	[tilespmem:$0x1E800] =	vst v63  }
0xa0: {  	s18 =	sadd.s32 $0x1500, s17  }
0xa1: {  	[spmem:s3] =	stream.indirect.scatter.add.f32 [tilespmem:s1], [sflag:$0x5], $0x80, s18, s29, $0xb8;
	[tilespmem:$0x1E800] =	vst v63  }
0xa2: {  	_ =	swait.ge [sflag:s26], $0x2000  }
0xa3: {  	[sflag:s26] =	ssyncset.done $0x0  }
0xa4: {  	[sflag:s26] =	ssyncadd.s32 $0xFFFFE000  }
0xa5: {  	_ =	swait.ge [sflag:s10], $0x2000  }
0xa6: {  	[sflag:s10] =	ssyncset.done $0x0  }
0xa7: {  	s18 =	sadd.s32 $0x300, s17;
	[sflag:s10] =	ssyncadd.s32 $0xFFFFE000  }
0xa8: {  	[tilespmem:s1], [sflag:$0x3] =	stream.indirect.gather [hbm4b:s2+s29], $0x80, s18, s29, $0xb8;
	[tilespmem:$0x1E800] =	vst v63  }
.Ltmp1:
0xa9: {  	_ = 	snop;
	(pc) =	sbr.rel @p0 .LBB2_4-.Ltmp1, $4  }
0xaa: {  	s17 =	sadd.s32 $0x1580, s17  }
0xab: {  	[spmem:s3] =	stream.indirect.scatter.add.f32 [tilespmem:s7], [sflag:$0x5], $0x80, s17, s29, $0xb8;
	[tilespmem:$0x1E800] =	vst v63  }
0xac: {  	_ =	swait.ge [sflag:s26], $0x2000  }
0xad: {  	[sflag:s26] =	ssyncset.done $0x0  }
0xae: {  	[sflag:s26] =	ssyncadd.s32 $0xFFFFE000  }
0xaf: {  	_ =	swait.ge [sflag:s6], $0x2000  }
0xb0: {  	[sflag:s6] =	ssyncset.done $0x0  }
0xb1: {  	[sflag:s6] =	ssyncadd.s32 $0xFFFFE000  }
0xb2: {  	[tilespmem:s7], [sflag:$0x4] =	stream.indirect.gather [hbm4b:s2+s29], $0x80, s11, s29, $0xb8;
	[tilespmem:$0x1E800] =	vst v63  }
0xb3: {  	_ = 	snop  }
0xb4: {  	[spmem:s3] =	stream.indirect.scatter.add.f32 [tilespmem:s25], [sflag:$0x5], $0x80, s12, s29, $0xb8;
	[tilespmem:$0x1E800] =	vst v63  }
0xb5: {  	_ =	swait.ge [sflag:s26], $0x2000  }
0xb6: {  	[sflag:s26] =	ssyncset.done $0x0  }
0xb7: {  	[sflag:s26] =	ssyncadd.s32 $0xFFFFE000  }
0xb8: {  	_ =	swait.ge [sflag:s8], $0x2000  }
0xb9: {  	[sflag:s8] =	ssyncset.done $0x0  }
0xba: {  	[sflag:s8] =	ssyncadd.s32 $0xFFFFE000  }
0xbb: {  	[spmem:s3] =	stream.indirect.scatter.add.f32 [tilespmem:s31], [sflag:$0x5], $0x80, s13, s29, $0xb8;
	[tilespmem:$0x1E800] =	vst v63  }
0xbc: {  	_ =	swait.ge [sflag:s26], $0x2000  }
0xbd: {  	[sflag:s26] =	ssyncset.done $0x0  }
0xbe: {  	[sflag:s26] =	ssyncadd.s32 $0xFFFFE000  }
0xbf: {  	_ =	swait.ge [sflag:s9], $0x2000  }
0xc0: {  	[sflag:s9] =	ssyncset.done $0x0  }
0xc1: {  	[sflag:s9] =	ssyncadd.s32 $0xFFFFE000  }
0xc2: {  	[spmem:s3] =	stream.indirect.scatter.add.f32 [tilespmem:s1], [sflag:$0x5], $0x80, s14, s29, $0xb8;
	[tilespmem:$0x1E800] =	vst v63  }
0xc3: {  	_ =	swait.ge [sflag:s26], $0x2000  }
0xc4: {  	[sflag:s26] =	ssyncset.done $0x0  }
0xc5: {  	[sflag:s26] =	ssyncadd.s32 $0xFFFFE000  }
0xc6: {  	_ =	swait.ge [sflag:s10], $0x2000  }
0xc7: {  	[sflag:s10] =	ssyncset.done $0x0  }
0xc8: {  	[sflag:s10] =	ssyncadd.s32 $0xFFFFE000  }
0xc9: {  	[spmem:s3] =	stream.indirect.scatter.add.f32 [tilespmem:s7], [sflag:$0x5], $0x80, s15, s29, $0xb8;
	[tilespmem:$0x1E800] =	vst v63  }
0xca: {  	_ =	swait.ge [sflag:s26], $0x2000  }
0xcb: {  	[sflag:s26] =	ssyncset.done $0x0  }
0xcc: {  	s16 =	simm.s32 $0x0;
	s17 =	rddreg [dreg:$0x7];
	[sflag:s26] =	ssyncadd.s32 $0xFFFFE000  }
0xcd: {  	[tilespmem:s16], [sflag:$0x5] =	stream.linear.gather [hbm4b:s17+s16], $0x1400, $0x38;
	[tilespmem:$0x1E800] =	vst v63  }
0xce: {  	_ =	swait.ge [sflag:s26], $0x1400  }
0xcf: {  	[sflag:s26] =	ssyncset.done $0x0  }
0xd0: {  	s18 =	rddreg [dreg:$0x8];
	[sflag:s26] =	ssyncadd.s32 $0xFFFFEC00  }
0xd1: {  	[tilespmem:s28], [sflag:$0x5] =	stream.linear.gather [hbm4b:s18+s16], $0x1400, $0x38;
	[tilespmem:$0x1E800] =	vst v63  }
0xd2: {  	_ =	swait.ge [sflag:s26], $0x1400  }
0xd3: {  	[sflag:s26] =	ssyncset.done $0x0  }
0xd4: {  	[sflag:s26] =	ssyncadd.s32 $0xFFFFEC00  }
0xd5: {  	[tilespmem:s25], [sflag:$0x1] =	stream.indirect.gather [hbm4b:s2+s29], $0x80, s16, s29, $0xb8;
	[tilespmem:$0x1E800] =	vst v63  }
0xd6: {  	_ = 	snop  }
0xd7: {  	[tilespmem:s31], [sflag:$0x2] =	stream.indirect.gather [hbm4b:s2+s29], $0x80, s30, s29, $0xb8;
	[tilespmem:$0x1E800] =	vst v63  }
0xd8: {  	_ = 	snop  }
0xd9: {  	[tilespmem:s1], [sflag:$0x3] =	stream.indirect.gather [hbm4b:s2+s29], $0x80, s0, s29, $0xb8;
	[tilespmem:$0x1E800] =	vst v63  }
0xda: {  	_ =	swait.ge [sflag:s6], $0x2000  }
0xdb: {  	[sflag:s6] =	ssyncset.done $0x0  }
0xdc: {  	s17 =	simm.s32 $0x180;
	[sflag:s6] =	ssyncadd.s32 $0xFFFFE000  }
0xdd: {  	[tilespmem:s7], [sflag:$0x4] =	stream.indirect.gather [hbm4b:s2+s29], $0x80, s17, s29, $0xb8;
	[tilespmem:$0x1E800] =	vst v63  }
0xde: {  	s18 =	simm.s32 $0x1400  }
0xdf: {  	[spmem:s3] =	stream.indirect.scatter.add.f32 [tilespmem:s25], [sflag:$0x5], $0x80, s18, s29, $0xb8;
	[tilespmem:$0x1E800] =	vst v63  }
0xe0: {  	_ =	swait.ge [sflag:s26], $0x2000  }
0xe1: {  	[sflag:s26] =	ssyncset.done $0x0  }
0xe2: {  	[sflag:s26] =	ssyncadd.s32 $0xFFFFE000  }
0xe3: {  	_ =	swait.ge [sflag:s8], $0x2000  }
0xe4: {  	[sflag:s8] =	ssyncset.done $0x0  }
0xe5: {  	s17 =	simm.s32 $0x200;
	[sflag:s8] =	ssyncadd.s32 $0xFFFFE000  }
0xe6: {  	[tilespmem:s25], [sflag:$0x1] =	stream.indirect.gather [hbm4b:s2+s29], $0x80, s17, s29, $0xb8;
	[tilespmem:$0x1E800] =	vst v63  }
0xe7: {  	s18 =	simm.s32 $0x1480  }
0xe8: {  	[spmem:s3] =	stream.indirect.scatter.add.f32 [tilespmem:s31], [sflag:$0x5], $0x80, s18, s29, $0xb8;
	[tilespmem:$0x1E800] =	vst v63  }
0xe9: {  	_ =	swait.ge [sflag:s26], $0x2000  }
0xea: {  	[sflag:s26] =	ssyncset.done $0x0  }
0xeb: {  	[sflag:s26] =	ssyncadd.s32 $0xFFFFE000  }
0xec: {  	_ =	swait.ge [sflag:s9], $0x2000  }
0xed: {  	[sflag:s9] =	ssyncset.done $0x0  }
0xee: {  	s17 =	simm.s32 $0x280;
	[sflag:s9] =	ssyncadd.s32 $0xFFFFE000  }
0xef: {  	[tilespmem:s31], [sflag:$0x2] =	stream.indirect.gather [hbm4b:s2+s29], $0x80, s17, s29, $0xb8;
	[tilespmem:$0x1E800] =	vst v63  }
0xf0: {  	s18 =	simm.s32 $0x1500  }
0xf1: {  	[spmem:s3] =	stream.indirect.scatter.add.f32 [tilespmem:s1], [sflag:$0x5], $0x80, s18, s29, $0xb8;
	[tilespmem:$0x1E800] =	vst v63  }
0xf2: {  	_ =	swait.ge [sflag:s26], $0x2000  }
0xf3: {  	[sflag:s26] =	ssyncset.done $0x0  }
0xf4: {  	[sflag:s26] =	ssyncadd.s32 $0xFFFFE000  }
0xf5: {  	_ =	swait.ge [sflag:s10], $0x2000  }
0xf6: {  	[sflag:s10] =	ssyncset.done $0x0  }
0xf7: {  	s17 =	simm.s32 $0x300;
	[sflag:s10] =	ssyncadd.s32 $0xFFFFE000  }
0xf8: {  	[tilespmem:s1], [sflag:$0x3] =	stream.indirect.gather [hbm4b:s2+s29], $0x80, s17, s29, $0xb8;
	[tilespmem:$0x1E800] =	vst v63  }
0xf9: {  	s18 =	simm.s32 $0x1580  }
0xfa: {  	[spmem:s3] =	stream.indirect.scatter.add.f32 [tilespmem:s7], [sflag:$0x5], $0x80, s18, s29, $0xb8;
	[tilespmem:$0x1E800] =	vst v63  }
0xfb: {  	_ =	swait.ge [sflag:s26], $0x2000  }
0xfc: {  	s16 =	simm.s32 $0x800;
	[sflag:s26] =	ssyncset.done $0x0  }
.LBB2_6:
0xfd: {  	p0 =	sne.s32 s16, $0x4000  }
0xfe: {  	[sflag:s26] =	ssyncadd.s32 $0xFFFFE000;
	s17 =	smov.u32 s16;
	s16 =	sadd.s32 $0x800, s16  }
0xff: {  	_ = 	snop  }
0x100: {  	_ =	swait.ge [sflag:s6], $0x2000  }
0x101: {  	s17 =	sshra.s32 s17, $0x2;
	[sflag:s6] =	ssyncset.done $0x0  }
0x102: {  	s18 =	sadd.s32 $0x180, s17;
	[sflag:s6] =	ssyncadd.s32 $0xFFFFE000  }
0x103: {  	[tilespmem:s7], [sflag:$0x4] =	stream.indirect.gather [hbm4b:s2+s29], $0x80, s18, s29, $0xb8;
	[tilespmem:$0x1E800] =	vst v63  }
0x104: {  	s18 =	sadd.s32 $0x1400, s17  }
0x105: {  	[spmem:s3] =	stream.indirect.scatter.add.f32 [tilespmem:s25], [sflag:$0x5], $0x80, s18, s29, $0xb8;
	[tilespmem:$0x1E800] =	vst v63  }
0x106: {  	_ =	swait.ge [sflag:s26], $0x2000  }
0x107: {  	[sflag:s26] =	ssyncset.done $0x0  }
0x108: {  	[sflag:s26] =	ssyncadd.s32 $0xFFFFE000  }
0x109: {  	_ =	swait.ge [sflag:s8], $0x2000  }
0x10a: {  	[sflag:s8] =	ssyncset.done $0x0  }
0x10b: {  	s18 =	sadd.s32 $0x200, s17;
	[sflag:s8] =	ssyncadd.s32 $0xFFFFE000  }
0x10c: {  	[tilespmem:s25], [sflag:$0x1] =	stream.indirect.gather [hbm4b:s2+s29], $0x80, s18, s29, $0xb8;
	[tilespmem:$0x1E800] =	vst v63  }
0x10d: {  	s18 =	sadd.s32 $0x1480, s17  }
0x10e: {  	[spmem:s3] =	stream.indirect.scatter.add.f32 [tilespmem:s31], [sflag:$0x5], $0x80, s18, s29, $0xb8;
	[tilespmem:$0x1E800] =	vst v63  }
0x10f: {  	_ =	swait.ge [sflag:s26], $0x2000  }
0x110: {  	[sflag:s26] =	ssyncset.done $0x0  }
0x111: {  	[sflag:s26] =	ssyncadd.s32 $0xFFFFE000  }
0x112: {  	_ =	swait.ge [sflag:s9], $0x2000  }
0x113: {  	[sflag:s9] =	ssyncset.done $0x0  }
0x114: {  	s18 =	sadd.s32 $0x280, s17;
	[sflag:s9] =	ssyncadd.s32 $0xFFFFE000  }
0x115: {  	[tilespmem:s31], [sflag:$0x2] =	stream.indirect.gather [hbm4b:s2+s29], $0x80, s18, s29, $0xb8;
	[tilespmem:$0x1E800] =	vst v63  }
0x116: {  	s18 =	sadd.s32 $0x1500, s17  }
0x117: {  	[spmem:s3] =	stream.indirect.scatter.add.f32 [tilespmem:s1], [sflag:$0x5], $0x80, s18, s29, $0xb8;
	[tilespmem:$0x1E800] =	vst v63  }
0x118: {  	_ =	swait.ge [sflag:s26], $0x2000  }
0x119: {  	[sflag:s26] =	ssyncset.done $0x0  }
0x11a: {  	[sflag:s26] =	ssyncadd.s32 $0xFFFFE000  }
0x11b: {  	_ =	swait.ge [sflag:s10], $0x2000  }
0x11c: {  	[sflag:s10] =	ssyncset.done $0x0  }
0x11d: {  	s18 =	sadd.s32 $0x300, s17;
	[sflag:s10] =	ssyncadd.s32 $0xFFFFE000  }
0x11e: {  	[tilespmem:s1], [sflag:$0x3] =	stream.indirect.gather [hbm4b:s2+s29], $0x80, s18, s29, $0xb8;
	[tilespmem:$0x1E800] =	vst v63  }
.Ltmp2:
0x11f: {  	_ = 	snop;
	(pc) =	sbr.rel @p0 .LBB2_6-.Ltmp2, $4  }
0x120: {  	s17 =	sadd.s32 $0x1580, s17  }
0x121: {  	[spmem:s3] =	stream.indirect.scatter.add.f32 [tilespmem:s7], [sflag:$0x5], $0x80, s17, s29, $0xb8;
	[tilespmem:$0x1E800] =	vst v63  }
0x122: {  	_ =	swait.ge [sflag:s26], $0x2000  }
0x123: {  	[sflag:s26] =	ssyncset.done $0x0  }
0x124: {  	[sflag:s26] =	ssyncadd.s32 $0xFFFFE000  }
0x125: {  	_ =	swait.ge [sflag:s6], $0x2000  }
0x126: {  	[sflag:s6] =	ssyncset.done $0x0  }
0x127: {  	[sflag:s6] =	ssyncadd.s32 $0xFFFFE000  }
0x128: {  	[tilespmem:s7], [sflag:$0x4] =	stream.indirect.gather [hbm4b:s2+s29], $0x80, s11, s29, $0xb8;
	[tilespmem:$0x1E800] =	vst v63  }
0x129: {  	_ = 	snop  }
0x12a: {  	[spmem:s3] =	stream.indirect.scatter.add.f32 [tilespmem:s25], [sflag:$0x5], $0x80, s12, s29, $0xb8;
	[tilespmem:$0x1E800] =	vst v63  }
0x12b: {  	_ =	swait.ge [sflag:s26], $0x2000  }
0x12c: {  	[sflag:s26] =	ssyncset.done $0x0  }
0x12d: {  	[sflag:s26] =	ssyncadd.s32 $0xFFFFE000  }
0x12e: {  	_ =	swait.ge [sflag:s8], $0x2000  }
0x12f: {  	[sflag:s8] =	ssyncset.done $0x0  }
0x130: {  	[sflag:s8] =	ssyncadd.s32 $0xFFFFE000  }
0x131: {  	[spmem:s3] =	stream.indirect.scatter.add.f32 [tilespmem:s31], [sflag:$0x5], $0x80, s13, s29, $0xb8;
	[tilespmem:$0x1E800] =	vst v63  }
0x132: {  	_ =	swait.ge [sflag:s26], $0x2000  }
0x133: {  	[sflag:s26] =	ssyncset.done $0x0  }
0x134: {  	[sflag:s26] =	ssyncadd.s32 $0xFFFFE000  }
0x135: {  	_ =	swait.ge [sflag:s9], $0x2000  }
0x136: {  	[sflag:s9] =	ssyncset.done $0x0  }
0x137: {  	[sflag:s9] =	ssyncadd.s32 $0xFFFFE000  }
0x138: {  	[spmem:s3] =	stream.indirect.scatter.add.f32 [tilespmem:s1], [sflag:$0x5], $0x80, s14, s29, $0xb8;
	[tilespmem:$0x1E800] =	vst v63  }
0x139: {  	_ =	swait.ge [sflag:s26], $0x2000  }
0x13a: {  	[sflag:s26] =	ssyncset.done $0x0  }
0x13b: {  	[sflag:s26] =	ssyncadd.s32 $0xFFFFE000  }
0x13c: {  	_ =	swait.ge [sflag:s10], $0x2000  }
0x13d: {  	[sflag:s10] =	ssyncset.done $0x0  }
0x13e: {  	[sflag:s10] =	ssyncadd.s32 $0xFFFFE000  }
0x13f: {  	[spmem:s3] =	stream.indirect.scatter.add.f32 [tilespmem:s7], [sflag:$0x5], $0x80, s15, s29, $0xb8;
	[tilespmem:$0x1E800] =	vst v63  }
0x140: {  	_ =	swait.ge [sflag:s26], $0x2000  }
0x141: {  	[sflag:s26] =	ssyncset.done $0x0  }
0x142: {  	s16 =	simm.s32 $0x0;
	s17 =	rddreg [dreg:$0x9];
	[sflag:s26] =	ssyncadd.s32 $0xFFFFE000  }
0x143: {  	[tilespmem:s16], [sflag:$0x5] =	stream.linear.gather [hbm4b:s17+s16], $0x1400, $0x38;
	[tilespmem:$0x1E800] =	vst v63  }
0x144: {  	_ =	swait.ge [sflag:s26], $0x1400  }
0x145: {  	[sflag:s26] =	ssyncset.done $0x0  }
0x146: {  	s18 =	rddreg [dreg:$0xa];
	[sflag:s26] =	ssyncadd.s32 $0xFFFFEC00  }
0x147: {  	[tilespmem:s28], [sflag:$0x5] =	stream.linear.gather [hbm4b:s18+s16], $0x1400, $0x38;
	[tilespmem:$0x1E800] =	vst v63  }
0x148: {  	_ =	swait.ge [sflag:s26], $0x1400  }
0x149: {  	[sflag:s26] =	ssyncset.done $0x0  }
0x14a: {  	[sflag:s26] =	ssyncadd.s32 $0xFFFFEC00  }
0x14b: {  	[tilespmem:s25], [sflag:$0x1] =	stream.indirect.gather [hbm4b:s2+s29], $0x80, s16, s29, $0xb8;
	[tilespmem:$0x1E800] =	vst v63  }
0x14c: {  	_ = 	snop  }
0x14d: {  	[tilespmem:s31], [sflag:$0x2] =	stream.indirect.gather [hbm4b:s2+s29], $0x80, s30, s29, $0xb8;
	[tilespmem:$0x1E800] =	vst v63  }
0x14e: {  	_ = 	snop  }
0x14f: {  	[tilespmem:s1], [sflag:$0x3] =	stream.indirect.gather [hbm4b:s2+s29], $0x80, s0, s29, $0xb8;
	[tilespmem:$0x1E800] =	vst v63  }
0x150: {  	_ =	swait.ge [sflag:s6], $0x2000  }
0x151: {  	[sflag:s6] =	ssyncset.done $0x0  }
0x152: {  	s17 =	simm.s32 $0x180;
	[sflag:s6] =	ssyncadd.s32 $0xFFFFE000  }
0x153: {  	[tilespmem:s7], [sflag:$0x4] =	stream.indirect.gather [hbm4b:s2+s29], $0x80, s17, s29, $0xb8;
	[tilespmem:$0x1E800] =	vst v63  }
0x154: {  	s18 =	simm.s32 $0x1400  }
0x155: {  	[spmem:s3] =	stream.indirect.scatter.add.f32 [tilespmem:s25], [sflag:$0x5], $0x80, s18, s29, $0xb8;
	[tilespmem:$0x1E800] =	vst v63  }
0x156: {  	_ =	swait.ge [sflag:s26], $0x2000  }
0x157: {  	[sflag:s26] =	ssyncset.done $0x0  }
0x158: {  	[sflag:s26] =	ssyncadd.s32 $0xFFFFE000  }
0x159: {  	_ =	swait.ge [sflag:s8], $0x2000  }
0x15a: {  	[sflag:s8] =	ssyncset.done $0x0  }
0x15b: {  	s17 =	simm.s32 $0x200;
	[sflag:s8] =	ssyncadd.s32 $0xFFFFE000  }
0x15c: {  	[tilespmem:s25], [sflag:$0x1] =	stream.indirect.gather [hbm4b:s2+s29], $0x80, s17, s29, $0xb8;
	[tilespmem:$0x1E800] =	vst v63  }
0x15d: {  	s18 =	simm.s32 $0x1480  }
0x15e: {  	[spmem:s3] =	stream.indirect.scatter.add.f32 [tilespmem:s31], [sflag:$0x5], $0x80, s18, s29, $0xb8;
	[tilespmem:$0x1E800] =	vst v63  }
0x15f: {  	_ =	swait.ge [sflag:s26], $0x2000  }
0x160: {  	[sflag:s26] =	ssyncset.done $0x0  }
0x161: {  	[sflag:s26] =	ssyncadd.s32 $0xFFFFE000  }
0x162: {  	_ =	swait.ge [sflag:s9], $0x2000  }
0x163: {  	[sflag:s9] =	ssyncset.done $0x0  }
0x164: {  	s17 =	simm.s32 $0x280;
	[sflag:s9] =	ssyncadd.s32 $0xFFFFE000  }
0x165: {  	[tilespmem:s31], [sflag:$0x2] =	stream.indirect.gather [hbm4b:s2+s29], $0x80, s17, s29, $0xb8;
	[tilespmem:$0x1E800] =	vst v63  }
0x166: {  	s18 =	simm.s32 $0x1500  }
0x167: {  	[spmem:s3] =	stream.indirect.scatter.add.f32 [tilespmem:s1], [sflag:$0x5], $0x80, s18, s29, $0xb8;
	[tilespmem:$0x1E800] =	vst v63  }
0x168: {  	_ =	swait.ge [sflag:s26], $0x2000  }
0x169: {  	[sflag:s26] =	ssyncset.done $0x0  }
0x16a: {  	[sflag:s26] =	ssyncadd.s32 $0xFFFFE000  }
0x16b: {  	_ =	swait.ge [sflag:s10], $0x2000  }
0x16c: {  	[sflag:s10] =	ssyncset.done $0x0  }
0x16d: {  	s17 =	simm.s32 $0x300;
	[sflag:s10] =	ssyncadd.s32 $0xFFFFE000  }
0x16e: {  	[tilespmem:s1], [sflag:$0x3] =	stream.indirect.gather [hbm4b:s2+s29], $0x80, s17, s29, $0xb8;
	[tilespmem:$0x1E800] =	vst v63  }
0x16f: {  	s18 =	simm.s32 $0x1580  }
0x170: {  	[spmem:s3] =	stream.indirect.scatter.add.f32 [tilespmem:s7], [sflag:$0x5], $0x80, s18, s29, $0xb8;
	[tilespmem:$0x1E800] =	vst v63  }
0x171: {  	_ =	swait.ge [sflag:s26], $0x2000  }
0x172: {  	s16 =	simm.s32 $0x800;
	[sflag:s26] =	ssyncset.done $0x0  }
.LBB2_8:
0x173: {  	p0 =	sne.s32 s16, $0x4000  }
0x174: {  	[sflag:s26] =	ssyncadd.s32 $0xFFFFE000;
	s17 =	smov.u32 s16;
	s16 =	sadd.s32 $0x800, s16  }
0x175: {  	_ = 	snop  }
0x176: {  	_ =	swait.ge [sflag:s6], $0x2000  }
0x177: {  	s17 =	sshra.s32 s17, $0x2;
	[sflag:s6] =	ssyncset.done $0x0  }
0x178: {  	s18 =	sadd.s32 $0x180, s17;
	[sflag:s6] =	ssyncadd.s32 $0xFFFFE000  }
0x179: {  	[tilespmem:s7], [sflag:$0x4] =	stream.indirect.gather [hbm4b:s2+s29], $0x80, s18, s29, $0xb8;
	[tilespmem:$0x1E800] =	vst v63  }
0x17a: {  	s18 =	sadd.s32 $0x1400, s17  }
0x17b: {  	[spmem:s3] =	stream.indirect.scatter.add.f32 [tilespmem:s25], [sflag:$0x5], $0x80, s18, s29, $0xb8;
	[tilespmem:$0x1E800] =	vst v63  }
0x17c: {  	_ =	swait.ge [sflag:s26], $0x2000  }
0x17d: {  	[sflag:s26] =	ssyncset.done $0x0  }
0x17e: {  	[sflag:s26] =	ssyncadd.s32 $0xFFFFE000  }
0x17f: {  	_ =	swait.ge [sflag:s8], $0x2000  }
0x180: {  	[sflag:s8] =	ssyncset.done $0x0  }
0x181: {  	s18 =	sadd.s32 $0x200, s17;
	[sflag:s8] =	ssyncadd.s32 $0xFFFFE000  }
0x182: {  	[tilespmem:s25], [sflag:$0x1] =	stream.indirect.gather [hbm4b:s2+s29], $0x80, s18, s29, $0xb8;
	[tilespmem:$0x1E800] =	vst v63  }
0x183: {  	s18 =	sadd.s32 $0x1480, s17  }
0x184: {  	[spmem:s3] =	stream.indirect.scatter.add.f32 [tilespmem:s31], [sflag:$0x5], $0x80, s18, s29, $0xb8;
	[tilespmem:$0x1E800] =	vst v63  }
0x185: {  	_ =	swait.ge [sflag:s26], $0x2000  }
0x186: {  	[sflag:s26] =	ssyncset.done $0x0  }
0x187: {  	[sflag:s26] =	ssyncadd.s32 $0xFFFFE000  }
0x188: {  	_ =	swait.ge [sflag:s9], $0x2000  }
0x189: {  	[sflag:s9] =	ssyncset.done $0x0  }
0x18a: {  	s18 =	sadd.s32 $0x280, s17;
	[sflag:s9] =	ssyncadd.s32 $0xFFFFE000  }
0x18b: {  	[tilespmem:s31], [sflag:$0x2] =	stream.indirect.gather [hbm4b:s2+s29], $0x80, s18, s29, $0xb8;
	[tilespmem:$0x1E800] =	vst v63  }
0x18c: {  	s18 =	sadd.s32 $0x1500, s17  }
0x18d: {  	[spmem:s3] =	stream.indirect.scatter.add.f32 [tilespmem:s1], [sflag:$0x5], $0x80, s18, s29, $0xb8;
	[tilespmem:$0x1E800] =	vst v63  }
0x18e: {  	_ =	swait.ge [sflag:s26], $0x2000  }
0x18f: {  	[sflag:s26] =	ssyncset.done $0x0  }
0x190: {  	[sflag:s26] =	ssyncadd.s32 $0xFFFFE000  }
0x191: {  	_ =	swait.ge [sflag:s10], $0x2000  }
0x192: {  	[sflag:s10] =	ssyncset.done $0x0  }
0x193: {  	s18 =	sadd.s32 $0x300, s17;
	[sflag:s10] =	ssyncadd.s32 $0xFFFFE000  }
0x194: {  	[tilespmem:s1], [sflag:$0x3] =	stream.indirect.gather [hbm4b:s2+s29], $0x80, s18, s29, $0xb8;
	[tilespmem:$0x1E800] =	vst v63  }
.Ltmp3:
0x195: {  	_ = 	snop;
	(pc) =	sbr.rel @p0 .LBB2_8-.Ltmp3, $4  }
0x196: {  	s17 =	sadd.s32 $0x1580, s17  }
0x197: {  	[spmem:s3] =	stream.indirect.scatter.add.f32 [tilespmem:s7], [sflag:$0x5], $0x80, s17, s29, $0xb8;
	[tilespmem:$0x1E800] =	vst v63  }
0x198: {  	_ =	swait.ge [sflag:s26], $0x2000  }
0x199: {  	[sflag:s26] =	ssyncset.done $0x0  }
0x19a: {  	[sflag:s26] =	ssyncadd.s32 $0xFFFFE000  }
0x19b: {  	_ =	swait.ge [sflag:s6], $0x2000  }
0x19c: {  	[sflag:s6] =	ssyncset.done $0x0  }
0x19d: {  	[sflag:s6] =	ssyncadd.s32 $0xFFFFE000  }
0x19e: {  	[tilespmem:s7], [sflag:$0x4] =	stream.indirect.gather [hbm4b:s2+s29], $0x80, s11, s29, $0xb8;
	[tilespmem:$0x1E800] =	vst v63  }
0x19f: {  	_ = 	snop  }
0x1a0: {  	[spmem:s3] =	stream.indirect.scatter.add.f32 [tilespmem:s25], [sflag:$0x5], $0x80, s12, s29, $0xb8;
	[tilespmem:$0x1E800] =	vst v63  }
0x1a1: {  	_ =	swait.ge [sflag:s26], $0x2000  }
0x1a2: {  	[sflag:s26] =	ssyncset.done $0x0  }
0x1a3: {  	[sflag:s26] =	ssyncadd.s32 $0xFFFFE000  }
0x1a4: {  	_ =	swait.ge [sflag:s8], $0x2000  }
0x1a5: {  	[sflag:s8] =	ssyncset.done $0x0  }
0x1a6: {  	[sflag:s8] =	ssyncadd.s32 $0xFFFFE000  }
0x1a7: {  	[spmem:s3] =	stream.indirect.scatter.add.f32 [tilespmem:s31], [sflag:$0x5], $0x80, s13, s29, $0xb8;
	[tilespmem:$0x1E800] =	vst v63  }
0x1a8: {  	_ =	swait.ge [sflag:s26], $0x2000  }
0x1a9: {  	[sflag:s26] =	ssyncset.done $0x0  }
0x1aa: {  	[sflag:s26] =	ssyncadd.s32 $0xFFFFE000  }
0x1ab: {  	_ =	swait.ge [sflag:s9], $0x2000  }
0x1ac: {  	[sflag:s9] =	ssyncset.done $0x0  }
0x1ad: {  	[sflag:s9] =	ssyncadd.s32 $0xFFFFE000  }
0x1ae: {  	[spmem:s3] =	stream.indirect.scatter.add.f32 [tilespmem:s1], [sflag:$0x5], $0x80, s14, s29, $0xb8;
	[tilespmem:$0x1E800] =	vst v63  }
0x1af: {  	_ =	swait.ge [sflag:s26], $0x2000  }
0x1b0: {  	[sflag:s26] =	ssyncset.done $0x0  }
0x1b1: {  	[sflag:s26] =	ssyncadd.s32 $0xFFFFE000  }
0x1b2: {  	_ =	swait.ge [sflag:s10], $0x2000  }
0x1b3: {  	[sflag:s10] =	ssyncset.done $0x0  }
0x1b4: {  	[sflag:s10] =	ssyncadd.s32 $0xFFFFE000  }
0x1b5: {  	[spmem:s3] =	stream.indirect.scatter.add.f32 [tilespmem:s7], [sflag:$0x5], $0x80, s15, s29, $0xb8;
	[tilespmem:$0x1E800] =	vst v63  }
0x1b6: {  	_ =	swait.ge [sflag:s26], $0x2000  }
0x1b7: {  	[sflag:s26] =	ssyncset.done $0x0  }
0x1b8: {  	s16 =	simm.s32 $0x0;
	s17 =	rddreg [dreg:$0xb];
	[sflag:s26] =	ssyncadd.s32 $0xFFFFE000  }
0x1b9: {  	[tilespmem:s16], [sflag:$0x5] =	stream.linear.gather [hbm4b:s17+s16], $0x1400, $0x38;
	[tilespmem:$0x1E800] =	vst v63  }
0x1ba: {  	_ =	swait.ge [sflag:s26], $0x1400  }
0x1bb: {  	[sflag:s26] =	ssyncset.done $0x0  }
0x1bc: {  	s18 =	rddreg [dreg:$0xc];
	[sflag:s26] =	ssyncadd.s32 $0xFFFFEC00  }
0x1bd: {  	[tilespmem:s28], [sflag:$0x5] =	stream.linear.gather [hbm4b:s18+s16], $0x1400, $0x38;
	[tilespmem:$0x1E800] =	vst v63  }
0x1be: {  	_ =	swait.ge [sflag:s26], $0x1400  }
0x1bf: {  	[sflag:s26] =	ssyncset.done $0x0  }
0x1c0: {  	[sflag:s26] =	ssyncadd.s32 $0xFFFFEC00  }
0x1c1: {  	[tilespmem:s25], [sflag:$0x1] =	stream.indirect.gather [hbm4b:s2+s29], $0x80, s16, s29, $0xb8;
	[tilespmem:$0x1E800] =	vst v63  }
0x1c2: {  	_ = 	snop  }
0x1c3: {  	[tilespmem:s31], [sflag:$0x2] =	stream.indirect.gather [hbm4b:s2+s29], $0x80, s30, s29, $0xb8;
	[tilespmem:$0x1E800] =	vst v63  }
0x1c4: {  	_ = 	snop  }
0x1c5: {  	[tilespmem:s1], [sflag:$0x3] =	stream.indirect.gather [hbm4b:s2+s29], $0x80, s0, s29, $0xb8;
	[tilespmem:$0x1E800] =	vst v63  }
0x1c6: {  	_ =	swait.ge [sflag:s6], $0x2000  }
0x1c7: {  	[sflag:s6] =	ssyncset.done $0x0  }
0x1c8: {  	s17 =	simm.s32 $0x180;
	[sflag:s6] =	ssyncadd.s32 $0xFFFFE000  }
0x1c9: {  	[tilespmem:s7], [sflag:$0x4] =	stream.indirect.gather [hbm4b:s2+s29], $0x80, s17, s29, $0xb8;
	[tilespmem:$0x1E800] =	vst v63  }
0x1ca: {  	s18 =	simm.s32 $0x1400  }
0x1cb: {  	[spmem:s3] =	stream.indirect.scatter.add.f32 [tilespmem:s25], [sflag:$0x5], $0x80, s18, s29, $0xb8;
	[tilespmem:$0x1E800] =	vst v63  }
0x1cc: {  	_ =	swait.ge [sflag:s26], $0x2000  }
0x1cd: {  	[sflag:s26] =	ssyncset.done $0x0  }
0x1ce: {  	[sflag:s26] =	ssyncadd.s32 $0xFFFFE000  }
0x1cf: {  	_ =	swait.ge [sflag:s8], $0x2000  }
0x1d0: {  	[sflag:s8] =	ssyncset.done $0x0  }
0x1d1: {  	s17 =	simm.s32 $0x200;
	[sflag:s8] =	ssyncadd.s32 $0xFFFFE000  }
0x1d2: {  	[tilespmem:s25], [sflag:$0x1] =	stream.indirect.gather [hbm4b:s2+s29], $0x80, s17, s29, $0xb8;
	[tilespmem:$0x1E800] =	vst v63  }
0x1d3: {  	s18 =	simm.s32 $0x1480  }
0x1d4: {  	[spmem:s3] =	stream.indirect.scatter.add.f32 [tilespmem:s31], [sflag:$0x5], $0x80, s18, s29, $0xb8;
	[tilespmem:$0x1E800] =	vst v63  }
0x1d5: {  	_ =	swait.ge [sflag:s26], $0x2000  }
0x1d6: {  	[sflag:s26] =	ssyncset.done $0x0  }
0x1d7: {  	[sflag:s26] =	ssyncadd.s32 $0xFFFFE000  }
0x1d8: {  	_ =	swait.ge [sflag:s9], $0x2000  }
0x1d9: {  	[sflag:s9] =	ssyncset.done $0x0  }
0x1da: {  	s17 =	simm.s32 $0x280;
	[sflag:s9] =	ssyncadd.s32 $0xFFFFE000  }
0x1db: {  	[tilespmem:s31], [sflag:$0x2] =	stream.indirect.gather [hbm4b:s2+s29], $0x80, s17, s29, $0xb8;
	[tilespmem:$0x1E800] =	vst v63  }
0x1dc: {  	s18 =	simm.s32 $0x1500  }
0x1dd: {  	[spmem:s3] =	stream.indirect.scatter.add.f32 [tilespmem:s1], [sflag:$0x5], $0x80, s18, s29, $0xb8;
	[tilespmem:$0x1E800] =	vst v63  }
0x1de: {  	_ =	swait.ge [sflag:s26], $0x2000  }
0x1df: {  	[sflag:s26] =	ssyncset.done $0x0  }
0x1e0: {  	[sflag:s26] =	ssyncadd.s32 $0xFFFFE000  }
0x1e1: {  	_ =	swait.ge [sflag:s10], $0x2000  }
0x1e2: {  	[sflag:s10] =	ssyncset.done $0x0  }
0x1e3: {  	s17 =	simm.s32 $0x300;
	[sflag:s10] =	ssyncadd.s32 $0xFFFFE000  }
0x1e4: {  	[tilespmem:s1], [sflag:$0x3] =	stream.indirect.gather [hbm4b:s2+s29], $0x80, s17, s29, $0xb8;
	[tilespmem:$0x1E800] =	vst v63  }
0x1e5: {  	s18 =	simm.s32 $0x1580  }
0x1e6: {  	[spmem:s3] =	stream.indirect.scatter.add.f32 [tilespmem:s7], [sflag:$0x5], $0x80, s18, s29, $0xb8;
	[tilespmem:$0x1E800] =	vst v63  }
0x1e7: {  	_ =	swait.ge [sflag:s26], $0x2000  }
0x1e8: {  	s16 =	simm.s32 $0x800;
	[sflag:s26] =	ssyncset.done $0x0  }
.LBB2_10:
0x1e9: {  	p0 =	sne.s32 s16, $0x4000  }
0x1ea: {  	[sflag:s26] =	ssyncadd.s32 $0xFFFFE000;
	s17 =	smov.u32 s16;
	s16 =	sadd.s32 $0x800, s16  }
0x1eb: {  	_ = 	snop  }
0x1ec: {  	_ =	swait.ge [sflag:s6], $0x2000  }
0x1ed: {  	s17 =	sshra.s32 s17, $0x2;
	[sflag:s6] =	ssyncset.done $0x0  }
0x1ee: {  	s18 =	sadd.s32 $0x180, s17;
	[sflag:s6] =	ssyncadd.s32 $0xFFFFE000  }
0x1ef: {  	[tilespmem:s7], [sflag:$0x4] =	stream.indirect.gather [hbm4b:s2+s29], $0x80, s18, s29, $0xb8;
	[tilespmem:$0x1E800] =	vst v63  }
0x1f0: {  	s18 =	sadd.s32 $0x1400, s17  }
0x1f1: {  	[spmem:s3] =	stream.indirect.scatter.add.f32 [tilespmem:s25], [sflag:$0x5], $0x80, s18, s29, $0xb8;
	[tilespmem:$0x1E800] =	vst v63  }
0x1f2: {  	_ =	swait.ge [sflag:s26], $0x2000  }
0x1f3: {  	[sflag:s26] =	ssyncset.done $0x0  }
0x1f4: {  	[sflag:s26] =	ssyncadd.s32 $0xFFFFE000  }
0x1f5: {  	_ =	swait.ge [sflag:s8], $0x2000  }
0x1f6: {  	[sflag:s8] =	ssyncset.done $0x0  }
0x1f7: {  	s18 =	sadd.s32 $0x200, s17;
	[sflag:s8] =	ssyncadd.s32 $0xFFFFE000  }
0x1f8: {  	[tilespmem:s25], [sflag:$0x1] =	stream.indirect.gather [hbm4b:s2+s29], $0x80, s18, s29, $0xb8;
	[tilespmem:$0x1E800] =	vst v63  }
0x1f9: {  	s18 =	sadd.s32 $0x1480, s17  }
0x1fa: {  	[spmem:s3] =	stream.indirect.scatter.add.f32 [tilespmem:s31], [sflag:$0x5], $0x80, s18, s29, $0xb8;
	[tilespmem:$0x1E800] =	vst v63  }
0x1fb: {  	_ =	swait.ge [sflag:s26], $0x2000  }
0x1fc: {  	[sflag:s26] =	ssyncset.done $0x0  }
0x1fd: {  	[sflag:s26] =	ssyncadd.s32 $0xFFFFE000  }
0x1fe: {  	_ =	swait.ge [sflag:s9], $0x2000  }
0x1ff: {  	[sflag:s9] =	ssyncset.done $0x0  }
0x200: {  	s18 =	sadd.s32 $0x280, s17;
	[sflag:s9] =	ssyncadd.s32 $0xFFFFE000  }
0x201: {  	[tilespmem:s31], [sflag:$0x2] =	stream.indirect.gather [hbm4b:s2+s29], $0x80, s18, s29, $0xb8;
	[tilespmem:$0x1E800] =	vst v63  }
0x202: {  	s18 =	sadd.s32 $0x1500, s17  }
0x203: {  	[spmem:s3] =	stream.indirect.scatter.add.f32 [tilespmem:s1], [sflag:$0x5], $0x80, s18, s29, $0xb8;
	[tilespmem:$0x1E800] =	vst v63  }
0x204: {  	_ =	swait.ge [sflag:s26], $0x2000  }
0x205: {  	[sflag:s26] =	ssyncset.done $0x0  }
0x206: {  	[sflag:s26] =	ssyncadd.s32 $0xFFFFE000  }
0x207: {  	_ =	swait.ge [sflag:s10], $0x2000  }
0x208: {  	[sflag:s10] =	ssyncset.done $0x0  }
0x209: {  	s18 =	sadd.s32 $0x300, s17;
	[sflag:s10] =	ssyncadd.s32 $0xFFFFE000  }
0x20a: {  	[tilespmem:s1], [sflag:$0x3] =	stream.indirect.gather [hbm4b:s2+s29], $0x80, s18, s29, $0xb8;
	[tilespmem:$0x1E800] =	vst v63  }
.Ltmp4:
0x20b: {  	_ = 	snop;
	(pc) =	sbr.rel @p0 .LBB2_10-.Ltmp4, $4  }
0x20c: {  	s17 =	sadd.s32 $0x1580, s17  }
0x20d: {  	[spmem:s3] =	stream.indirect.scatter.add.f32 [tilespmem:s7], [sflag:$0x5], $0x80, s17, s29, $0xb8;
	[tilespmem:$0x1E800] =	vst v63  }
0x20e: {  	_ =	swait.ge [sflag:s26], $0x2000  }
0x20f: {  	[sflag:s26] =	ssyncset.done $0x0  }
0x210: {  	[sflag:s26] =	ssyncadd.s32 $0xFFFFE000  }
0x211: {  	_ =	swait.ge [sflag:s6], $0x2000  }
0x212: {  	[sflag:s6] =	ssyncset.done $0x0  }
0x213: {  	[sflag:s6] =	ssyncadd.s32 $0xFFFFE000  }
0x214: {  	[tilespmem:s7], [sflag:$0x4] =	stream.indirect.gather [hbm4b:s2+s29], $0x80, s11, s29, $0xb8;
	[tilespmem:$0x1E800] =	vst v63  }
0x215: {  	_ = 	snop  }
0x216: {  	[spmem:s3] =	stream.indirect.scatter.add.f32 [tilespmem:s25], [sflag:$0x5], $0x80, s12, s29, $0xb8;
	[tilespmem:$0x1E800] =	vst v63  }
0x217: {  	_ =	swait.ge [sflag:s26], $0x2000  }
0x218: {  	[sflag:s26] =	ssyncset.done $0x0  }
0x219: {  	[sflag:s26] =	ssyncadd.s32 $0xFFFFE000  }
0x21a: {  	_ =	swait.ge [sflag:s8], $0x2000  }
0x21b: {  	[sflag:s8] =	ssyncset.done $0x0  }
0x21c: {  	[sflag:s8] =	ssyncadd.s32 $0xFFFFE000  }
0x21d: {  	[spmem:s3] =	stream.indirect.scatter.add.f32 [tilespmem:s31], [sflag:$0x5], $0x80, s13, s29, $0xb8;
	[tilespmem:$0x1E800] =	vst v63  }
0x21e: {  	_ =	swait.ge [sflag:s26], $0x2000  }
0x21f: {  	[sflag:s26] =	ssyncset.done $0x0  }
0x220: {  	[sflag:s26] =	ssyncadd.s32 $0xFFFFE000  }
0x221: {  	_ =	swait.ge [sflag:s9], $0x2000  }
0x222: {  	[sflag:s9] =	ssyncset.done $0x0  }
0x223: {  	[sflag:s9] =	ssyncadd.s32 $0xFFFFE000  }
0x224: {  	[spmem:s3] =	stream.indirect.scatter.add.f32 [tilespmem:s1], [sflag:$0x5], $0x80, s14, s29, $0xb8;
	[tilespmem:$0x1E800] =	vst v63  }
0x225: {  	_ =	swait.ge [sflag:s26], $0x2000  }
0x226: {  	[sflag:s26] =	ssyncset.done $0x0  }
0x227: {  	[sflag:s26] =	ssyncadd.s32 $0xFFFFE000  }
0x228: {  	_ =	swait.ge [sflag:s10], $0x2000  }
0x229: {  	[sflag:s10] =	ssyncset.done $0x0  }
0x22a: {  	[sflag:s10] =	ssyncadd.s32 $0xFFFFE000  }
0x22b: {  	[spmem:s3] =	stream.indirect.scatter.add.f32 [tilespmem:s7], [sflag:$0x5], $0x80, s15, s29, $0xb8;
	[tilespmem:$0x1E800] =	vst v63  }
0x22c: {  	_ =	swait.ge [sflag:s26], $0x2000  }
0x22d: {  	[sflag:s26] =	ssyncset.done $0x0  }
0x22e: {  	s16 =	stileid.u32;
	[sflag:s26] =	ssyncadd.s32 $0xFFFFE000  }
0x22f: {  	s16 =	sshll.u32 s16, $0x6;
	[bflag:$0x0] =	sbarrier.arrive $0xFFFF  }
0x230: {  	s17 =	sshrl.u32 s5, $0x3;
	s16 =	sor.u32 $0x1C05, s16;
	s18 =	rddreg [dreg:$0xd]  }
0x231: {  	[hbm:s18], [sflag:s16] =	dma.local [spmem:s17], $0x2800  }
0x232: {  	_ =	swait.ge [sflag:s26], $0x2800  }
0x233: {  	s4 =	sadd.s32 $0x1, s4;
	s18 =	rddreg [dreg:$0xe]  }
0x234: {  	p0 =	sne.s32 s4, s18  }
.Ltmp5:
0x235: {  	_ = 	snop;
	(pc) =	sbr.rel @p0 .LBB2_1-.Ltmp5, $3  }
0x236: {  	_ =	sdelay $0x1  }
0x237: {  	[sflag:s26] =	ssyncset.done $0x0  }
0x238: {  	[sflag:s26] =	ssyncadd.s32 $0xFFFFD800  }
0x239: {  	_ =	sfence.sel $0x180000  }
0x23a: {  	[bflag:$0x0] =	sbarrier.arrive $0xFFFF  }
0x23b: {  	_ =	strace $0x90000047  }
0x23c: {  	s0 =	stileid.u32;
	[bflag:$0x2] =	sbarrier.arrive $0xFFFF  }
0x23d: {  	p0 =	sne.s32 s0, $0x0;
	s0 =	rddreg [dreg:$0x4]  }
0x23e: {  	s0 =	sadd.s32 @!p0 $0x100000, s0  }
0x23f: {  	[sflag:s0] =	ssyncadd.tile.s32 @!p0 $0x1;
	_ =	shalt  }
.Lfunc_end2:
_tile_overlayer_lowered:
.L_overlay_start_2:
0x240: {  	(tag) =	ssettag $0x2  }
0x241: {  	s0 =	rddreg [dreg:$0x0];
	s2 =	stileid.u32  }
0x242: {  	s1 =	rddreg [dreg:$0x1];
	p0 =	sne.s32 s2, $0x0  }
0x243: {  	s3 =	rddreg [dreg:$0x2];
	[bflag:$0x3] =	sbarrier.arrive $0xFFFF;
	s2 =	simm.s32 @!p0 $0x1C05  }
0x244: {  	[timem:s3], [sflag:s2] =	dma.local @!p0 [hbm:s0], s1  }
0x245: {  	s0 =	simm.s32 @!p0 $0x5  }
0x246: {  	_ =	swait.ge @!p0 [sflag:s0], s1  }
0x247: {  	s1 =	ssub.s32 @!p0 $0x0, s1;
	[sflag:s0] =	ssyncset.done @!p0 $0x0  }
0x248: {  	[sflag:s0] =	ssyncadd.s32 @!p0 s1  }
0x249: {  	[bflag:$0x3] =	sbarrier.arrive $0xFFFF  }
0x24a: {  	_ =	shalt  }

</sc_bundles>
